<compile_context>
chip_gen: v7x
topology: tpu7x:2x2x1
jax: 0.10.2.dev20260603
libtpu: 0.0.44.dev20260713+nightly
codegen_flags: <defaults>
</compile_context>

<pallas_src>
import functools

import jax
import jax.numpy as jnp
from jax import lax
from jax.experimental import pallas as pl
from jax.experimental.pallas import tpu as pltpu
from jax.experimental.pallas import tpu_sc as plsc

OUTPUT_DIM = 32
NUM_FIELDS = 6
FIELD_SIZE = 100
BATCH = 16384
VOCAB = NUM_FIELDS * FIELD_SIZE

NC, NS, L = 2, 16, 16
NW = NC * NS
B_PER_W = BATCH // NW
BLK = 128
NBLK = B_PER_W // BLK
GROUPS = BLK // L

_mesh = plsc.VectorSubcoreMesh(
    core_axis_name="c", subcore_axis_name="s", num_cores=NC, num_subcores=NS
)


@functools.partial(
    pl.kernel,
    out_type=jax.ShapeDtypeStruct((BATCH, NUM_FIELDS * OUTPUT_DIM), jnp.float32),
    mesh=_mesh,
    scratch_types=[
        pltpu.VMEM_SHARED((VOCAB, 128), jnp.float32),
        pltpu.VMEM((BLK, NUM_FIELDS), jnp.int32),
        pltpu.VMEM((NUM_FIELDS * BLK,), jnp.int32),
        pltpu.VMEM((BLK, 128), jnp.float32),
        pltpu.VMEM((BLK, 128), jnp.float32),
        pltpu.VMEM((BLK, NUM_FIELDS * OUTPUT_DIM), jnp.float32),
        pltpu.VMEM((BLK, NUM_FIELDS * OUTPUT_DIM), jnp.float32),
        pltpu.SemaphoreType.DMA,
        pltpu.SemaphoreType.DMA,
    ],
    compiler_params=pltpu.CompilerParams(
        use_tc_tiling_on_sc=True, needs_layout_passes=False
    ),
)
def _embed_gather(
    feat_hbm, table_hbm, out_hbm, tab_sh, fv, idx_v, rbuf0, rbuf1, img0, img1,
    sem, semt
):
    wid = lax.axis_index("s") * NC + lax.axis_index("c")
    sid = lax.axis_index("s")
    b0 = wid * B_PER_W

    @pl.when(sid == 0)
    def _():
        pltpu.sync_copy(table_hbm, tab_sh)

    plsc.subcore_barrier()

    lane = lax.iota(jnp.int32, L)

    def assemble(f, buf, img):
        def row(j, _):
            for h in range(OUTPUT_DIM // L):
                img[j, pl.ds(f * OUTPUT_DIM + h * L, L)] = buf[j, pl.ds(h * L, L)]
            return 0

        lax.fori_loop(0, BLK, row, 0)

    imgs = [img0, img1]
    wcopies = [None, None]
    for blk in range(NBLK):
        img = imgs[blk % 2]
        if wcopies[blk % 2] is not None:
            wcopies[blk % 2].wait()
        pltpu.sync_copy(feat_hbm.at[pl.ds(b0 + blk * BLK, BLK)], fv)

        def group(g, _):
            rows = lane + g * L
            for f in range(NUM_FIELDS):
                fcol = jnp.full((L,), f, jnp.int32)
                tr = plsc.load_gather(fv, [rows, fcol]) + f * FIELD_SIZE
                plsc.store_scatter(idx_v, [rows + f * BLK], tr)
            return 0

        lax.fori_loop(0, GROUPS, group, 0)

        bufs = [rbuf0, rbuf1]
        copies = [None, None]
        for f in range(NUM_FIELDS):
            copies[f % 2] = pltpu.async_copy(
                tab_sh.at[idx_v.at[pl.ds(f * BLK, BLK)]],
                bufs[f % 2],
                sem,
            )
            if f > 0:
                copies[(f - 1) % 2].wait()
                assemble(f - 1, bufs[(f - 1) % 2], img)
        copies[(NUM_FIELDS - 1) % 2].wait()
        assemble(NUM_FIELDS - 1, bufs[(NUM_FIELDS - 1) % 2], img)

        wcopies[blk % 2] = pltpu.async_copy(
            img, out_hbm.at[pl.ds(b0 + blk * BLK, BLK)], semt
        )
    for wc in wcopies:
        if wc is not None:
            wc.wait()


def kernel(input_features, table):
    table_pad = jnp.pad(table, ((0, 0), (0, 128 - OUTPUT_DIM)))
    return _embed_gather(input_features.astype(jnp.int32), table_pad)

# --- scband reference (transcript-rebuilt; emitter-appended) ---
"""Pipeline reference for scband-custom-embedding-layer-74835510166105 (READ-ONLY COPY).

The authoritative reference and input builder live on the scoring server;
editing this copy changes nothing except your own understanding.
"""

import jax, jax.numpy as jnp
import numpy as np

OUTPUT_DIM = 32
NUM_FIELDS = 6
FIELD_SIZE = 100
BATCH = 16384
EXPECTED = [np.arange(FIELD_SIZE, dtype=np.int32) for _ in range(NUM_FIELDS)]
OFFSETS = [i * FIELD_SIZE for i in range(NUM_FIELDS)]
TOTAL_VOCAB = NUM_FIELDS * FIELD_SIZE


def setup_inputs(seed: int = 0) -> dict:
    key = jax.random.key(seed)
    k1, k2 = jax.random.split(key)
    input_features = jax.random.randint(k1, (BATCH, NUM_FIELDS), 0, FIELD_SIZE)
    # learned embedding table: keras Embedding default is uniform(-0.05, 0.05)
    table = jax.random.uniform(k2, (TOTAL_VOCAB, OUTPUT_DIM), dtype=jnp.float32, minval=-0.05, maxval=0.05)
    return {"input_features": input_features, "table": table}


def reference(input_features, table):
    # Faithful translation of CustomEmbeddingLayer.call:
    # per-field value -> position in expected_inputs[i] + offset, then embed + flatten.
    indices = []
    for i in range(NUM_FIELDS):
        var = input_features[:, i]
        mask = var[:, None] == jnp.asarray(EXPECTED[i])  # [B, field_size]
        # tf.where(...)[:, 1] returns the matching column index (exactly one match per row)
        idx = jnp.argmax(mask, axis=1) + OFFSETS[i]
        indices.append(idx)
    embed_input = jnp.stack(indices, axis=-1)              # [B, NUM_FIELDS]
    embed_output = jnp.take(table, embed_input, axis=0)   # [B, NUM_FIELDS, OUTPUT_DIM]
    return embed_output.reshape(embed_output.shape[0], -1)  # Flatten -> [B, NUM_FIELDS*OUTPUT_DIM]

if __name__ == "__main__":
    import jax
    _d = setup_inputs()
    print(jax.jit(kernel)(*tuple(_d.values())))

</pallas_src>

<mosaic_0001>
#map = affine_map<(d0, d1) -> (0, 0)>
module attributes {stable_mosaic.version = 14 : i64} {
  func.func @_embed_gather(%arg0: i32, %arg1: i32, %arg2: memref<16384x6xi32, #tpu.memory_space<hbm>>, %arg3: memref<600x128xf32, #tpu.memory_space<hbm>>, %arg4: memref<16384x192xf32, #tpu.memory_space<hbm>>, %arg5: memref<600x128xf32, #tpu.memory_space<vmem_shared>>, %arg6: memref<128x6xi32, #tpu.memory_space<vmem>>, %arg7: memref<768xi32, #tpu.memory_space<vmem>>, %arg8: memref<128x128xf32, #tpu.memory_space<vmem>>, %arg9: memref<128x128xf32, #tpu.memory_space<vmem>>, %arg10: memref<128x192xf32, #tpu.memory_space<vmem>>, %arg11: memref<128x192xf32, #tpu.memory_space<vmem>>, %arg12: memref<!tpu.dma_semaphore, #tpu.memory_space<semaphore_mem>>, %arg13: memref<!tpu.dma_semaphore, #tpu.memory_space<semaphore_mem>>) attributes {dimension_semantics = [#tpu.dimension_semantics<core_parallel>, #tpu.dimension_semantics<subcore_parallel>], iteration_bounds = array<i64: 2, 16>, scalar_prefetch = 0 : i64, scratch_operands = 9 : i64, tpu.core_type = #tpu.core_type<sc_vector_subcore>, window_params = [{transform_indices = #map}, {transform_indices = #map}, {transform_indices = #map}]} {
    %mul3A = arith.constant 2 : i32
    %mul3A_0 = arith.muli %arg1, %mul3A : i32
    %add3A = arith.addi %mul3A_0, %arg0 : i32
    %mul3A_1 = arith.constant 512 : i32
    %mul3A_2 = arith.muli %add3A, %mul3A_1 : i32
    %eq3A = arith.constant 0 : i32
    %eq3A_3 = arith.cmpi eq, %arg1, %eq3A : i32
    %convert_element_type3A = arith.extui %eq3A_3 : i1 to i32
    %cond3A = arith.constant 0 : i32
    %cond3A_4 = arith.cmpi ne, %convert_element_type3A, %cond3A : i32
    scf.if %cond3A_4 {
      "tpu.region"() ({
        %run_scoped3A = tpu.sem_alloc : memref<!tpu.dma_semaphore, #tpu.memory_space<semaphore_mem>>
        tpu.enqueue_dma source(%arg3 : memref<600x128xf32, #tpu.memory_space<hbm>>) target(%arg5 : memref<600x128xf32, #tpu.memory_space<vmem_shared>>) target_semaphore(%run_scoped3A : memref<!tpu.dma_semaphore, #tpu.memory_space<semaphore_mem>>)
        tpu.wait_dma2 semaphore(%run_scoped3A : memref<!tpu.dma_semaphore, #tpu.memory_space<semaphore_mem>>) src(%arg3 : memref<600x128xf32, #tpu.memory_space<hbm>>) dst(%arg5 : memref<600x128xf32, #tpu.memory_space<vmem_shared>>)
        tpu.yield
      }) : () -> ()
    } else {
    }
    %barrier3A = arith.constant 0 : index
    tpu.barrier barrier_id(%barrier3A)
    %iota3A = tpu.iota {dimensions = array<i32: 0>} : vector<16xi32>
    %add3A_5 = arith.constant 0 : i32
    %add3A_6 = arith.addi %mul3A_2, %add3A_5 : i32
    "tpu.region"() ({
      %run_scoped3A = tpu.sem_alloc : memref<!tpu.dma_semaphore, #tpu.memory_space<semaphore_mem>>
      %dma_start3A_486 = arith.constant 0 : i32
      %dma_start3A_487 = tpu.memref_slice %arg2[%add3A_6, %dma_start3A_486] : memref<16384x6xi32, #tpu.memory_space<hbm>> -> memref<128x6xi32, #tpu.memory_space<hbm>>
      %dma_start3A_488 = arith.constant 0 : i32
      %dma_start3A_489 = tpu.memref_slice %arg2[%add3A_6, %dma_start3A_488] : memref<16384x6xi32, #tpu.memory_space<hbm>> -> memref<128x6xi32, #tpu.memory_space<hbm>>
      tpu.enqueue_dma source(%dma_start3A_489 : memref<128x6xi32, #tpu.memory_space<hbm>>) target(%arg6 : memref<128x6xi32, #tpu.memory_space<vmem>>) target_semaphore(%run_scoped3A : memref<!tpu.dma_semaphore, #tpu.memory_space<semaphore_mem>>)
      %dma_wait3A_490 = arith.constant 0 : i32
      %dma_wait3A_491 = tpu.memref_slice %arg2[%add3A_6, %dma_wait3A_490] : memref<16384x6xi32, #tpu.memory_space<hbm>> -> memref<128x6xi32, #tpu.memory_space<hbm>>
      %dma_wait3A_492 = arith.constant 0 : i32
      %dma_wait3A_493 = tpu.memref_slice %arg2[%add3A_6, %dma_wait3A_492] : memref<16384x6xi32, #tpu.memory_space<hbm>> -> memref<128x6xi32, #tpu.memory_space<hbm>>
      tpu.wait_dma2 semaphore(%run_scoped3A : memref<!tpu.dma_semaphore, #tpu.memory_space<semaphore_mem>>) src(%dma_wait3A_493 : memref<128x6xi32, #tpu.memory_space<hbm>>) dst(%arg6 : memref<128x6xi32, #tpu.memory_space<vmem>>)
      tpu.yield
    }) : () -> ()
    %scan3A = arith.constant 0 : i32
    %scan3A_7 = arith.constant 0 : i32
    %scan3A_8 = arith.constant 8 : i32
    %scan3A_9 = arith.addi %scan3A_7, %scan3A_8 : i32
    %scan3A_10 = arith.constant 1 : i32
    %scan3A_11 = scf.for %scan3A_486 = %scan3A_7 to %scan3A_9 step %scan3A_10 iter_args(%scan3A_487 = %scan3A) -> (i32)  : i32 {
      %mul3A_488 = arith.constant 16 : i32
      %mul3A_489 = arith.muli %scan3A_486, %mul3A_488 : i32
      %add3A_490 = vector.broadcast %mul3A_489 : i32 to vector<16xi32>
      %add3A_491 = arith.addi %iota3A, %add3A_490 : vector<16xi32>
      %broadcast_in_dim3A = arith.constant 0 : i32
      %broadcast_in_dim3A_492 = vector.broadcast %broadcast_in_dim3A : i32 to vector<16xi32>
      %gather3A = tpu.vector_load_idx %arg6[%add3A_491, %broadcast_in_dim3A_492] : memref<128x6xi32, #tpu.memory_space<vmem>>[vector<16xi32>, vector<16xi32>], vector<16xi32>,
      %add3A_493 = arith.constant 0 : i32
      %add3A_494 = vector.broadcast %add3A_493 : i32 to vector<16xi32>
      %add3A_495 = arith.addi %gather3A, %add3A_494 : vector<16xi32>
      %add3A_496 = arith.constant 0 : i32
      %add3A_497 = vector.broadcast %add3A_496 : i32 to vector<16xi32>
      %add3A_498 = arith.addi %add3A_491, %add3A_497 : vector<16xi32>
      tpu.vector_store_idx %arg7[%add3A_498], %add3A_495 : memref<768xi32, #tpu.memory_space<vmem>>[vector<16xi32>], vector<16xi32>,
      %broadcast_in_dim3A_499 = arith.constant 1 : i32
      %broadcast_in_dim3A_500 = vector.broadcast %broadcast_in_dim3A_499 : i32 to vector<16xi32>
      %gather3A_501 = tpu.vector_load_idx %arg6[%add3A_491, %broadcast_in_dim3A_500] : memref<128x6xi32, #tpu.memory_space<vmem>>[vector<16xi32>, vector<16xi32>], vector<16xi32>,
      %add3A_502 = arith.constant 100 : i32
      %add3A_503 = vector.broadcast %add3A_502 : i32 to vector<16xi32>
      %add3A_504 = arith.addi %gather3A_501, %add3A_503 : vector<16xi32>
      %add3A_505 = arith.constant 128 : i32
      %add3A_506 = vector.broadcast %add3A_505 : i32 to vector<16xi32>
      %add3A_507 = arith.addi %add3A_491, %add3A_506 : vector<16xi32>
      tpu.vector_store_idx %arg7[%add3A_507], %add3A_504 : memref<768xi32, #tpu.memory_space<vmem>>[vector<16xi32>], vector<16xi32>,
      %broadcast_in_dim3A_508 = arith.constant 2 : i32
      %broadcast_in_dim3A_509 = vector.broadcast %broadcast_in_dim3A_508 : i32 to vector<16xi32>
      %gather3A_510 = tpu.vector_load_idx %arg6[%add3A_491, %broadcast_in_dim3A_509] : memref<128x6xi32, #tpu.memory_space<vmem>>[vector<16xi32>, vector<16xi32>], vector<16xi32>,
      %add3A_511 = arith.constant 200 : i32
      %add3A_512 = vector.broadcast %add3A_511 : i32 to vector<16xi32>
      %add3A_513 = arith.addi %gather3A_510, %add3A_512 : vector<16xi32>
      %add3A_514 = arith.constant 256 : i32
      %add3A_515 = vector.broadcast %add3A_514 : i32 to vector<16xi32>
      %add3A_516 = arith.addi %add3A_491, %add3A_515 : vector<16xi32>
      tpu.vector_store_idx %arg7[%add3A_516], %add3A_513 : memref<768xi32, #tpu.memory_space<vmem>>[vector<16xi32>], vector<16xi32>,
      %broadcast_in_dim3A_517 = arith.constant 3 : i32
      %broadcast_in_dim3A_518 = vector.broadcast %broadcast_in_dim3A_517 : i32 to vector<16xi32>
      %gather3A_519 = tpu.vector_load_idx %arg6[%add3A_491, %broadcast_in_dim3A_518] : memref<128x6xi32, #tpu.memory_space<vmem>>[vector<16xi32>, vector<16xi32>], vector<16xi32>,
      %add3A_520 = arith.constant 300 : i32
      %add3A_521 = vector.broadcast %add3A_520 : i32 to vector<16xi32>
      %add3A_522 = arith.addi %gather3A_519, %add3A_521 : vector<16xi32>
      %add3A_523 = arith.constant 384 : i32
      %add3A_524 = vector.broadcast %add3A_523 : i32 to vector<16xi32>
      %add3A_525 = arith.addi %add3A_491, %add3A_524 : vector<16xi32>
      tpu.vector_store_idx %arg7[%add3A_525], %add3A_522 : memref<768xi32, #tpu.memory_space<vmem>>[vector<16xi32>], vector<16xi32>,
      %broadcast_in_dim3A_526 = arith.constant 4 : i32
      %broadcast_in_dim3A_527 = vector.broadcast %broadcast_in_dim3A_526 : i32 to vector<16xi32>
      %gather3A_528 = tpu.vector_load_idx %arg6[%add3A_491, %broadcast_in_dim3A_527] : memref<128x6xi32, #tpu.memory_space<vmem>>[vector<16xi32>, vector<16xi32>], vector<16xi32>,
      %add3A_529 = arith.constant 400 : i32
      %add3A_530 = vector.broadcast %add3A_529 : i32 to vector<16xi32>
      %add3A_531 = arith.addi %gather3A_528, %add3A_530 : vector<16xi32>
      %add3A_532 = arith.constant 512 : i32
      %add3A_533 = vector.broadcast %add3A_532 : i32 to vector<16xi32>
      %add3A_534 = arith.addi %add3A_491, %add3A_533 : vector<16xi32>
      tpu.vector_store_idx %arg7[%add3A_534], %add3A_531 : memref<768xi32, #tpu.memory_space<vmem>>[vector<16xi32>], vector<16xi32>,
      %broadcast_in_dim3A_535 = arith.constant 5 : i32
      %broadcast_in_dim3A_536 = vector.broadcast %broadcast_in_dim3A_535 : i32 to vector<16xi32>
      %gather3A_537 = tpu.vector_load_idx %arg6[%add3A_491, %broadcast_in_dim3A_536] : memref<128x6xi32, #tpu.memory_space<vmem>>[vector<16xi32>, vector<16xi32>], vector<16xi32>,
      %add3A_538 = arith.constant 500 : i32
      %add3A_539 = vector.broadcast %add3A_538 : i32 to vector<16xi32>
      %add3A_540 = arith.addi %gather3A_537, %add3A_539 : vector<16xi32>
      %add3A_541 = arith.constant 640 : i32
      %add3A_542 = vector.broadcast %add3A_541 : i32 to vector<16xi32>
      %add3A_543 = arith.addi %add3A_491, %add3A_542 : vector<16xi32>
      tpu.vector_store_idx %arg7[%add3A_543], %add3A_540 : memref<768xi32, #tpu.memory_space<vmem>>[vector<16xi32>], vector<16xi32>,
      %scan3A_544 = arith.constant 0 : i32
      scf.yield %scan3A_544 : i32
    }
    %scan3A_12 = arith.constant 8 : i32
    %dma_start3A = arith.constant 0 : i32
    %dma_start3A_13 = tpu.memref_slice %arg7[%dma_start3A] : memref<768xi32, #tpu.memory_space<vmem>> -> memref<128xi32, #tpu.memory_space<vmem>>
    %dma_start3A_14 = arith.constant 0 : i32
    %dma_start3A_15 = arith.constant 0 : i32
    %dma_start3A_16 = tpu.memref_slice %arg5[%dma_start3A_14, %dma_start3A_15] : memref<600x128xf32, #tpu.memory_space<vmem_shared>> -> memref<600x128xf32, #tpu.memory_space<vmem_shared>>
    tpu.enqueue_indirect_dma source(%dma_start3A_16 : memref<600x128xf32, #tpu.memory_space<vmem_shared>>) target(%arg8 : memref<128x128xf32, #tpu.memory_space<vmem>>) offsets(%dma_start3A_13 : memref<128xi32, #tpu.memory_space<vmem>>) semaphore(%arg12 : memref<!tpu.dma_semaphore, #tpu.memory_space<semaphore_mem>>)
    %dma_start3A_17 = arith.constant 128 : i32
    %dma_start3A_18 = tpu.memref_slice %arg7[%dma_start3A_17] : memref<768xi32, #tpu.memory_space<vmem>> -> memref<128xi32, #tpu.memory_space<vmem>>
    %dma_start3A_19 = arith.constant 0 : i32
    %dma_start3A_20 = arith.constant 0 : i32
    %dma_start3A_21 = tpu.memref_slice %arg5[%dma_start3A_19, %dma_start3A_20] : memref<600x128xf32, #tpu.memory_space<vmem_shared>> -> memref<600x128xf32, #tpu.memory_space<vmem_shared>>
    tpu.enqueue_indirect_dma source(%dma_start3A_21 : memref<600x128xf32, #tpu.memory_space<vmem_shared>>) target(%arg9 : memref<128x128xf32, #tpu.memory_space<vmem>>) offsets(%dma_start3A_18 : memref<128xi32, #tpu.memory_space<vmem>>) semaphore(%arg12 : memref<!tpu.dma_semaphore, #tpu.memory_space<semaphore_mem>>)
    %dma_wait3A = arith.constant 0 : i32
    %dma_wait3A_22 = tpu.memref_slice %arg7[%dma_wait3A] : memref<768xi32, #tpu.memory_space<vmem>> -> memref<128xi32, #tpu.memory_space<vmem>>
    %dma_wait3A_23 = arith.constant 0 : i32
    %dma_wait3A_24 = arith.constant 0 : i32
    %dma_wait3A_25 = tpu.memref_slice %arg5[%dma_wait3A_23, %dma_wait3A_24] : memref<600x128xf32, #tpu.memory_space<vmem_shared>> -> memref<600x128xf32, #tpu.memory_space<vmem_shared>>
    tpu.wait_indirect_dma semaphore(%arg12 : memref<!tpu.dma_semaphore, #tpu.memory_space<semaphore_mem>>) src(%dma_wait3A_25 : memref<600x128xf32, #tpu.memory_space<vmem_shared>>) dst(%arg8 : memref<128x128xf32, #tpu.memory_space<vmem>>)
    %scan3A_26 = arith.constant 0 : i32
    %scan3A_27 = arith.constant 0 : i32
    %scan3A_28 = arith.constant 128 : i32
    %scan3A_29 = arith.addi %scan3A_27, %scan3A_28 : i32
    %scan3A_30 = arith.constant 1 : i32
    %scan3A_31 = scf.for %scan3A_486 = %scan3A_27 to %scan3A_29 step %scan3A_30 iter_args(%scan3A_487 = %scan3A_26) -> (i32)  : i32 {
      %get3A = arith.index_cast %scan3A_486 : i32 to index
      %get3A_488 = arith.constant 0 : index
      %get3A_489 = tpu.vector_load %arg8[%get3A, %get3A_488] {strides = array<i32>} : memref<128x128xf32, #tpu.memory_space<vmem>>, vector<16xf32>,
      %swap3A = arith.index_cast %scan3A_486 : i32 to index
      %swap3A_490 = arith.constant 0 : index
      %swap3A_491 = tpu.vector_load %arg10[%swap3A, %swap3A_490] {strides = array<i32>} : memref<128x192xf32, #tpu.memory_space<vmem>>, vector<16xf32>,
      tpu.vector_store %arg10[%swap3A, %swap3A_490], %get3A_489 {strides = array<i32>} : memref<128x192xf32, #tpu.memory_space<vmem>>, vector<16xf32>,
      %get3A_492 = arith.index_cast %scan3A_486 : i32 to index
      %get3A_493 = arith.constant 16 : index
      %get3A_494 = tpu.vector_load %arg8[%get3A_492, %get3A_493] {strides = array<i32>} : memref<128x128xf32, #tpu.memory_space<vmem>>, vector<16xf32>,
      %swap3A_495 = arith.index_cast %scan3A_486 : i32 to index
      %swap3A_496 = arith.constant 16 : index
      %swap3A_497 = tpu.vector_load %arg10[%swap3A_495, %swap3A_496] {strides = array<i32>} : memref<128x192xf32, #tpu.memory_space<vmem>>, vector<16xf32>,
      tpu.vector_store %arg10[%swap3A_495, %swap3A_496], %get3A_494 {strides = array<i32>} : memref<128x192xf32, #tpu.memory_space<vmem>>, vector<16xf32>,
      %scan3A_498 = arith.constant 0 : i32
      scf.yield %scan3A_498 : i32
    }
    %scan3A_32 = arith.constant 128 : i32
    %dma_start3A_33 = arith.constant 256 : i32
    %dma_start3A_34 = tpu.memref_slice %arg7[%dma_start3A_33] : memref<768xi32, #tpu.memory_space<vmem>> -> memref<128xi32, #tpu.memory_space<vmem>>
    %dma_start3A_35 = arith.constant 0 : i32
    %dma_start3A_36 = arith.constant 0 : i32
    %dma_start3A_37 = tpu.memref_slice %arg5[%dma_start3A_35, %dma_start3A_36] : memref<600x128xf32, #tpu.memory_space<vmem_shared>> -> memref<600x128xf32, #tpu.memory_space<vmem_shared>>
    tpu.enqueue_indirect_dma source(%dma_start3A_37 : memref<600x128xf32, #tpu.memory_space<vmem_shared>>) target(%arg8 : memref<128x128xf32, #tpu.memory_space<vmem>>) offsets(%dma_start3A_34 : memref<128xi32, #tpu.memory_space<vmem>>) semaphore(%arg12 : memref<!tpu.dma_semaphore, #tpu.memory_space<semaphore_mem>>)
    %dma_wait3A_38 = arith.constant 128 : i32
    %dma_wait3A_39 = tpu.memref_slice %arg7[%dma_wait3A_38] : memref<768xi32, #tpu.memory_space<vmem>> -> memref<128xi32, #tpu.memory_space<vmem>>
    %dma_wait3A_40 = arith.constant 0 : i32
    %dma_wait3A_41 = arith.constant 0 : i32
    %dma_wait3A_42 = tpu.memref_slice %arg5[%dma_wait3A_40, %dma_wait3A_41] : memref<600x128xf32, #tpu.memory_space<vmem_shared>> -> memref<600x128xf32, #tpu.memory_space<vmem_shared>>
    tpu.wait_indirect_dma semaphore(%arg12 : memref<!tpu.dma_semaphore, #tpu.memory_space<semaphore_mem>>) src(%dma_wait3A_42 : memref<600x128xf32, #tpu.memory_space<vmem_shared>>) dst(%arg9 : memref<128x128xf32, #tpu.memory_space<vmem>>)
    %scan3A_43 = arith.constant 0 : i32
    %scan3A_44 = arith.constant 0 : i32
    %scan3A_45 = arith.constant 128 : i32
    %scan3A_46 = arith.addi %scan3A_44, %scan3A_45 : i32
    %scan3A_47 = arith.constant 1 : i32
    %scan3A_48 = scf.for %scan3A_486 = %scan3A_44 to %scan3A_46 step %scan3A_47 iter_args(%scan3A_487 = %scan3A_43) -> (i32)  : i32 {
      %get3A = arith.index_cast %scan3A_486 : i32 to index
      %get3A_488 = arith.constant 0 : index
      %get3A_489 = tpu.vector_load %arg9[%get3A, %get3A_488] {strides = array<i32>} : memref<128x128xf32, #tpu.memory_space<vmem>>, vector<16xf32>,
      %swap3A = arith.index_cast %scan3A_486 : i32 to index
      %swap3A_490 = arith.constant 32 : index
      %swap3A_491 = tpu.vector_load %arg10[%swap3A, %swap3A_490] {strides = array<i32>} : memref<128x192xf32, #tpu.memory_space<vmem>>, vector<16xf32>,
      tpu.vector_store %arg10[%swap3A, %swap3A_490], %get3A_489 {strides = array<i32>} : memref<128x192xf32, #tpu.memory_space<vmem>>, vector<16xf32>,
      %get3A_492 = arith.index_cast %scan3A_486 : i32 to index
      %get3A_493 = arith.constant 16 : index
      %get3A_494 = tpu.vector_load %arg9[%get3A_492, %get3A_493] {strides = array<i32>} : memref<128x128xf32, #tpu.memory_space<vmem>>, vector<16xf32>,
      %swap3A_495 = arith.index_cast %scan3A_486 : i32 to index
      %swap3A_496 = arith.constant 48 : index
      %swap3A_497 = tpu.vector_load %arg10[%swap3A_495, %swap3A_496] {strides = array<i32>} : memref<128x192xf32, #tpu.memory_space<vmem>>, vector<16xf32>,
      tpu.vector_store %arg10[%swap3A_495, %swap3A_496], %get3A_494 {strides = array<i32>} : memref<128x192xf32, #tpu.memory_space<vmem>>, vector<16xf32>,
      %scan3A_498 = arith.constant 0 : i32
      scf.yield %scan3A_498 : i32
    }
    %scan3A_49 = arith.constant 128 : i32
    %dma_start3A_50 = arith.constant 384 : i32
    %dma_start3A_51 = tpu.memref_slice %arg7[%dma_start3A_50] : memref<768xi32, #tpu.memory_space<vmem>> -> memref<128xi32, #tpu.memory_space<vmem>>
    %dma_start3A_52 = arith.constant 0 : i32
    %dma_start3A_53 = arith.constant 0 : i32
    %dma_start3A_54 = tpu.memref_slice %arg5[%dma_start3A_52, %dma_start3A_53] : memref<600x128xf32, #tpu.memory_space<vmem_shared>> -> memref<600x128xf32, #tpu.memory_space<vmem_shared>>
    tpu.enqueue_indirect_dma source(%dma_start3A_54 : memref<600x128xf32, #tpu.memory_space<vmem_shared>>) target(%arg9 : memref<128x128xf32, #tpu.memory_space<vmem>>) offsets(%dma_start3A_51 : memref<128xi32, #tpu.memory_space<vmem>>) semaphore(%arg12 : memref<!tpu.dma_semaphore, #tpu.memory_space<semaphore_mem>>)
    %dma_wait3A_55 = arith.constant 256 : i32
    %dma_wait3A_56 = tpu.memref_slice %arg7[%dma_wait3A_55] : memref<768xi32, #tpu.memory_space<vmem>> -> memref<128xi32, #tpu.memory_space<vmem>>
    %dma_wait3A_57 = arith.constant 0 : i32
    %dma_wait3A_58 = arith.constant 0 : i32
    %dma_wait3A_59 = tpu.memref_slice %arg5[%dma_wait3A_57, %dma_wait3A_58] : memref<600x128xf32, #tpu.memory_space<vmem_shared>> -> memref<600x128xf32, #tpu.memory_space<vmem_shared>>
    tpu.wait_indirect_dma semaphore(%arg12 : memref<!tpu.dma_semaphore, #tpu.memory_space<semaphore_mem>>) src(%dma_wait3A_59 : memref<600x128xf32, #tpu.memory_space<vmem_shared>>) dst(%arg8 : memref<128x128xf32, #tpu.memory_space<vmem>>)
    %scan3A_60 = arith.constant 0 : i32
    %scan3A_61 = arith.constant 0 : i32
    %scan3A_62 = arith.constant 128 : i32
    %scan3A_63 = arith.addi %scan3A_61, %scan3A_62 : i32
    %scan3A_64 = arith.constant 1 : i32
    %scan3A_65 = scf.for %scan3A_486 = %scan3A_61 to %scan3A_63 step %scan3A_64 iter_args(%scan3A_487 = %scan3A_60) -> (i32)  : i32 {
      %get3A = arith.index_cast %scan3A_486 : i32 to index
      %get3A_488 = arith.constant 0 : index
      %get3A_489 = tpu.vector_load %arg8[%get3A, %get3A_488] {strides = array<i32>} : memref<128x128xf32, #tpu.memory_space<vmem>>, vector<16xf32>,
      %swap3A = arith.index_cast %scan3A_486 : i32 to index
      %swap3A_490 = arith.constant 64 : index
      %swap3A_491 = tpu.vector_load %arg10[%swap3A, %swap3A_490] {strides = array<i32>} : memref<128x192xf32, #tpu.memory_space<vmem>>, vector<16xf32>,
      tpu.vector_store %arg10[%swap3A, %swap3A_490], %get3A_489 {strides = array<i32>} : memref<128x192xf32, #tpu.memory_space<vmem>>, vector<16xf32>,
      %get3A_492 = arith.index_cast %scan3A_486 : i32 to index
      %get3A_493 = arith.constant 16 : index
      %get3A_494 = tpu.vector_load %arg8[%get3A_492, %get3A_493] {strides = array<i32>} : memref<128x128xf32, #tpu.memory_space<vmem>>, vector<16xf32>,
      %swap3A_495 = arith.index_cast %scan3A_486 : i32 to index
      %swap3A_496 = arith.constant 80 : index
      %swap3A_497 = tpu.vector_load %arg10[%swap3A_495, %swap3A_496] {strides = array<i32>} : memref<128x192xf32, #tpu.memory_space<vmem>>, vector<16xf32>,
      tpu.vector_store %arg10[%swap3A_495, %swap3A_496], %get3A_494 {strides = array<i32>} : memref<128x192xf32, #tpu.memory_space<vmem>>, vector<16xf32>,
      %scan3A_498 = arith.constant 0 : i32
      scf.yield %scan3A_498 : i32
    }
    %scan3A_66 = arith.constant 128 : i32
    %dma_start3A_67 = arith.constant 512 : i32
    %dma_start3A_68 = tpu.memref_slice %arg7[%dma_start3A_67] : memref<768xi32, #tpu.memory_space<vmem>> -> memref<128xi32, #tpu.memory_space<vmem>>
    %dma_start3A_69 = arith.constant 0 : i32
    %dma_start3A_70 = arith.constant 0 : i32
    %dma_start3A_71 = tpu.memref_slice %arg5[%dma_start3A_69, %dma_start3A_70] : memref<600x128xf32, #tpu.memory_space<vmem_shared>> -> memref<600x128xf32, #tpu.memory_space<vmem_shared>>
    tpu.enqueue_indirect_dma source(%dma_start3A_71 : memref<600x128xf32, #tpu.memory_space<vmem_shared>>) target(%arg8 : memref<128x128xf32, #tpu.memory_space<vmem>>) offsets(%dma_start3A_68 : memref<128xi32, #tpu.memory_space<vmem>>) semaphore(%arg12 : memref<!tpu.dma_semaphore, #tpu.memory_space<semaphore_mem>>)
    %dma_wait3A_72 = arith.constant 384 : i32
    %dma_wait3A_73 = tpu.memref_slice %arg7[%dma_wait3A_72] : memref<768xi32, #tpu.memory_space<vmem>> -> memref<128xi32, #tpu.memory_space<vmem>>
    %dma_wait3A_74 = arith.constant 0 : i32
    %dma_wait3A_75 = arith.constant 0 : i32
    %dma_wait3A_76 = tpu.memref_slice %arg5[%dma_wait3A_74, %dma_wait3A_75] : memref<600x128xf32, #tpu.memory_space<vmem_shared>> -> memref<600x128xf32, #tpu.memory_space<vmem_shared>>
    tpu.wait_indirect_dma semaphore(%arg12 : memref<!tpu.dma_semaphore, #tpu.memory_space<semaphore_mem>>) src(%dma_wait3A_76 : memref<600x128xf32, #tpu.memory_space<vmem_shared>>) dst(%arg9 : memref<128x128xf32, #tpu.memory_space<vmem>>)
    %scan3A_77 = arith.constant 0 : i32
    %scan3A_78 = arith.constant 0 : i32
    %scan3A_79 = arith.constant 128 : i32
    %scan3A_80 = arith.addi %scan3A_78, %scan3A_79 : i32
    %scan3A_81 = arith.constant 1 : i32
    %scan3A_82 = scf.for %scan3A_486 = %scan3A_78 to %scan3A_80 step %scan3A_81 iter_args(%scan3A_487 = %scan3A_77) -> (i32)  : i32 {
      %get3A = arith.index_cast %scan3A_486 : i32 to index
      %get3A_488 = arith.constant 0 : index
      %get3A_489 = tpu.vector_load %arg9[%get3A, %get3A_488] {strides = array<i32>} : memref<128x128xf32, #tpu.memory_space<vmem>>, vector<16xf32>,
      %swap3A = arith.index_cast %scan3A_486 : i32 to index
      %swap3A_490 = arith.constant 96 : index
      %swap3A_491 = tpu.vector_load %arg10[%swap3A, %swap3A_490] {strides = array<i32>} : memref<128x192xf32, #tpu.memory_space<vmem>>, vector<16xf32>,
      tpu.vector_store %arg10[%swap3A, %swap3A_490], %get3A_489 {strides = array<i32>} : memref<128x192xf32, #tpu.memory_space<vmem>>, vector<16xf32>,
      %get3A_492 = arith.index_cast %scan3A_486 : i32 to index
      %get3A_493 = arith.constant 16 : index
      %get3A_494 = tpu.vector_load %arg9[%get3A_492, %get3A_493] {strides = array<i32>} : memref<128x128xf32, #tpu.memory_space<vmem>>, vector<16xf32>,
      %swap3A_495 = arith.index_cast %scan3A_486 : i32 to index
      %swap3A_496 = arith.constant 112 : index
      %swap3A_497 = tpu.vector_load %arg10[%swap3A_495, %swap3A_496] {strides = array<i32>} : memref<128x192xf32, #tpu.memory_space<vmem>>, vector<16xf32>,
      tpu.vector_store %arg10[%swap3A_495, %swap3A_496], %get3A_494 {strides = array<i32>} : memref<128x192xf32, #tpu.memory_space<vmem>>, vector<16xf32>,
      %scan3A_498 = arith.constant 0 : i32
      scf.yield %scan3A_498 : i32
    }
    %scan3A_83 = arith.constant 128 : i32
    %dma_start3A_84 = arith.constant 640 : i32
    %dma_start3A_85 = tpu.memref_slice %arg7[%dma_start3A_84] : memref<768xi32, #tpu.memory_space<vmem>> -> memref<128xi32, #tpu.memory_space<vmem>>
    %dma_start3A_86 = arith.constant 0 : i32
    %dma_start3A_87 = arith.constant 0 : i32
    %dma_start3A_88 = tpu.memref_slice %arg5[%dma_start3A_86, %dma_start3A_87] : memref<600x128xf32, #tpu.memory_space<vmem_shared>> -> memref<600x128xf32, #tpu.memory_space<vmem_shared>>
    tpu.enqueue_indirect_dma source(%dma_start3A_88 : memref<600x128xf32, #tpu.memory_space<vmem_shared>>) target(%arg9 : memref<128x128xf32, #tpu.memory_space<vmem>>) offsets(%dma_start3A_85 : memref<128xi32, #tpu.memory_space<vmem>>) semaphore(%arg12 : memref<!tpu.dma_semaphore, #tpu.memory_space<semaphore_mem>>)
    %dma_wait3A_89 = arith.constant 512 : i32
    %dma_wait3A_90 = tpu.memref_slice %arg7[%dma_wait3A_89] : memref<768xi32, #tpu.memory_space<vmem>> -> memref<128xi32, #tpu.memory_space<vmem>>
    %dma_wait3A_91 = arith.constant 0 : i32
    %dma_wait3A_92 = arith.constant 0 : i32
    %dma_wait3A_93 = tpu.memref_slice %arg5[%dma_wait3A_91, %dma_wait3A_92] : memref<600x128xf32, #tpu.memory_space<vmem_shared>> -> memref<600x128xf32, #tpu.memory_space<vmem_shared>>
    tpu.wait_indirect_dma semaphore(%arg12 : memref<!tpu.dma_semaphore, #tpu.memory_space<semaphore_mem>>) src(%dma_wait3A_93 : memref<600x128xf32, #tpu.memory_space<vmem_shared>>) dst(%arg8 : memref<128x128xf32, #tpu.memory_space<vmem>>)
    %scan3A_94 = arith.constant 0 : i32
    %scan3A_95 = arith.constant 0 : i32
    %scan3A_96 = arith.constant 128 : i32
    %scan3A_97 = arith.addi %scan3A_95, %scan3A_96 : i32
    %scan3A_98 = arith.constant 1 : i32
    %scan3A_99 = scf.for %scan3A_486 = %scan3A_95 to %scan3A_97 step %scan3A_98 iter_args(%scan3A_487 = %scan3A_94) -> (i32)  : i32 {
      %get3A = arith.index_cast %scan3A_486 : i32 to index
      %get3A_488 = arith.constant 0 : index
      %get3A_489 = tpu.vector_load %arg8[%get3A, %get3A_488] {strides = array<i32>} : memref<128x128xf32, #tpu.memory_space<vmem>>, vector<16xf32>,
      %swap3A = arith.index_cast %scan3A_486 : i32 to index
      %swap3A_490 = arith.constant 128 : index
      %swap3A_491 = tpu.vector_load %arg10[%swap3A, %swap3A_490] {strides = array<i32>} : memref<128x192xf32, #tpu.memory_space<vmem>>, vector<16xf32>,
      tpu.vector_store %arg10[%swap3A, %swap3A_490], %get3A_489 {strides = array<i32>} : memref<128x192xf32, #tpu.memory_space<vmem>>, vector<16xf32>,
      %get3A_492 = arith.index_cast %scan3A_486 : i32 to index
      %get3A_493 = arith.constant 16 : index
      %get3A_494 = tpu.vector_load %arg8[%get3A_492, %get3A_493] {strides = array<i32>} : memref<128x128xf32, #tpu.memory_space<vmem>>, vector<16xf32>,
      %swap3A_495 = arith.index_cast %scan3A_486 : i32 to index
      %swap3A_496 = arith.constant 144 : index
      %swap3A_497 = tpu.vector_load %arg10[%swap3A_495, %swap3A_496] {strides = array<i32>} : memref<128x192xf32, #tpu.memory_space<vmem>>, vector<16xf32>,
      tpu.vector_store %arg10[%swap3A_495, %swap3A_496], %get3A_494 {strides = array<i32>} : memref<128x192xf32, #tpu.memory_space<vmem>>, vector<16xf32>,
      %scan3A_498 = arith.constant 0 : i32
      scf.yield %scan3A_498 : i32
    }
    %scan3A_100 = arith.constant 128 : i32
    %dma_wait3A_101 = arith.constant 640 : i32
    %dma_wait3A_102 = tpu.memref_slice %arg7[%dma_wait3A_101] : memref<768xi32, #tpu.memory_space<vmem>> -> memref<128xi32, #tpu.memory_space<vmem>>
    %dma_wait3A_103 = arith.constant 0 : i32
    %dma_wait3A_104 = arith.constant 0 : i32
    %dma_wait3A_105 = tpu.memref_slice %arg5[%dma_wait3A_103, %dma_wait3A_104] : memref<600x128xf32, #tpu.memory_space<vmem_shared>> -> memref<600x128xf32, #tpu.memory_space<vmem_shared>>
    tpu.wait_indirect_dma semaphore(%arg12 : memref<!tpu.dma_semaphore, #tpu.memory_space<semaphore_mem>>) src(%dma_wait3A_105 : memref<600x128xf32, #tpu.memory_space<vmem_shared>>) dst(%arg9 : memref<128x128xf32, #tpu.memory_space<vmem>>)
    %scan3A_106 = arith.constant 0 : i32
    %scan3A_107 = arith.constant 0 : i32
    %scan3A_108 = arith.constant 128 : i32
    %scan3A_109 = arith.addi %scan3A_107, %scan3A_108 : i32
    %scan3A_110 = arith.constant 1 : i32
    %scan3A_111 = scf.for %scan3A_486 = %scan3A_107 to %scan3A_109 step %scan3A_110 iter_args(%scan3A_487 = %scan3A_106) -> (i32)  : i32 {
      %get3A = arith.index_cast %scan3A_486 : i32 to index
      %get3A_488 = arith.constant 0 : index
      %get3A_489 = tpu.vector_load %arg9[%get3A, %get3A_488] {strides = array<i32>} : memref<128x128xf32, #tpu.memory_space<vmem>>, vector<16xf32>,
      %swap3A = arith.index_cast %scan3A_486 : i32 to index
      %swap3A_490 = arith.constant 160 : index
      %swap3A_491 = tpu.vector_load %arg10[%swap3A, %swap3A_490] {strides = array<i32>} : memref<128x192xf32, #tpu.memory_space<vmem>>, vector<16xf32>,
      tpu.vector_store %arg10[%swap3A, %swap3A_490], %get3A_489 {strides = array<i32>} : memref<128x192xf32, #tpu.memory_space<vmem>>, vector<16xf32>,
      %get3A_492 = arith.index_cast %scan3A_486 : i32 to index
      %get3A_493 = arith.constant 16 : index
      %get3A_494 = tpu.vector_load %arg9[%get3A_492, %get3A_493] {strides = array<i32>} : memref<128x128xf32, #tpu.memory_space<vmem>>, vector<16xf32>,
      %swap3A_495 = arith.index_cast %scan3A_486 : i32 to index
      %swap3A_496 = arith.constant 176 : index
      %swap3A_497 = tpu.vector_load %arg10[%swap3A_495, %swap3A_496] {strides = array<i32>} : memref<128x192xf32, #tpu.memory_space<vmem>>, vector<16xf32>,
      tpu.vector_store %arg10[%swap3A_495, %swap3A_496], %get3A_494 {strides = array<i32>} : memref<128x192xf32, #tpu.memory_space<vmem>>, vector<16xf32>,
      %scan3A_498 = arith.constant 0 : i32
      scf.yield %scan3A_498 : i32
    }
    %scan3A_112 = arith.constant 128 : i32
    %add3A_113 = arith.constant 0 : i32
    %add3A_114 = arith.addi %mul3A_2, %add3A_113 : i32
    %dma_start3A_115 = arith.constant 0 : i32
    %dma_start3A_116 = tpu.memref_slice %arg4[%add3A_114, %dma_start3A_115] : memref<16384x192xf32, #tpu.memory_space<hbm>> -> memref<128x192xf32, #tpu.memory_space<hbm>>
    %dma_start3A_117 = arith.constant 0 : i32
    %dma_start3A_118 = tpu.memref_slice %arg4[%add3A_114, %dma_start3A_117] : memref<16384x192xf32, #tpu.memory_space<hbm>> -> memref<128x192xf32, #tpu.memory_space<hbm>>
    tpu.enqueue_dma source(%arg10 : memref<128x192xf32, #tpu.memory_space<vmem>>) target(%dma_start3A_118 : memref<128x192xf32, #tpu.memory_space<hbm>>) target_semaphore(%arg13 : memref<!tpu.dma_semaphore, #tpu.memory_space<semaphore_mem>>)
    %add3A_119 = arith.constant 128 : i32
    %add3A_120 = arith.addi %mul3A_2, %add3A_119 : i32
    "tpu.region"() ({
      %run_scoped3A = tpu.sem_alloc : memref<!tpu.dma_semaphore, #tpu.memory_space<semaphore_mem>>
      %dma_start3A_486 = arith.constant 0 : i32
      %dma_start3A_487 = tpu.memref_slice %arg2[%add3A_120, %dma_start3A_486] : memref<16384x6xi32, #tpu.memory_space<hbm>> -> memref<128x6xi32, #tpu.memory_space<hbm>>
      %dma_start3A_488 = arith.constant 0 : i32
      %dma_start3A_489 = tpu.memref_slice %arg2[%add3A_120, %dma_start3A_488] : memref<16384x6xi32, #tpu.memory_space<hbm>> -> memref<128x6xi32, #tpu.memory_space<hbm>>
      tpu.enqueue_dma source(%dma_start3A_489 : memref<128x6xi32, #tpu.memory_space<hbm>>) target(%arg6 : memref<128x6xi32, #tpu.memory_space<vmem>>) target_semaphore(%run_scoped3A : memref<!tpu.dma_semaphore, #tpu.memory_space<semaphore_mem>>)
      %dma_wait3A_490 = arith.constant 0 : i32
      %dma_wait3A_491 = tpu.memref_slice %arg2[%add3A_120, %dma_wait3A_490] : memref<16384x6xi32, #tpu.memory_space<hbm>> -> memref<128x6xi32, #tpu.memory_space<hbm>>
      %dma_wait3A_492 = arith.constant 0 : i32
      %dma_wait3A_493 = tpu.memref_slice %arg2[%add3A_120, %dma_wait3A_492] : memref<16384x6xi32, #tpu.memory_space<hbm>> -> memref<128x6xi32, #tpu.memory_space<hbm>>
      tpu.wait_dma2 semaphore(%run_scoped3A : memref<!tpu.dma_semaphore, #tpu.memory_space<semaphore_mem>>) src(%dma_wait3A_493 : memref<128x6xi32, #tpu.memory_space<hbm>>) dst(%arg6 : memref<128x6xi32, #tpu.memory_space<vmem>>)
      tpu.yield
    }) : () -> ()
    %scan3A_121 = arith.constant 0 : i32
    %scan3A_122 = arith.constant 0 : i32
    %scan3A_123 = arith.constant 8 : i32
    %scan3A_124 = arith.addi %scan3A_122, %scan3A_123 : i32
    %scan3A_125 = arith.constant 1 : i32
    %scan3A_126 = scf.for %scan3A_486 = %scan3A_122 to %scan3A_124 step %scan3A_125 iter_args(%scan3A_487 = %scan3A_121) -> (i32)  : i32 {
      %mul3A_488 = arith.constant 16 : i32
      %mul3A_489 = arith.muli %scan3A_486, %mul3A_488 : i32
      %add3A_490 = vector.broadcast %mul3A_489 : i32 to vector<16xi32>
      %add3A_491 = arith.addi %iota3A, %add3A_490 : vector<16xi32>
      %broadcast_in_dim3A = arith.constant 0 : i32
      %broadcast_in_dim3A_492 = vector.broadcast %broadcast_in_dim3A : i32 to vector<16xi32>
      %gather3A = tpu.vector_load_idx %arg6[%add3A_491, %broadcast_in_dim3A_492] : memref<128x6xi32, #tpu.memory_space<vmem>>[vector<16xi32>, vector<16xi32>], vector<16xi32>,
      %add3A_493 = arith.constant 0 : i32
      %add3A_494 = vector.broadcast %add3A_493 : i32 to vector<16xi32>
      %add3A_495 = arith.addi %gather3A, %add3A_494 : vector<16xi32>
      %add3A_496 = arith.constant 0 : i32
      %add3A_497 = vector.broadcast %add3A_496 : i32 to vector<16xi32>
      %add3A_498 = arith.addi %add3A_491, %add3A_497 : vector<16xi32>
      tpu.vector_store_idx %arg7[%add3A_498], %add3A_495 : memref<768xi32, #tpu.memory_space<vmem>>[vector<16xi32>], vector<16xi32>,
      %broadcast_in_dim3A_499 = arith.constant 1 : i32
      %broadcast_in_dim3A_500 = vector.broadcast %broadcast_in_dim3A_499 : i32 to vector<16xi32>
      %gather3A_501 = tpu.vector_load_idx %arg6[%add3A_491, %broadcast_in_dim3A_500] : memref<128x6xi32, #tpu.memory_space<vmem>>[vector<16xi32>, vector<16xi32>], vector<16xi32>,
      %add3A_502 = arith.constant 100 : i32
      %add3A_503 = vector.broadcast %add3A_502 : i32 to vector<16xi32>
      %add3A_504 = arith.addi %gather3A_501, %add3A_503 : vector<16xi32>
      %add3A_505 = arith.constant 128 : i32
      %add3A_506 = vector.broadcast %add3A_505 : i32 to vector<16xi32>
      %add3A_507 = arith.addi %add3A_491, %add3A_506 : vector<16xi32>
      tpu.vector_store_idx %arg7[%add3A_507], %add3A_504 : memref<768xi32, #tpu.memory_space<vmem>>[vector<16xi32>], vector<16xi32>,
      %broadcast_in_dim3A_508 = arith.constant 2 : i32
      %broadcast_in_dim3A_509 = vector.broadcast %broadcast_in_dim3A_508 : i32 to vector<16xi32>
      %gather3A_510 = tpu.vector_load_idx %arg6[%add3A_491, %broadcast_in_dim3A_509] : memref<128x6xi32, #tpu.memory_space<vmem>>[vector<16xi32>, vector<16xi32>], vector<16xi32>,
      %add3A_511 = arith.constant 200 : i32
      %add3A_512 = vector.broadcast %add3A_511 : i32 to vector<16xi32>
      %add3A_513 = arith.addi %gather3A_510, %add3A_512 : vector<16xi32>
      %add3A_514 = arith.constant 256 : i32
      %add3A_515 = vector.broadcast %add3A_514 : i32 to vector<16xi32>
      %add3A_516 = arith.addi %add3A_491, %add3A_515 : vector<16xi32>
      tpu.vector_store_idx %arg7[%add3A_516], %add3A_513 : memref<768xi32, #tpu.memory_space<vmem>>[vector<16xi32>], vector<16xi32>,
      %broadcast_in_dim3A_517 = arith.constant 3 : i32
      %broadcast_in_dim3A_518 = vector.broadcast %broadcast_in_dim3A_517 : i32 to vector<16xi32>
      %gather3A_519 = tpu.vector_load_idx %arg6[%add3A_491, %broadcast_in_dim3A_518] : memref<128x6xi32, #tpu.memory_space<vmem>>[vector<16xi32>, vector<16xi32>], vector<16xi32>,
      %add3A_520 = arith.constant 300 : i32
      %add3A_521 = vector.broadcast %add3A_520 : i32 to vector<16xi32>
      %add3A_522 = arith.addi %gather3A_519, %add3A_521 : vector<16xi32>
      %add3A_523 = arith.constant 384 : i32
      %add3A_524 = vector.broadcast %add3A_523 : i32 to vector<16xi32>
      %add3A_525 = arith.addi %add3A_491, %add3A_524 : vector<16xi32>
      tpu.vector_store_idx %arg7[%add3A_525], %add3A_522 : memref<768xi32, #tpu.memory_space<vmem>>[vector<16xi32>], vector<16xi32>,
      %broadcast_in_dim3A_526 = arith.constant 4 : i32
      %broadcast_in_dim3A_527 = vector.broadcast %broadcast_in_dim3A_526 : i32 to vector<16xi32>
      %gather3A_528 = tpu.vector_load_idx %arg6[%add3A_491, %broadcast_in_dim3A_527] : memref<128x6xi32, #tpu.memory_space<vmem>>[vector<16xi32>, vector<16xi32>], vector<16xi32>,
      %add3A_529 = arith.constant 400 : i32
      %add3A_530 = vector.broadcast %add3A_529 : i32 to vector<16xi32>
      %add3A_531 = arith.addi %gather3A_528, %add3A_530 : vector<16xi32>
      %add3A_532 = arith.constant 512 : i32
      %add3A_533 = vector.broadcast %add3A_532 : i32 to vector<16xi32>
      %add3A_534 = arith.addi %add3A_491, %add3A_533 : vector<16xi32>
      tpu.vector_store_idx %arg7[%add3A_534], %add3A_531 : memref<768xi32, #tpu.memory_space<vmem>>[vector<16xi32>], vector<16xi32>,
      %broadcast_in_dim3A_535 = arith.constant 5 : i32
      %broadcast_in_dim3A_536 = vector.broadcast %broadcast_in_dim3A_535 : i32 to vector<16xi32>
      %gather3A_537 = tpu.vector_load_idx %arg6[%add3A_491, %broadcast_in_dim3A_536] : memref<128x6xi32, #tpu.memory_space<vmem>>[vector<16xi32>, vector<16xi32>], vector<16xi32>,
      %add3A_538 = arith.constant 500 : i32
      %add3A_539 = vector.broadcast %add3A_538 : i32 to vector<16xi32>
      %add3A_540 = arith.addi %gather3A_537, %add3A_539 : vector<16xi32>
      %add3A_541 = arith.constant 640 : i32
      %add3A_542 = vector.broadcast %add3A_541 : i32 to vector<16xi32>
      %add3A_543 = arith.addi %add3A_491, %add3A_542 : vector<16xi32>
      tpu.vector_store_idx %arg7[%add3A_543], %add3A_540 : memref<768xi32, #tpu.memory_space<vmem>>[vector<16xi32>], vector<16xi32>,
      %scan3A_544 = arith.constant 0 : i32
      scf.yield %scan3A_544 : i32
    }
    %scan3A_127 = arith.constant 8 : i32
    %dma_start3A_128 = arith.constant 0 : i32
    %dma_start3A_129 = tpu.memref_slice %arg7[%dma_start3A_128] : memref<768xi32, #tpu.memory_space<vmem>> -> memref<128xi32, #tpu.memory_space<vmem>>
    %dma_start3A_130 = arith.constant 0 : i32
    %dma_start3A_131 = arith.constant 0 : i32
    %dma_start3A_132 = tpu.memref_slice %arg5[%dma_start3A_130, %dma_start3A_131] : memref<600x128xf32, #tpu.memory_space<vmem_shared>> -> memref<600x128xf32, #tpu.memory_space<vmem_shared>>
    tpu.enqueue_indirect_dma source(%dma_start3A_132 : memref<600x128xf32, #tpu.memory_space<vmem_shared>>) target(%arg8 : memref<128x128xf32, #tpu.memory_space<vmem>>) offsets(%dma_start3A_129 : memref<128xi32, #tpu.memory_space<vmem>>) semaphore(%arg12 : memref<!tpu.dma_semaphore, #tpu.memory_space<semaphore_mem>>)
    %dma_start3A_133 = arith.constant 128 : i32
    %dma_start3A_134 = tpu.memref_slice %arg7[%dma_start3A_133] : memref<768xi32, #tpu.memory_space<vmem>> -> memref<128xi32, #tpu.memory_space<vmem>>
    %dma_start3A_135 = arith.constant 0 : i32
    %dma_start3A_136 = arith.constant 0 : i32
    %dma_start3A_137 = tpu.memref_slice %arg5[%dma_start3A_135, %dma_start3A_136] : memref<600x128xf32, #tpu.memory_space<vmem_shared>> -> memref<600x128xf32, #tpu.memory_space<vmem_shared>>
    tpu.enqueue_indirect_dma source(%dma_start3A_137 : memref<600x128xf32, #tpu.memory_space<vmem_shared>>) target(%arg9 : memref<128x128xf32, #tpu.memory_space<vmem>>) offsets(%dma_start3A_134 : memref<128xi32, #tpu.memory_space<vmem>>) semaphore(%arg12 : memref<!tpu.dma_semaphore, #tpu.memory_space<semaphore_mem>>)
    %dma_wait3A_138 = arith.constant 0 : i32
    %dma_wait3A_139 = tpu.memref_slice %arg7[%dma_wait3A_138] : memref<768xi32, #tpu.memory_space<vmem>> -> memref<128xi32, #tpu.memory_space<vmem>>
    %dma_wait3A_140 = arith.constant 0 : i32
    %dma_wait3A_141 = arith.constant 0 : i32
    %dma_wait3A_142 = tpu.memref_slice %arg5[%dma_wait3A_140, %dma_wait3A_141] : memref<600x128xf32, #tpu.memory_space<vmem_shared>> -> memref<600x128xf32, #tpu.memory_space<vmem_shared>>
    tpu.wait_indirect_dma semaphore(%arg12 : memref<!tpu.dma_semaphore, #tpu.memory_space<semaphore_mem>>) src(%dma_wait3A_142 : memref<600x128xf32, #tpu.memory_space<vmem_shared>>) dst(%arg8 : memref<128x128xf32, #tpu.memory_space<vmem>>)
    %scan3A_143 = arith.constant 0 : i32
    %scan3A_144 = arith.constant 0 : i32
    %scan3A_145 = arith.constant 128 : i32
    %scan3A_146 = arith.addi %scan3A_144, %scan3A_145 : i32
    %scan3A_147 = arith.constant 1 : i32
    %scan3A_148 = scf.for %scan3A_486 = %scan3A_144 to %scan3A_146 step %scan3A_147 iter_args(%scan3A_487 = %scan3A_143) -> (i32)  : i32 {
      %get3A = arith.index_cast %scan3A_486 : i32 to index
      %get3A_488 = arith.constant 0 : index
      %get3A_489 = tpu.vector_load %arg8[%get3A, %get3A_488] {strides = array<i32>} : memref<128x128xf32, #tpu.memory_space<vmem>>, vector<16xf32>,
      %swap3A = arith.index_cast %scan3A_486 : i32 to index
      %swap3A_490 = arith.constant 0 : index
      %swap3A_491 = tpu.vector_load %arg11[%swap3A, %swap3A_490] {strides = array<i32>} : memref<128x192xf32, #tpu.memory_space<vmem>>, vector<16xf32>,
      tpu.vector_store %arg11[%swap3A, %swap3A_490], %get3A_489 {strides = array<i32>} : memref<128x192xf32, #tpu.memory_space<vmem>>, vector<16xf32>,
      %get3A_492 = arith.index_cast %scan3A_486 : i32 to index
      %get3A_493 = arith.constant 16 : index
      %get3A_494 = tpu.vector_load %arg8[%get3A_492, %get3A_493] {strides = array<i32>} : memref<128x128xf32, #tpu.memory_space<vmem>>, vector<16xf32>,
      %swap3A_495 = arith.index_cast %scan3A_486 : i32 to index
      %swap3A_496 = arith.constant 16 : index
      %swap3A_497 = tpu.vector_load %arg11[%swap3A_495, %swap3A_496] {strides = array<i32>} : memref<128x192xf32, #tpu.memory_space<vmem>>, vector<16xf32>,
      tpu.vector_store %arg11[%swap3A_495, %swap3A_496], %get3A_494 {strides = array<i32>} : memref<128x192xf32, #tpu.memory_space<vmem>>, vector<16xf32>,
      %scan3A_498 = arith.constant 0 : i32
      scf.yield %scan3A_498 : i32
    }
    %scan3A_149 = arith.constant 128 : i32
    %dma_start3A_150 = arith.constant 256 : i32
    %dma_start3A_151 = tpu.memref_slice %arg7[%dma_start3A_150] : memref<768xi32, #tpu.memory_space<vmem>> -> memref<128xi32, #tpu.memory_space<vmem>>
    %dma_start3A_152 = arith.constant 0 : i32
    %dma_start3A_153 = arith.constant 0 : i32
    %dma_start3A_154 = tpu.memref_slice %arg5[%dma_start3A_152, %dma_start3A_153] : memref<600x128xf32, #tpu.memory_space<vmem_shared>> -> memref<600x128xf32, #tpu.memory_space<vmem_shared>>
    tpu.enqueue_indirect_dma source(%dma_start3A_154 : memref<600x128xf32, #tpu.memory_space<vmem_shared>>) target(%arg8 : memref<128x128xf32, #tpu.memory_space<vmem>>) offsets(%dma_start3A_151 : memref<128xi32, #tpu.memory_space<vmem>>) semaphore(%arg12 : memref<!tpu.dma_semaphore, #tpu.memory_space<semaphore_mem>>)
    %dma_wait3A_155 = arith.constant 128 : i32
    %dma_wait3A_156 = tpu.memref_slice %arg7[%dma_wait3A_155] : memref<768xi32, #tpu.memory_space<vmem>> -> memref<128xi32, #tpu.memory_space<vmem>>
    %dma_wait3A_157 = arith.constant 0 : i32
    %dma_wait3A_158 = arith.constant 0 : i32
    %dma_wait3A_159 = tpu.memref_slice %arg5[%dma_wait3A_157, %dma_wait3A_158] : memref<600x128xf32, #tpu.memory_space<vmem_shared>> -> memref<600x128xf32, #tpu.memory_space<vmem_shared>>
    tpu.wait_indirect_dma semaphore(%arg12 : memref<!tpu.dma_semaphore, #tpu.memory_space<semaphore_mem>>) src(%dma_wait3A_159 : memref<600x128xf32, #tpu.memory_space<vmem_shared>>) dst(%arg9 : memref<128x128xf32, #tpu.memory_space<vmem>>)
    %scan3A_160 = arith.constant 0 : i32
    %scan3A_161 = arith.constant 0 : i32
    %scan3A_162 = arith.constant 128 : i32
    %scan3A_163 = arith.addi %scan3A_161, %scan3A_162 : i32
    %scan3A_164 = arith.constant 1 : i32
    %scan3A_165 = scf.for %scan3A_486 = %scan3A_161 to %scan3A_163 step %scan3A_164 iter_args(%scan3A_487 = %scan3A_160) -> (i32)  : i32 {
      %get3A = arith.index_cast %scan3A_486 : i32 to index
      %get3A_488 = arith.constant 0 : index
      %get3A_489 = tpu.vector_load %arg9[%get3A, %get3A_488] {strides = array<i32>} : memref<128x128xf32, #tpu.memory_space<vmem>>, vector<16xf32>,
      %swap3A = arith.index_cast %scan3A_486 : i32 to index
      %swap3A_490 = arith.constant 32 : index
      %swap3A_491 = tpu.vector_load %arg11[%swap3A, %swap3A_490] {strides = array<i32>} : memref<128x192xf32, #tpu.memory_space<vmem>>, vector<16xf32>,
      tpu.vector_store %arg11[%swap3A, %swap3A_490], %get3A_489 {strides = array<i32>} : memref<128x192xf32, #tpu.memory_space<vmem>>, vector<16xf32>,
      %get3A_492 = arith.index_cast %scan3A_486 : i32 to index
      %get3A_493 = arith.constant 16 : index
      %get3A_494 = tpu.vector_load %arg9[%get3A_492, %get3A_493] {strides = array<i32>} : memref<128x128xf32, #tpu.memory_space<vmem>>, vector<16xf32>,
      %swap3A_495 = arith.index_cast %scan3A_486 : i32 to index
      %swap3A_496 = arith.constant 48 : index
      %swap3A_497 = tpu.vector_load %arg11[%swap3A_495, %swap3A_496] {strides = array<i32>} : memref<128x192xf32, #tpu.memory_space<vmem>>, vector<16xf32>,
      tpu.vector_store %arg11[%swap3A_495, %swap3A_496], %get3A_494 {strides = array<i32>} : memref<128x192xf32, #tpu.memory_space<vmem>>, vector<16xf32>,
      %scan3A_498 = arith.constant 0 : i32
      scf.yield %scan3A_498 : i32
    }
    %scan3A_166 = arith.constant 128 : i32
    %dma_start3A_167 = arith.constant 384 : i32
    %dma_start3A_168 = tpu.memref_slice %arg7[%dma_start3A_167] : memref<768xi32, #tpu.memory_space<vmem>> -> memref<128xi32, #tpu.memory_space<vmem>>
    %dma_start3A_169 = arith.constant 0 : i32
    %dma_start3A_170 = arith.constant 0 : i32
    %dma_start3A_171 = tpu.memref_slice %arg5[%dma_start3A_169, %dma_start3A_170] : memref<600x128xf32, #tpu.memory_space<vmem_shared>> -> memref<600x128xf32, #tpu.memory_space<vmem_shared>>
    tpu.enqueue_indirect_dma source(%dma_start3A_171 : memref<600x128xf32, #tpu.memory_space<vmem_shared>>) target(%arg9 : memref<128x128xf32, #tpu.memory_space<vmem>>) offsets(%dma_start3A_168 : memref<128xi32, #tpu.memory_space<vmem>>) semaphore(%arg12 : memref<!tpu.dma_semaphore, #tpu.memory_space<semaphore_mem>>)
    %dma_wait3A_172 = arith.constant 256 : i32
    %dma_wait3A_173 = tpu.memref_slice %arg7[%dma_wait3A_172] : memref<768xi32, #tpu.memory_space<vmem>> -> memref<128xi32, #tpu.memory_space<vmem>>
    %dma_wait3A_174 = arith.constant 0 : i32
    %dma_wait3A_175 = arith.constant 0 : i32
    %dma_wait3A_176 = tpu.memref_slice %arg5[%dma_wait3A_174, %dma_wait3A_175] : memref<600x128xf32, #tpu.memory_space<vmem_shared>> -> memref<600x128xf32, #tpu.memory_space<vmem_shared>>
    tpu.wait_indirect_dma semaphore(%arg12 : memref<!tpu.dma_semaphore, #tpu.memory_space<semaphore_mem>>) src(%dma_wait3A_176 : memref<600x128xf32, #tpu.memory_space<vmem_shared>>) dst(%arg8 : memref<128x128xf32, #tpu.memory_space<vmem>>)
    %scan3A_177 = arith.constant 0 : i32
    %scan3A_178 = arith.constant 0 : i32
    %scan3A_179 = arith.constant 128 : i32
    %scan3A_180 = arith.addi %scan3A_178, %scan3A_179 : i32
    %scan3A_181 = arith.constant 1 : i32
    %scan3A_182 = scf.for %scan3A_486 = %scan3A_178 to %scan3A_180 step %scan3A_181 iter_args(%scan3A_487 = %scan3A_177) -> (i32)  : i32 {
      %get3A = arith.index_cast %scan3A_486 : i32 to index
      %get3A_488 = arith.constant 0 : index
      %get3A_489 = tpu.vector_load %arg8[%get3A, %get3A_488] {strides = array<i32>} : memref<128x128xf32, #tpu.memory_space<vmem>>, vector<16xf32>,
      %swap3A = arith.index_cast %scan3A_486 : i32 to index
      %swap3A_490 = arith.constant 64 : index
      %swap3A_491 = tpu.vector_load %arg11[%swap3A, %swap3A_490] {strides = array<i32>} : memref<128x192xf32, #tpu.memory_space<vmem>>, vector<16xf32>,
      tpu.vector_store %arg11[%swap3A, %swap3A_490], %get3A_489 {strides = array<i32>} : memref<128x192xf32, #tpu.memory_space<vmem>>, vector<16xf32>,
      %get3A_492 = arith.index_cast %scan3A_486 : i32 to index
      %get3A_493 = arith.constant 16 : index
      %get3A_494 = tpu.vector_load %arg8[%get3A_492, %get3A_493] {strides = array<i32>} : memref<128x128xf32, #tpu.memory_space<vmem>>, vector<16xf32>,
      %swap3A_495 = arith.index_cast %scan3A_486 : i32 to index
      %swap3A_496 = arith.constant 80 : index
      %swap3A_497 = tpu.vector_load %arg11[%swap3A_495, %swap3A_496] {strides = array<i32>} : memref<128x192xf32, #tpu.memory_space<vmem>>, vector<16xf32>,
      tpu.vector_store %arg11[%swap3A_495, %swap3A_496], %get3A_494 {strides = array<i32>} : memref<128x192xf32, #tpu.memory_space<vmem>>, vector<16xf32>,
      %scan3A_498 = arith.constant 0 : i32
      scf.yield %scan3A_498 : i32
    }
    %scan3A_183 = arith.constant 128 : i32
    %dma_start3A_184 = arith.constant 512 : i32
    %dma_start3A_185 = tpu.memref_slice %arg7[%dma_start3A_184] : memref<768xi32, #tpu.memory_space<vmem>> -> memref<128xi32, #tpu.memory_space<vmem>>
    %dma_start3A_186 = arith.constant 0 : i32
    %dma_start3A_187 = arith.constant 0 : i32
    %dma_start3A_188 = tpu.memref_slice %arg5[%dma_start3A_186, %dma_start3A_187] : memref<600x128xf32, #tpu.memory_space<vmem_shared>> -> memref<600x128xf32, #tpu.memory_space<vmem_shared>>
    tpu.enqueue_indirect_dma source(%dma_start3A_188 : memref<600x128xf32, #tpu.memory_space<vmem_shared>>) target(%arg8 : memref<128x128xf32, #tpu.memory_space<vmem>>) offsets(%dma_start3A_185 : memref<128xi32, #tpu.memory_space<vmem>>) semaphore(%arg12 : memref<!tpu.dma_semaphore, #tpu.memory_space<semaphore_mem>>)
    %dma_wait3A_189 = arith.constant 384 : i32
    %dma_wait3A_190 = tpu.memref_slice %arg7[%dma_wait3A_189] : memref<768xi32, #tpu.memory_space<vmem>> -> memref<128xi32, #tpu.memory_space<vmem>>
    %dma_wait3A_191 = arith.constant 0 : i32
    %dma_wait3A_192 = arith.constant 0 : i32
    %dma_wait3A_193 = tpu.memref_slice %arg5[%dma_wait3A_191, %dma_wait3A_192] : memref<600x128xf32, #tpu.memory_space<vmem_shared>> -> memref<600x128xf32, #tpu.memory_space<vmem_shared>>
    tpu.wait_indirect_dma semaphore(%arg12 : memref<!tpu.dma_semaphore, #tpu.memory_space<semaphore_mem>>) src(%dma_wait3A_193 : memref<600x128xf32, #tpu.memory_space<vmem_shared>>) dst(%arg9 : memref<128x128xf32, #tpu.memory_space<vmem>>)
    %scan3A_194 = arith.constant 0 : i32
    %scan3A_195 = arith.constant 0 : i32
    %scan3A_196 = arith.constant 128 : i32
    %scan3A_197 = arith.addi %scan3A_195, %scan3A_196 : i32
    %scan3A_198 = arith.constant 1 : i32
    %scan3A_199 = scf.for %scan3A_486 = %scan3A_195 to %scan3A_197 step %scan3A_198 iter_args(%scan3A_487 = %scan3A_194) -> (i32)  : i32 {
      %get3A = arith.index_cast %scan3A_486 : i32 to index
      %get3A_488 = arith.constant 0 : index
      %get3A_489 = tpu.vector_load %arg9[%get3A, %get3A_488] {strides = array<i32>} : memref<128x128xf32, #tpu.memory_space<vmem>>, vector<16xf32>,
      %swap3A = arith.index_cast %scan3A_486 : i32 to index
      %swap3A_490 = arith.constant 96 : index
      %swap3A_491 = tpu.vector_load %arg11[%swap3A, %swap3A_490] {strides = array<i32>} : memref<128x192xf32, #tpu.memory_space<vmem>>, vector<16xf32>,
      tpu.vector_store %arg11[%swap3A, %swap3A_490], %get3A_489 {strides = array<i32>} : memref<128x192xf32, #tpu.memory_space<vmem>>, vector<16xf32>,
      %get3A_492 = arith.index_cast %scan3A_486 : i32 to index
      %get3A_493 = arith.constant 16 : index
      %get3A_494 = tpu.vector_load %arg9[%get3A_492, %get3A_493] {strides = array<i32>} : memref<128x128xf32, #tpu.memory_space<vmem>>, vector<16xf32>,
      %swap3A_495 = arith.index_cast %scan3A_486 : i32 to index
      %swap3A_496 = arith.constant 112 : index
      %swap3A_497 = tpu.vector_load %arg11[%swap3A_495, %swap3A_496] {strides = array<i32>} : memref<128x192xf32, #tpu.memory_space<vmem>>, vector<16xf32>,
      tpu.vector_store %arg11[%swap3A_495, %swap3A_496], %get3A_494 {strides = array<i32>} : memref<128x192xf32, #tpu.memory_space<vmem>>, vector<16xf32>,
      %scan3A_498 = arith.constant 0 : i32
      scf.yield %scan3A_498 : i32
    }
    %scan3A_200 = arith.constant 128 : i32
    %dma_start3A_201 = arith.constant 640 : i32
    %dma_start3A_202 = tpu.memref_slice %arg7[%dma_start3A_201] : memref<768xi32, #tpu.memory_space<vmem>> -> memref<128xi32, #tpu.memory_space<vmem>>
    %dma_start3A_203 = arith.constant 0 : i32
    %dma_start3A_204 = arith.constant 0 : i32
    %dma_start3A_205 = tpu.memref_slice %arg5[%dma_start3A_203, %dma_start3A_204] : memref<600x128xf32, #tpu.memory_space<vmem_shared>> -> memref<600x128xf32, #tpu.memory_space<vmem_shared>>
    tpu.enqueue_indirect_dma source(%dma_start3A_205 : memref<600x128xf32, #tpu.memory_space<vmem_shared>>) target(%arg9 : memref<128x128xf32, #tpu.memory_space<vmem>>) offsets(%dma_start3A_202 : memref<128xi32, #tpu.memory_space<vmem>>) semaphore(%arg12 : memref<!tpu.dma_semaphore, #tpu.memory_space<semaphore_mem>>)
    %dma_wait3A_206 = arith.constant 512 : i32
    %dma_wait3A_207 = tpu.memref_slice %arg7[%dma_wait3A_206] : memref<768xi32, #tpu.memory_space<vmem>> -> memref<128xi32, #tpu.memory_space<vmem>>
    %dma_wait3A_208 = arith.constant 0 : i32
    %dma_wait3A_209 = arith.constant 0 : i32
    %dma_wait3A_210 = tpu.memref_slice %arg5[%dma_wait3A_208, %dma_wait3A_209] : memref<600x128xf32, #tpu.memory_space<vmem_shared>> -> memref<600x128xf32, #tpu.memory_space<vmem_shared>>
    tpu.wait_indirect_dma semaphore(%arg12 : memref<!tpu.dma_semaphore, #tpu.memory_space<semaphore_mem>>) src(%dma_wait3A_210 : memref<600x128xf32, #tpu.memory_space<vmem_shared>>) dst(%arg8 : memref<128x128xf32, #tpu.memory_space<vmem>>)
    %scan3A_211 = arith.constant 0 : i32
    %scan3A_212 = arith.constant 0 : i32
    %scan3A_213 = arith.constant 128 : i32
    %scan3A_214 = arith.addi %scan3A_212, %scan3A_213 : i32
    %scan3A_215 = arith.constant 1 : i32
    %scan3A_216 = scf.for %scan3A_486 = %scan3A_212 to %scan3A_214 step %scan3A_215 iter_args(%scan3A_487 = %scan3A_211) -> (i32)  : i32 {
      %get3A = arith.index_cast %scan3A_486 : i32 to index
      %get3A_488 = arith.constant 0 : index
      %get3A_489 = tpu.vector_load %arg8[%get3A, %get3A_488] {strides = array<i32>} : memref<128x128xf32, #tpu.memory_space<vmem>>, vector<16xf32>,
      %swap3A = arith.index_cast %scan3A_486 : i32 to index
      %swap3A_490 = arith.constant 128 : index
      %swap3A_491 = tpu.vector_load %arg11[%swap3A, %swap3A_490] {strides = array<i32>} : memref<128x192xf32, #tpu.memory_space<vmem>>, vector<16xf32>,
      tpu.vector_store %arg11[%swap3A, %swap3A_490], %get3A_489 {strides = array<i32>} : memref<128x192xf32, #tpu.memory_space<vmem>>, vector<16xf32>,
      %get3A_492 = arith.index_cast %scan3A_486 : i32 to index
      %get3A_493 = arith.constant 16 : index
      %get3A_494 = tpu.vector_load %arg8[%get3A_492, %get3A_493] {strides = array<i32>} : memref<128x128xf32, #tpu.memory_space<vmem>>, vector<16xf32>,
      %swap3A_495 = arith.index_cast %scan3A_486 : i32 to index
      %swap3A_496 = arith.constant 144 : index
      %swap3A_497 = tpu.vector_load %arg11[%swap3A_495, %swap3A_496] {strides = array<i32>} : memref<128x192xf32, #tpu.memory_space<vmem>>, vector<16xf32>,
      tpu.vector_store %arg11[%swap3A_495, %swap3A_496], %get3A_494 {strides = array<i32>} : memref<128x192xf32, #tpu.memory_space<vmem>>, vector<16xf32>,
      %scan3A_498 = arith.constant 0 : i32
      scf.yield %scan3A_498 : i32
    }
    %scan3A_217 = arith.constant 128 : i32
    %dma_wait3A_218 = arith.constant 640 : i32
    %dma_wait3A_219 = tpu.memref_slice %arg7[%dma_wait3A_218] : memref<768xi32, #tpu.memory_space<vmem>> -> memref<128xi32, #tpu.memory_space<vmem>>
    %dma_wait3A_220 = arith.constant 0 : i32
    %dma_wait3A_221 = arith.constant 0 : i32
    %dma_wait3A_222 = tpu.memref_slice %arg5[%dma_wait3A_220, %dma_wait3A_221] : memref<600x128xf32, #tpu.memory_space<vmem_shared>> -> memref<600x128xf32, #tpu.memory_space<vmem_shared>>
    tpu.wait_indirect_dma semaphore(%arg12 : memref<!tpu.dma_semaphore, #tpu.memory_space<semaphore_mem>>) src(%dma_wait3A_222 : memref<600x128xf32, #tpu.memory_space<vmem_shared>>) dst(%arg9 : memref<128x128xf32, #tpu.memory_space<vmem>>)
    %scan3A_223 = arith.constant 0 : i32
    %scan3A_224 = arith.constant 0 : i32
    %scan3A_225 = arith.constant 128 : i32
    %scan3A_226 = arith.addi %scan3A_224, %scan3A_225 : i32
    %scan3A_227 = arith.constant 1 : i32
    %scan3A_228 = scf.for %scan3A_486 = %scan3A_224 to %scan3A_226 step %scan3A_227 iter_args(%scan3A_487 = %scan3A_223) -> (i32)  : i32 {
      %get3A = arith.index_cast %scan3A_486 : i32 to index
      %get3A_488 = arith.constant 0 : index
      %get3A_489 = tpu.vector_load %arg9[%get3A, %get3A_488] {strides = array<i32>} : memref<128x128xf32, #tpu.memory_space<vmem>>, vector<16xf32>,
      %swap3A = arith.index_cast %scan3A_486 : i32 to index
      %swap3A_490 = arith.constant 160 : index
      %swap3A_491 = tpu.vector_load %arg11[%swap3A, %swap3A_490] {strides = array<i32>} : memref<128x192xf32, #tpu.memory_space<vmem>>, vector<16xf32>,
      tpu.vector_store %arg11[%swap3A, %swap3A_490], %get3A_489 {strides = array<i32>} : memref<128x192xf32, #tpu.memory_space<vmem>>, vector<16xf32>,
      %get3A_492 = arith.index_cast %scan3A_486 : i32 to index
      %get3A_493 = arith.constant 16 : index
      %get3A_494 = tpu.vector_load %arg9[%get3A_492, %get3A_493] {strides = array<i32>} : memref<128x128xf32, #tpu.memory_space<vmem>>, vector<16xf32>,
      %swap3A_495 = arith.index_cast %scan3A_486 : i32 to index
      %swap3A_496 = arith.constant 176 : index
      %swap3A_497 = tpu.vector_load %arg11[%swap3A_495, %swap3A_496] {strides = array<i32>} : memref<128x192xf32, #tpu.memory_space<vmem>>, vector<16xf32>,
      tpu.vector_store %arg11[%swap3A_495, %swap3A_496], %get3A_494 {strides = array<i32>} : memref<128x192xf32, #tpu.memory_space<vmem>>, vector<16xf32>,
      %scan3A_498 = arith.constant 0 : i32
      scf.yield %scan3A_498 : i32
    }
    %scan3A_229 = arith.constant 128 : i32
    %add3A_230 = arith.constant 128 : i32
    %add3A_231 = arith.addi %mul3A_2, %add3A_230 : i32
    %dma_start3A_232 = arith.constant 0 : i32
    %dma_start3A_233 = tpu.memref_slice %arg4[%add3A_231, %dma_start3A_232] : memref<16384x192xf32, #tpu.memory_space<hbm>> -> memref<128x192xf32, #tpu.memory_space<hbm>>
    %dma_start3A_234 = arith.constant 0 : i32
    %dma_start3A_235 = tpu.memref_slice %arg4[%add3A_231, %dma_start3A_234] : memref<16384x192xf32, #tpu.memory_space<hbm>> -> memref<128x192xf32, #tpu.memory_space<hbm>>
    tpu.enqueue_dma source(%arg11 : memref<128x192xf32, #tpu.memory_space<vmem>>) target(%dma_start3A_235 : memref<128x192xf32, #tpu.memory_space<hbm>>) target_semaphore(%arg13 : memref<!tpu.dma_semaphore, #tpu.memory_space<semaphore_mem>>)
    %dma_wait3A_236 = arith.constant 0 : i32
    %dma_wait3A_237 = tpu.memref_slice %arg4[%add3A_114, %dma_wait3A_236] : memref<16384x192xf32, #tpu.memory_space<hbm>> -> memref<128x192xf32, #tpu.memory_space<hbm>>
    %dma_wait3A_238 = arith.constant 0 : i32
    %dma_wait3A_239 = tpu.memref_slice %arg4[%add3A_114, %dma_wait3A_238] : memref<16384x192xf32, #tpu.memory_space<hbm>> -> memref<128x192xf32, #tpu.memory_space<hbm>>
    tpu.wait_dma2 semaphore(%arg13 : memref<!tpu.dma_semaphore, #tpu.memory_space<semaphore_mem>>) src(%arg10 : memref<128x192xf32, #tpu.memory_space<vmem>>) dst(%dma_wait3A_239 : memref<128x192xf32, #tpu.memory_space<hbm>>)
    %add3A_240 = arith.constant 256 : i32
    %add3A_241 = arith.addi %mul3A_2, %add3A_240 : i32
    "tpu.region"() ({
      %run_scoped3A = tpu.sem_alloc : memref<!tpu.dma_semaphore, #tpu.memory_space<semaphore_mem>>
      %dma_start3A_486 = arith.constant 0 : i32
      %dma_start3A_487 = tpu.memref_slice %arg2[%add3A_241, %dma_start3A_486] : memref<16384x6xi32, #tpu.memory_space<hbm>> -> memref<128x6xi32, #tpu.memory_space<hbm>>
      %dma_start3A_488 = arith.constant 0 : i32
      %dma_start3A_489 = tpu.memref_slice %arg2[%add3A_241, %dma_start3A_488] : memref<16384x6xi32, #tpu.memory_space<hbm>> -> memref<128x6xi32, #tpu.memory_space<hbm>>
      tpu.enqueue_dma source(%dma_start3A_489 : memref<128x6xi32, #tpu.memory_space<hbm>>) target(%arg6 : memref<128x6xi32, #tpu.memory_space<vmem>>) target_semaphore(%run_scoped3A : memref<!tpu.dma_semaphore, #tpu.memory_space<semaphore_mem>>)
      %dma_wait3A_490 = arith.constant 0 : i32
      %dma_wait3A_491 = tpu.memref_slice %arg2[%add3A_241, %dma_wait3A_490] : memref<16384x6xi32, #tpu.memory_space<hbm>> -> memref<128x6xi32, #tpu.memory_space<hbm>>
      %dma_wait3A_492 = arith.constant 0 : i32
      %dma_wait3A_493 = tpu.memref_slice %arg2[%add3A_241, %dma_wait3A_492] : memref<16384x6xi32, #tpu.memory_space<hbm>> -> memref<128x6xi32, #tpu.memory_space<hbm>>
      tpu.wait_dma2 semaphore(%run_scoped3A : memref<!tpu.dma_semaphore, #tpu.memory_space<semaphore_mem>>) src(%dma_wait3A_493 : memref<128x6xi32, #tpu.memory_space<hbm>>) dst(%arg6 : memref<128x6xi32, #tpu.memory_space<vmem>>)
      tpu.yield
    }) : () -> ()
    %scan3A_242 = arith.constant 0 : i32
    %scan3A_243 = arith.constant 0 : i32
    %scan3A_244 = arith.constant 8 : i32
    %scan3A_245 = arith.addi %scan3A_243, %scan3A_244 : i32
    %scan3A_246 = arith.constant 1 : i32
    %scan3A_247 = scf.for %scan3A_486 = %scan3A_243 to %scan3A_245 step %scan3A_246 iter_args(%scan3A_487 = %scan3A_242) -> (i32)  : i32 {
      %mul3A_488 = arith.constant 16 : i32
      %mul3A_489 = arith.muli %scan3A_486, %mul3A_488 : i32
      %add3A_490 = vector.broadcast %mul3A_489 : i32 to vector<16xi32>
      %add3A_491 = arith.addi %iota3A, %add3A_490 : vector<16xi32>
      %broadcast_in_dim3A = arith.constant 0 : i32
      %broadcast_in_dim3A_492 = vector.broadcast %broadcast_in_dim3A : i32 to vector<16xi32>
      %gather3A = tpu.vector_load_idx %arg6[%add3A_491, %broadcast_in_dim3A_492] : memref<128x6xi32, #tpu.memory_space<vmem>>[vector<16xi32>, vector<16xi32>], vector<16xi32>,
      %add3A_493 = arith.constant 0 : i32
      %add3A_494 = vector.broadcast %add3A_493 : i32 to vector<16xi32>
      %add3A_495 = arith.addi %gather3A, %add3A_494 : vector<16xi32>
      %add3A_496 = arith.constant 0 : i32
      %add3A_497 = vector.broadcast %add3A_496 : i32 to vector<16xi32>
      %add3A_498 = arith.addi %add3A_491, %add3A_497 : vector<16xi32>
      tpu.vector_store_idx %arg7[%add3A_498], %add3A_495 : memref<768xi32, #tpu.memory_space<vmem>>[vector<16xi32>], vector<16xi32>,
      %broadcast_in_dim3A_499 = arith.constant 1 : i32
      %broadcast_in_dim3A_500 = vector.broadcast %broadcast_in_dim3A_499 : i32 to vector<16xi32>
      %gather3A_501 = tpu.vector_load_idx %arg6[%add3A_491, %broadcast_in_dim3A_500] : memref<128x6xi32, #tpu.memory_space<vmem>>[vector<16xi32>, vector<16xi32>], vector<16xi32>,
      %add3A_502 = arith.constant 100 : i32
      %add3A_503 = vector.broadcast %add3A_502 : i32 to vector<16xi32>
      %add3A_504 = arith.addi %gather3A_501, %add3A_503 : vector<16xi32>
      %add3A_505 = arith.constant 128 : i32
      %add3A_506 = vector.broadcast %add3A_505 : i32 to vector<16xi32>
      %add3A_507 = arith.addi %add3A_491, %add3A_506 : vector<16xi32>
      tpu.vector_store_idx %arg7[%add3A_507], %add3A_504 : memref<768xi32, #tpu.memory_space<vmem>>[vector<16xi32>], vector<16xi32>,
      %broadcast_in_dim3A_508 = arith.constant 2 : i32
      %broadcast_in_dim3A_509 = vector.broadcast %broadcast_in_dim3A_508 : i32 to vector<16xi32>
      %gather3A_510 = tpu.vector_load_idx %arg6[%add3A_491, %broadcast_in_dim3A_509] : memref<128x6xi32, #tpu.memory_space<vmem>>[vector<16xi32>, vector<16xi32>], vector<16xi32>,
      %add3A_511 = arith.constant 200 : i32
      %add3A_512 = vector.broadcast %add3A_511 : i32 to vector<16xi32>
      %add3A_513 = arith.addi %gather3A_510, %add3A_512 : vector<16xi32>
      %add3A_514 = arith.constant 256 : i32
      %add3A_515 = vector.broadcast %add3A_514 : i32 to vector<16xi32>
      %add3A_516 = arith.addi %add3A_491, %add3A_515 : vector<16xi32>
      tpu.vector_store_idx %arg7[%add3A_516], %add3A_513 : memref<768xi32, #tpu.memory_space<vmem>>[vector<16xi32>], vector<16xi32>,
      %broadcast_in_dim3A_517 = arith.constant 3 : i32
      %broadcast_in_dim3A_518 = vector.broadcast %broadcast_in_dim3A_517 : i32 to vector<16xi32>
      %gather3A_519 = tpu.vector_load_idx %arg6[%add3A_491, %broadcast_in_dim3A_518] : memref<128x6xi32, #tpu.memory_space<vmem>>[vector<16xi32>, vector<16xi32>], vector<16xi32>,
      %add3A_520 = arith.constant 300 : i32
      %add3A_521 = vector.broadcast %add3A_520 : i32 to vector<16xi32>
      %add3A_522 = arith.addi %gather3A_519, %add3A_521 : vector<16xi32>
      %add3A_523 = arith.constant 384 : i32
      %add3A_524 = vector.broadcast %add3A_523 : i32 to vector<16xi32>
      %add3A_525 = arith.addi %add3A_491, %add3A_524 : vector<16xi32>
      tpu.vector_store_idx %arg7[%add3A_525], %add3A_522 : memref<768xi32, #tpu.memory_space<vmem>>[vector<16xi32>], vector<16xi32>,
      %broadcast_in_dim3A_526 = arith.constant 4 : i32
      %broadcast_in_dim3A_527 = vector.broadcast %broadcast_in_dim3A_526 : i32 to vector<16xi32>
      %gather3A_528 = tpu.vector_load_idx %arg6[%add3A_491, %broadcast_in_dim3A_527] : memref<128x6xi32, #tpu.memory_space<vmem>>[vector<16xi32>, vector<16xi32>], vector<16xi32>,
      %add3A_529 = arith.constant 400 : i32
      %add3A_530 = vector.broadcast %add3A_529 : i32 to vector<16xi32>
      %add3A_531 = arith.addi %gather3A_528, %add3A_530 : vector<16xi32>
      %add3A_532 = arith.constant 512 : i32
      %add3A_533 = vector.broadcast %add3A_532 : i32 to vector<16xi32>
      %add3A_534 = arith.addi %add3A_491, %add3A_533 : vector<16xi32>
      tpu.vector_store_idx %arg7[%add3A_534], %add3A_531 : memref<768xi32, #tpu.memory_space<vmem>>[vector<16xi32>], vector<16xi32>,
      %broadcast_in_dim3A_535 = arith.constant 5 : i32
      %broadcast_in_dim3A_536 = vector.broadcast %broadcast_in_dim3A_535 : i32 to vector<16xi32>
      %gather3A_537 = tpu.vector_load_idx %arg6[%add3A_491, %broadcast_in_dim3A_536] : memref<128x6xi32, #tpu.memory_space<vmem>>[vector<16xi32>, vector<16xi32>], vector<16xi32>,
      %add3A_538 = arith.constant 500 : i32
      %add3A_539 = vector.broadcast %add3A_538 : i32 to vector<16xi32>
      %add3A_540 = arith.addi %gather3A_537, %add3A_539 : vector<16xi32>
      %add3A_541 = arith.constant 640 : i32
      %add3A_542 = vector.broadcast %add3A_541 : i32 to vector<16xi32>
      %add3A_543 = arith.addi %add3A_491, %add3A_542 : vector<16xi32>
      tpu.vector_store_idx %arg7[%add3A_543], %add3A_540 : memref<768xi32, #tpu.memory_space<vmem>>[vector<16xi32>], vector<16xi32>,
      %scan3A_544 = arith.constant 0 : i32
      scf.yield %scan3A_544 : i32
    }
    %scan3A_248 = arith.constant 8 : i32
    %dma_start3A_249 = arith.constant 0 : i32
    %dma_start3A_250 = tpu.memref_slice %arg7[%dma_start3A_249] : memref<768xi32, #tpu.memory_space<vmem>> -> memref<128xi32, #tpu.memory_space<vmem>>
    %dma_start3A_251 = arith.constant 0 : i32
    %dma_start3A_252 = arith.constant 0 : i32
    %dma_start3A_253 = tpu.memref_slice %arg5[%dma_start3A_251, %dma_start3A_252] : memref<600x128xf32, #tpu.memory_space<vmem_shared>> -> memref<600x128xf32, #tpu.memory_space<vmem_shared>>
    tpu.enqueue_indirect_dma source(%dma_start3A_253 : memref<600x128xf32, #tpu.memory_space<vmem_shared>>) target(%arg8 : memref<128x128xf32, #tpu.memory_space<vmem>>) offsets(%dma_start3A_250 : memref<128xi32, #tpu.memory_space<vmem>>) semaphore(%arg12 : memref<!tpu.dma_semaphore, #tpu.memory_space<semaphore_mem>>)
    %dma_start3A_254 = arith.constant 128 : i32
    %dma_start3A_255 = tpu.memref_slice %arg7[%dma_start3A_254] : memref<768xi32, #tpu.memory_space<vmem>> -> memref<128xi32, #tpu.memory_space<vmem>>
    %dma_start3A_256 = arith.constant 0 : i32
    %dma_start3A_257 = arith.constant 0 : i32
    %dma_start3A_258 = tpu.memref_slice %arg5[%dma_start3A_256, %dma_start3A_257] : memref<600x128xf32, #tpu.memory_space<vmem_shared>> -> memref<600x128xf32, #tpu.memory_space<vmem_shared>>
    tpu.enqueue_indirect_dma source(%dma_start3A_258 : memref<600x128xf32, #tpu.memory_space<vmem_shared>>) target(%arg9 : memref<128x128xf32, #tpu.memory_space<vmem>>) offsets(%dma_start3A_255 : memref<128xi32, #tpu.memory_space<vmem>>) semaphore(%arg12 : memref<!tpu.dma_semaphore, #tpu.memory_space<semaphore_mem>>)
    %dma_wait3A_259 = arith.constant 0 : i32
    %dma_wait3A_260 = tpu.memref_slice %arg7[%dma_wait3A_259] : memref<768xi32, #tpu.memory_space<vmem>> -> memref<128xi32, #tpu.memory_space<vmem>>
    %dma_wait3A_261 = arith.constant 0 : i32
    %dma_wait3A_262 = arith.constant 0 : i32
    %dma_wait3A_263 = tpu.memref_slice %arg5[%dma_wait3A_261, %dma_wait3A_262] : memref<600x128xf32, #tpu.memory_space<vmem_shared>> -> memref<600x128xf32, #tpu.memory_space<vmem_shared>>
    tpu.wait_indirect_dma semaphore(%arg12 : memref<!tpu.dma_semaphore, #tpu.memory_space<semaphore_mem>>) src(%dma_wait3A_263 : memref<600x128xf32, #tpu.memory_space<vmem_shared>>) dst(%arg8 : memref<128x128xf32, #tpu.memory_space<vmem>>)
    %scan3A_264 = arith.constant 0 : i32
    %scan3A_265 = arith.constant 0 : i32
    %scan3A_266 = arith.constant 128 : i32
    %scan3A_267 = arith.addi %scan3A_265, %scan3A_266 : i32
    %scan3A_268 = arith.constant 1 : i32
    %scan3A_269 = scf.for %scan3A_486 = %scan3A_265 to %scan3A_267 step %scan3A_268 iter_args(%scan3A_487 = %scan3A_264) -> (i32)  : i32 {
      %get3A = arith.index_cast %scan3A_486 : i32 to index
      %get3A_488 = arith.constant 0 : index
      %get3A_489 = tpu.vector_load %arg8[%get3A, %get3A_488] {strides = array<i32>} : memref<128x128xf32, #tpu.memory_space<vmem>>, vector<16xf32>,
      %swap3A = arith.index_cast %scan3A_486 : i32 to index
      %swap3A_490 = arith.constant 0 : index
      %swap3A_491 = tpu.vector_load %arg10[%swap3A, %swap3A_490] {strides = array<i32>} : memref<128x192xf32, #tpu.memory_space<vmem>>, vector<16xf32>,
      tpu.vector_store %arg10[%swap3A, %swap3A_490], %get3A_489 {strides = array<i32>} : memref<128x192xf32, #tpu.memory_space<vmem>>, vector<16xf32>,
      %get3A_492 = arith.index_cast %scan3A_486 : i32 to index
      %get3A_493 = arith.constant 16 : index
      %get3A_494 = tpu.vector_load %arg8[%get3A_492, %get3A_493] {strides = array<i32>} : memref<128x128xf32, #tpu.memory_space<vmem>>, vector<16xf32>,
      %swap3A_495 = arith.index_cast %scan3A_486 : i32 to index
      %swap3A_496 = arith.constant 16 : index
      %swap3A_497 = tpu.vector_load %arg10[%swap3A_495, %swap3A_496] {strides = array<i32>} : memref<128x192xf32, #tpu.memory_space<vmem>>, vector<16xf32>,
      tpu.vector_store %arg10[%swap3A_495, %swap3A_496], %get3A_494 {strides = array<i32>} : memref<128x192xf32, #tpu.memory_space<vmem>>, vector<16xf32>,
      %scan3A_498 = arith.constant 0 : i32
      scf.yield %scan3A_498 : i32
    }
    %scan3A_270 = arith.constant 128 : i32
    %dma_start3A_271 = arith.constant 256 : i32
    %dma_start3A_272 = tpu.memref_slice %arg7[%dma_start3A_271] : memref<768xi32, #tpu.memory_space<vmem>> -> memref<128xi32, #tpu.memory_space<vmem>>
    %dma_start3A_273 = arith.constant 0 : i32
    %dma_start3A_274 = arith.constant 0 : i32
    %dma_start3A_275 = tpu.memref_slice %arg5[%dma_start3A_273, %dma_start3A_274] : memref<600x128xf32, #tpu.memory_space<vmem_shared>> -> memref<600x128xf32, #tpu.memory_space<vmem_shared>>
    tpu.enqueue_indirect_dma source(%dma_start3A_275 : memref<600x128xf32, #tpu.memory_space<vmem_shared>>) target(%arg8 : memref<128x128xf32, #tpu.memory_space<vmem>>) offsets(%dma_start3A_272 : memref<128xi32, #tpu.memory_space<vmem>>) semaphore(%arg12 : memref<!tpu.dma_semaphore, #tpu.memory_space<semaphore_mem>>)
    %dma_wait3A_276 = arith.constant 128 : i32
    %dma_wait3A_277 = tpu.memref_slice %arg7[%dma_wait3A_276] : memref<768xi32, #tpu.memory_space<vmem>> -> memref<128xi32, #tpu.memory_space<vmem>>
    %dma_wait3A_278 = arith.constant 0 : i32
    %dma_wait3A_279 = arith.constant 0 : i32
    %dma_wait3A_280 = tpu.memref_slice %arg5[%dma_wait3A_278, %dma_wait3A_279] : memref<600x128xf32, #tpu.memory_space<vmem_shared>> -> memref<600x128xf32, #tpu.memory_space<vmem_shared>>
    tpu.wait_indirect_dma semaphore(%arg12 : memref<!tpu.dma_semaphore, #tpu.memory_space<semaphore_mem>>) src(%dma_wait3A_280 : memref<600x128xf32, #tpu.memory_space<vmem_shared>>) dst(%arg9 : memref<128x128xf32, #tpu.memory_space<vmem>>)
    %scan3A_281 = arith.constant 0 : i32
    %scan3A_282 = arith.constant 0 : i32
    %scan3A_283 = arith.constant 128 : i32
    %scan3A_284 = arith.addi %scan3A_282, %scan3A_283 : i32
    %scan3A_285 = arith.constant 1 : i32
    %scan3A_286 = scf.for %scan3A_486 = %scan3A_282 to %scan3A_284 step %scan3A_285 iter_args(%scan3A_487 = %scan3A_281) -> (i32)  : i32 {
      %get3A = arith.index_cast %scan3A_486 : i32 to index
      %get3A_488 = arith.constant 0 : index
      %get3A_489 = tpu.vector_load %arg9[%get3A, %get3A_488] {strides = array<i32>} : memref<128x128xf32, #tpu.memory_space<vmem>>, vector<16xf32>,
      %swap3A = arith.index_cast %scan3A_486 : i32 to index
      %swap3A_490 = arith.constant 32 : index
      %swap3A_491 = tpu.vector_load %arg10[%swap3A, %swap3A_490] {strides = array<i32>} : memref<128x192xf32, #tpu.memory_space<vmem>>, vector<16xf32>,
      tpu.vector_store %arg10[%swap3A, %swap3A_490], %get3A_489 {strides = array<i32>} : memref<128x192xf32, #tpu.memory_space<vmem>>, vector<16xf32>,
      %get3A_492 = arith.index_cast %scan3A_486 : i32 to index
      %get3A_493 = arith.constant 16 : index
      %get3A_494 = tpu.vector_load %arg9[%get3A_492, %get3A_493] {strides = array<i32>} : memref<128x128xf32, #tpu.memory_space<vmem>>, vector<16xf32>,
      %swap3A_495 = arith.index_cast %scan3A_486 : i32 to index
      %swap3A_496 = arith.constant 48 : index
      %swap3A_497 = tpu.vector_load %arg10[%swap3A_495, %swap3A_496] {strides = array<i32>} : memref<128x192xf32, #tpu.memory_space<vmem>>, vector<16xf32>,
      tpu.vector_store %arg10[%swap3A_495, %swap3A_496], %get3A_494 {strides = array<i32>} : memref<128x192xf32, #tpu.memory_space<vmem>>, vector<16xf32>,
      %scan3A_498 = arith.constant 0 : i32
      scf.yield %scan3A_498 : i32
    }
    %scan3A_287 = arith.constant 128 : i32
    %dma_start3A_288 = arith.constant 384 : i32
    %dma_start3A_289 = tpu.memref_slice %arg7[%dma_start3A_288] : memref<768xi32, #tpu.memory_space<vmem>> -> memref<128xi32, #tpu.memory_space<vmem>>
    %dma_start3A_290 = arith.constant 0 : i32
    %dma_start3A_291 = arith.constant 0 : i32
    %dma_start3A_292 = tpu.memref_slice %arg5[%dma_start3A_290, %dma_start3A_291] : memref<600x128xf32, #tpu.memory_space<vmem_shared>> -> memref<600x128xf32, #tpu.memory_space<vmem_shared>>
    tpu.enqueue_indirect_dma source(%dma_start3A_292 : memref<600x128xf32, #tpu.memory_space<vmem_shared>>) target(%arg9 : memref<128x128xf32, #tpu.memory_space<vmem>>) offsets(%dma_start3A_289 : memref<128xi32, #tpu.memory_space<vmem>>) semaphore(%arg12 : memref<!tpu.dma_semaphore, #tpu.memory_space<semaphore_mem>>)
    %dma_wait3A_293 = arith.constant 256 : i32
    %dma_wait3A_294 = tpu.memref_slice %arg7[%dma_wait3A_293] : memref<768xi32, #tpu.memory_space<vmem>> -> memref<128xi32, #tpu.memory_space<vmem>>
    %dma_wait3A_295 = arith.constant 0 : i32
    %dma_wait3A_296 = arith.constant 0 : i32
    %dma_wait3A_297 = tpu.memref_slice %arg5[%dma_wait3A_295, %dma_wait3A_296] : memref<600x128xf32, #tpu.memory_space<vmem_shared>> -> memref<600x128xf32, #tpu.memory_space<vmem_shared>>
    tpu.wait_indirect_dma semaphore(%arg12 : memref<!tpu.dma_semaphore, #tpu.memory_space<semaphore_mem>>) src(%dma_wait3A_297 : memref<600x128xf32, #tpu.memory_space<vmem_shared>>) dst(%arg8 : memref<128x128xf32, #tpu.memory_space<vmem>>)
    %scan3A_298 = arith.constant 0 : i32
    %scan3A_299 = arith.constant 0 : i32
    %scan3A_300 = arith.constant 128 : i32
    %scan3A_301 = arith.addi %scan3A_299, %scan3A_300 : i32
    %scan3A_302 = arith.constant 1 : i32
    %scan3A_303 = scf.for %scan3A_486 = %scan3A_299 to %scan3A_301 step %scan3A_302 iter_args(%scan3A_487 = %scan3A_298) -> (i32)  : i32 {
      %get3A = arith.index_cast %scan3A_486 : i32 to index
      %get3A_488 = arith.constant 0 : index
      %get3A_489 = tpu.vector_load %arg8[%get3A, %get3A_488] {strides = array<i32>} : memref<128x128xf32, #tpu.memory_space<vmem>>, vector<16xf32>,
      %swap3A = arith.index_cast %scan3A_486 : i32 to index
      %swap3A_490 = arith.constant 64 : index
      %swap3A_491 = tpu.vector_load %arg10[%swap3A, %swap3A_490] {strides = array<i32>} : memref<128x192xf32, #tpu.memory_space<vmem>>, vector<16xf32>,
      tpu.vector_store %arg10[%swap3A, %swap3A_490], %get3A_489 {strides = array<i32>} : memref<128x192xf32, #tpu.memory_space<vmem>>, vector<16xf32>,
      %get3A_492 = arith.index_cast %scan3A_486 : i32 to index
      %get3A_493 = arith.constant 16 : index
      %get3A_494 = tpu.vector_load %arg8[%get3A_492, %get3A_493] {strides = array<i32>} : memref<128x128xf32, #tpu.memory_space<vmem>>, vector<16xf32>,
      %swap3A_495 = arith.index_cast %scan3A_486 : i32 to index
      %swap3A_496 = arith.constant 80 : index
      %swap3A_497 = tpu.vector_load %arg10[%swap3A_495, %swap3A_496] {strides = array<i32>} : memref<128x192xf32, #tpu.memory_space<vmem>>, vector<16xf32>,
      tpu.vector_store %arg10[%swap3A_495, %swap3A_496], %get3A_494 {strides = array<i32>} : memref<128x192xf32, #tpu.memory_space<vmem>>, vector<16xf32>,
      %scan3A_498 = arith.constant 0 : i32
      scf.yield %scan3A_498 : i32
    }
    %scan3A_304 = arith.constant 128 : i32
    %dma_start3A_305 = arith.constant 512 : i32
    %dma_start3A_306 = tpu.memref_slice %arg7[%dma_start3A_305] : memref<768xi32, #tpu.memory_space<vmem>> -> memref<128xi32, #tpu.memory_space<vmem>>
    %dma_start3A_307 = arith.constant 0 : i32
    %dma_start3A_308 = arith.constant 0 : i32
    %dma_start3A_309 = tpu.memref_slice %arg5[%dma_start3A_307, %dma_start3A_308] : memref<600x128xf32, #tpu.memory_space<vmem_shared>> -> memref<600x128xf32, #tpu.memory_space<vmem_shared>>
    tpu.enqueue_indirect_dma source(%dma_start3A_309 : memref<600x128xf32, #tpu.memory_space<vmem_shared>>) target(%arg8 : memref<128x128xf32, #tpu.memory_space<vmem>>) offsets(%dma_start3A_306 : memref<128xi32, #tpu.memory_space<vmem>>) semaphore(%arg12 : memref<!tpu.dma_semaphore, #tpu.memory_space<semaphore_mem>>)
    %dma_wait3A_310 = arith.constant 384 : i32
    %dma_wait3A_311 = tpu.memref_slice %arg7[%dma_wait3A_310] : memref<768xi32, #tpu.memory_space<vmem>> -> memref<128xi32, #tpu.memory_space<vmem>>
    %dma_wait3A_312 = arith.constant 0 : i32
    %dma_wait3A_313 = arith.constant 0 : i32
    %dma_wait3A_314 = tpu.memref_slice %arg5[%dma_wait3A_312, %dma_wait3A_313] : memref<600x128xf32, #tpu.memory_space<vmem_shared>> -> memref<600x128xf32, #tpu.memory_space<vmem_shared>>
    tpu.wait_indirect_dma semaphore(%arg12 : memref<!tpu.dma_semaphore, #tpu.memory_space<semaphore_mem>>) src(%dma_wait3A_314 : memref<600x128xf32, #tpu.memory_space<vmem_shared>>) dst(%arg9 : memref<128x128xf32, #tpu.memory_space<vmem>>)
    %scan3A_315 = arith.constant 0 : i32
    %scan3A_316 = arith.constant 0 : i32
    %scan3A_317 = arith.constant 128 : i32
    %scan3A_318 = arith.addi %scan3A_316, %scan3A_317 : i32
    %scan3A_319 = arith.constant 1 : i32
    %scan3A_320 = scf.for %scan3A_486 = %scan3A_316 to %scan3A_318 step %scan3A_319 iter_args(%scan3A_487 = %scan3A_315) -> (i32)  : i32 {
      %get3A = arith.index_cast %scan3A_486 : i32 to index
      %get3A_488 = arith.constant 0 : index
      %get3A_489 = tpu.vector_load %arg9[%get3A, %get3A_488] {strides = array<i32>} : memref<128x128xf32, #tpu.memory_space<vmem>>, vector<16xf32>,
      %swap3A = arith.index_cast %scan3A_486 : i32 to index
      %swap3A_490 = arith.constant 96 : index
      %swap3A_491 = tpu.vector_load %arg10[%swap3A, %swap3A_490] {strides = array<i32>} : memref<128x192xf32, #tpu.memory_space<vmem>>, vector<16xf32>,
      tpu.vector_store %arg10[%swap3A, %swap3A_490], %get3A_489 {strides = array<i32>} : memref<128x192xf32, #tpu.memory_space<vmem>>, vector<16xf32>,
      %get3A_492 = arith.index_cast %scan3A_486 : i32 to index
      %get3A_493 = arith.constant 16 : index
      %get3A_494 = tpu.vector_load %arg9[%get3A_492, %get3A_493] {strides = array<i32>} : memref<128x128xf32, #tpu.memory_space<vmem>>, vector<16xf32>,
      %swap3A_495 = arith.index_cast %scan3A_486 : i32 to index
      %swap3A_496 = arith.constant 112 : index
      %swap3A_497 = tpu.vector_load %arg10[%swap3A_495, %swap3A_496] {strides = array<i32>} : memref<128x192xf32, #tpu.memory_space<vmem>>, vector<16xf32>,
      tpu.vector_store %arg10[%swap3A_495, %swap3A_496], %get3A_494 {strides = array<i32>} : memref<128x192xf32, #tpu.memory_space<vmem>>, vector<16xf32>,
      %scan3A_498 = arith.constant 0 : i32
      scf.yield %scan3A_498 : i32
    }
    %scan3A_321 = arith.constant 128 : i32
    %dma_start3A_322 = arith.constant 640 : i32
    %dma_start3A_323 = tpu.memref_slice %arg7[%dma_start3A_322] : memref<768xi32, #tpu.memory_space<vmem>> -> memref<128xi32, #tpu.memory_space<vmem>>
    %dma_start3A_324 = arith.constant 0 : i32
    %dma_start3A_325 = arith.constant 0 : i32
    %dma_start3A_326 = tpu.memref_slice %arg5[%dma_start3A_324, %dma_start3A_325] : memref<600x128xf32, #tpu.memory_space<vmem_shared>> -> memref<600x128xf32, #tpu.memory_space<vmem_shared>>
    tpu.enqueue_indirect_dma source(%dma_start3A_326 : memref<600x128xf32, #tpu.memory_space<vmem_shared>>) target(%arg9 : memref<128x128xf32, #tpu.memory_space<vmem>>) offsets(%dma_start3A_323 : memref<128xi32, #tpu.memory_space<vmem>>) semaphore(%arg12 : memref<!tpu.dma_semaphore, #tpu.memory_space<semaphore_mem>>)
    %dma_wait3A_327 = arith.constant 512 : i32
    %dma_wait3A_328 = tpu.memref_slice %arg7[%dma_wait3A_327] : memref<768xi32, #tpu.memory_space<vmem>> -> memref<128xi32, #tpu.memory_space<vmem>>
    %dma_wait3A_329 = arith.constant 0 : i32
    %dma_wait3A_330 = arith.constant 0 : i32
    %dma_wait3A_331 = tpu.memref_slice %arg5[%dma_wait3A_329, %dma_wait3A_330] : memref<600x128xf32, #tpu.memory_space<vmem_shared>> -> memref<600x128xf32, #tpu.memory_space<vmem_shared>>
    tpu.wait_indirect_dma semaphore(%arg12 : memref<!tpu.dma_semaphore, #tpu.memory_space<semaphore_mem>>) src(%dma_wait3A_331 : memref<600x128xf32, #tpu.memory_space<vmem_shared>>) dst(%arg8 : memref<128x128xf32, #tpu.memory_space<vmem>>)
    %scan3A_332 = arith.constant 0 : i32
    %scan3A_333 = arith.constant 0 : i32
    %scan3A_334 = arith.constant 128 : i32
    %scan3A_335 = arith.addi %scan3A_333, %scan3A_334 : i32
    %scan3A_336 = arith.constant 1 : i32
    %scan3A_337 = scf.for %scan3A_486 = %scan3A_333 to %scan3A_335 step %scan3A_336 iter_args(%scan3A_487 = %scan3A_332) -> (i32)  : i32 {
      %get3A = arith.index_cast %scan3A_486 : i32 to index
      %get3A_488 = arith.constant 0 : index
      %get3A_489 = tpu.vector_load %arg8[%get3A, %get3A_488] {strides = array<i32>} : memref<128x128xf32, #tpu.memory_space<vmem>>, vector<16xf32>,
      %swap3A = arith.index_cast %scan3A_486 : i32 to index
      %swap3A_490 = arith.constant 128 : index
      %swap3A_491 = tpu.vector_load %arg10[%swap3A, %swap3A_490] {strides = array<i32>} : memref<128x192xf32, #tpu.memory_space<vmem>>, vector<16xf32>,
      tpu.vector_store %arg10[%swap3A, %swap3A_490], %get3A_489 {strides = array<i32>} : memref<128x192xf32, #tpu.memory_space<vmem>>, vector<16xf32>,
      %get3A_492 = arith.index_cast %scan3A_486 : i32 to index
      %get3A_493 = arith.constant 16 : index
      %get3A_494 = tpu.vector_load %arg8[%get3A_492, %get3A_493] {strides = array<i32>} : memref<128x128xf32, #tpu.memory_space<vmem>>, vector<16xf32>,
      %swap3A_495 = arith.index_cast %scan3A_486 : i32 to index
      %swap3A_496 = arith.constant 144 : index
      %swap3A_497 = tpu.vector_load %arg10[%swap3A_495, %swap3A_496] {strides = array<i32>} : memref<128x192xf32, #tpu.memory_space<vmem>>, vector<16xf32>,
      tpu.vector_store %arg10[%swap3A_495, %swap3A_496], %get3A_494 {strides = array<i32>} : memref<128x192xf32, #tpu.memory_space<vmem>>, vector<16xf32>,
      %scan3A_498 = arith.constant 0 : i32
      scf.yield %scan3A_498 : i32
    }
    %scan3A_338 = arith.constant 128 : i32
    %dma_wait3A_339 = arith.constant 640 : i32
    %dma_wait3A_340 = tpu.memref_slice %arg7[%dma_wait3A_339] : memref<768xi32, #tpu.memory_space<vmem>> -> memref<128xi32, #tpu.memory_space<vmem>>
    %dma_wait3A_341 = arith.constant 0 : i32
    %dma_wait3A_342 = arith.constant 0 : i32
    %dma_wait3A_343 = tpu.memref_slice %arg5[%dma_wait3A_341, %dma_wait3A_342] : memref<600x128xf32, #tpu.memory_space<vmem_shared>> -> memref<600x128xf32, #tpu.memory_space<vmem_shared>>
    tpu.wait_indirect_dma semaphore(%arg12 : memref<!tpu.dma_semaphore, #tpu.memory_space<semaphore_mem>>) src(%dma_wait3A_343 : memref<600x128xf32, #tpu.memory_space<vmem_shared>>) dst(%arg9 : memref<128x128xf32, #tpu.memory_space<vmem>>)
    %scan3A_344 = arith.constant 0 : i32
    %scan3A_345 = arith.constant 0 : i32
    %scan3A_346 = arith.constant 128 : i32
    %scan3A_347 = arith.addi %scan3A_345, %scan3A_346 : i32
    %scan3A_348 = arith.constant 1 : i32
    %scan3A_349 = scf.for %scan3A_486 = %scan3A_345 to %scan3A_347 step %scan3A_348 iter_args(%scan3A_487 = %scan3A_344) -> (i32)  : i32 {
      %get3A = arith.index_cast %scan3A_486 : i32 to index
      %get3A_488 = arith.constant 0 : index
      %get3A_489 = tpu.vector_load %arg9[%get3A, %get3A_488] {strides = array<i32>} : memref<128x128xf32, #tpu.memory_space<vmem>>, vector<16xf32>,
      %swap3A = arith.index_cast %scan3A_486 : i32 to index
      %swap3A_490 = arith.constant 160 : index
      %swap3A_491 = tpu.vector_load %arg10[%swap3A, %swap3A_490] {strides = array<i32>} : memref<128x192xf32, #tpu.memory_space<vmem>>, vector<16xf32>,
      tpu.vector_store %arg10[%swap3A, %swap3A_490], %get3A_489 {strides = array<i32>} : memref<128x192xf32, #tpu.memory_space<vmem>>, vector<16xf32>,
      %get3A_492 = arith.index_cast %scan3A_486 : i32 to index
      %get3A_493 = arith.constant 16 : index
      %get3A_494 = tpu.vector_load %arg9[%get3A_492, %get3A_493] {strides = array<i32>} : memref<128x128xf32, #tpu.memory_space<vmem>>, vector<16xf32>,
      %swap3A_495 = arith.index_cast %scan3A_486 : i32 to index
      %swap3A_496 = arith.constant 176 : index
      %swap3A_497 = tpu.vector_load %arg10[%swap3A_495, %swap3A_496] {strides = array<i32>} : memref<128x192xf32, #tpu.memory_space<vmem>>, vector<16xf32>,
      tpu.vector_store %arg10[%swap3A_495, %swap3A_496], %get3A_494 {strides = array<i32>} : memref<128x192xf32, #tpu.memory_space<vmem>>, vector<16xf32>,
      %scan3A_498 = arith.constant 0 : i32
      scf.yield %scan3A_498 : i32
    }
    %scan3A_350 = arith.constant 128 : i32
    %add3A_351 = arith.constant 256 : i32
    %add3A_352 = arith.addi %mul3A_2, %add3A_351 : i32
    %dma_start3A_353 = arith.constant 0 : i32
    %dma_start3A_354 = tpu.memref_slice %arg4[%add3A_352, %dma_start3A_353] : memref<16384x192xf32, #tpu.memory_space<hbm>> -> memref<128x192xf32, #tpu.memory_space<hbm>>
    %dma_start3A_355 = arith.constant 0 : i32
    %dma_start3A_356 = tpu.memref_slice %arg4[%add3A_352, %dma_start3A_355] : memref<16384x192xf32, #tpu.memory_space<hbm>> -> memref<128x192xf32, #tpu.memory_space<hbm>>
    tpu.enqueue_dma source(%arg10 : memref<128x192xf32, #tpu.memory_space<vmem>>) target(%dma_start3A_356 : memref<128x192xf32, #tpu.memory_space<hbm>>) target_semaphore(%arg13 : memref<!tpu.dma_semaphore, #tpu.memory_space<semaphore_mem>>)
    %dma_wait3A_357 = arith.constant 0 : i32
    %dma_wait3A_358 = tpu.memref_slice %arg4[%add3A_231, %dma_wait3A_357] : memref<16384x192xf32, #tpu.memory_space<hbm>> -> memref<128x192xf32, #tpu.memory_space<hbm>>
    %dma_wait3A_359 = arith.constant 0 : i32
    %dma_wait3A_360 = tpu.memref_slice %arg4[%add3A_231, %dma_wait3A_359] : memref<16384x192xf32, #tpu.memory_space<hbm>> -> memref<128x192xf32, #tpu.memory_space<hbm>>
    tpu.wait_dma2 semaphore(%arg13 : memref<!tpu.dma_semaphore, #tpu.memory_space<semaphore_mem>>) src(%arg11 : memref<128x192xf32, #tpu.memory_space<vmem>>) dst(%dma_wait3A_360 : memref<128x192xf32, #tpu.memory_space<hbm>>)
    %add3A_361 = arith.constant 384 : i32
    %add3A_362 = arith.addi %mul3A_2, %add3A_361 : i32
    "tpu.region"() ({
      %run_scoped3A = tpu.sem_alloc : memref<!tpu.dma_semaphore, #tpu.memory_space<semaphore_mem>>
      %dma_start3A_486 = arith.constant 0 : i32
      %dma_start3A_487 = tpu.memref_slice %arg2[%add3A_362, %dma_start3A_486] : memref<16384x6xi32, #tpu.memory_space<hbm>> -> memref<128x6xi32, #tpu.memory_space<hbm>>
      %dma_start3A_488 = arith.constant 0 : i32
      %dma_start3A_489 = tpu.memref_slice %arg2[%add3A_362, %dma_start3A_488] : memref<16384x6xi32, #tpu.memory_space<hbm>> -> memref<128x6xi32, #tpu.memory_space<hbm>>
      tpu.enqueue_dma source(%dma_start3A_489 : memref<128x6xi32, #tpu.memory_space<hbm>>) target(%arg6 : memref<128x6xi32, #tpu.memory_space<vmem>>) target_semaphore(%run_scoped3A : memref<!tpu.dma_semaphore, #tpu.memory_space<semaphore_mem>>)
      %dma_wait3A_490 = arith.constant 0 : i32
      %dma_wait3A_491 = tpu.memref_slice %arg2[%add3A_362, %dma_wait3A_490] : memref<16384x6xi32, #tpu.memory_space<hbm>> -> memref<128x6xi32, #tpu.memory_space<hbm>>
      %dma_wait3A_492 = arith.constant 0 : i32
      %dma_wait3A_493 = tpu.memref_slice %arg2[%add3A_362, %dma_wait3A_492] : memref<16384x6xi32, #tpu.memory_space<hbm>> -> memref<128x6xi32, #tpu.memory_space<hbm>>
      tpu.wait_dma2 semaphore(%run_scoped3A : memref<!tpu.dma_semaphore, #tpu.memory_space<semaphore_mem>>) src(%dma_wait3A_493 : memref<128x6xi32, #tpu.memory_space<hbm>>) dst(%arg6 : memref<128x6xi32, #tpu.memory_space<vmem>>)
      tpu.yield
    }) : () -> ()
    %scan3A_363 = arith.constant 0 : i32
    %scan3A_364 = arith.constant 0 : i32
    %scan3A_365 = arith.constant 8 : i32
    %scan3A_366 = arith.addi %scan3A_364, %scan3A_365 : i32
    %scan3A_367 = arith.constant 1 : i32
    %scan3A_368 = scf.for %scan3A_486 = %scan3A_364 to %scan3A_366 step %scan3A_367 iter_args(%scan3A_487 = %scan3A_363) -> (i32)  : i32 {
      %mul3A_488 = arith.constant 16 : i32
      %mul3A_489 = arith.muli %scan3A_486, %mul3A_488 : i32
      %add3A_490 = vector.broadcast %mul3A_489 : i32 to vector<16xi32>
      %add3A_491 = arith.addi %iota3A, %add3A_490 : vector<16xi32>
      %broadcast_in_dim3A = arith.constant 0 : i32
      %broadcast_in_dim3A_492 = vector.broadcast %broadcast_in_dim3A : i32 to vector<16xi32>
      %gather3A = tpu.vector_load_idx %arg6[%add3A_491, %broadcast_in_dim3A_492] : memref<128x6xi32, #tpu.memory_space<vmem>>[vector<16xi32>, vector<16xi32>], vector<16xi32>,
      %add3A_493 = arith.constant 0 : i32
      %add3A_494 = vector.broadcast %add3A_493 : i32 to vector<16xi32>
      %add3A_495 = arith.addi %gather3A, %add3A_494 : vector<16xi32>
      %add3A_496 = arith.constant 0 : i32
      %add3A_497 = vector.broadcast %add3A_496 : i32 to vector<16xi32>
      %add3A_498 = arith.addi %add3A_491, %add3A_497 : vector<16xi32>
      tpu.vector_store_idx %arg7[%add3A_498], %add3A_495 : memref<768xi32, #tpu.memory_space<vmem>>[vector<16xi32>], vector<16xi32>,
      %broadcast_in_dim3A_499 = arith.constant 1 : i32
      %broadcast_in_dim3A_500 = vector.broadcast %broadcast_in_dim3A_499 : i32 to vector<16xi32>
      %gather3A_501 = tpu.vector_load_idx %arg6[%add3A_491, %broadcast_in_dim3A_500] : memref<128x6xi32, #tpu.memory_space<vmem>>[vector<16xi32>, vector<16xi32>], vector<16xi32>,
      %add3A_502 = arith.constant 100 : i32
      %add3A_503 = vector.broadcast %add3A_502 : i32 to vector<16xi32>
      %add3A_504 = arith.addi %gather3A_501, %add3A_503 : vector<16xi32>
      %add3A_505 = arith.constant 128 : i32
      %add3A_506 = vector.broadcast %add3A_505 : i32 to vector<16xi32>
      %add3A_507 = arith.addi %add3A_491, %add3A_506 : vector<16xi32>
      tpu.vector_store_idx %arg7[%add3A_507], %add3A_504 : memref<768xi32, #tpu.memory_space<vmem>>[vector<16xi32>], vector<16xi32>,
      %broadcast_in_dim3A_508 = arith.constant 2 : i32
      %broadcast_in_dim3A_509 = vector.broadcast %broadcast_in_dim3A_508 : i32 to vector<16xi32>
      %gather3A_510 = tpu.vector_load_idx %arg6[%add3A_491, %broadcast_in_dim3A_509] : memref<128x6xi32, #tpu.memory_space<vmem>>[vector<16xi32>, vector<16xi32>], vector<16xi32>,
      %add3A_511 = arith.constant 200 : i32
      %add3A_512 = vector.broadcast %add3A_511 : i32 to vector<16xi32>
      %add3A_513 = arith.addi %gather3A_510, %add3A_512 : vector<16xi32>
      %add3A_514 = arith.constant 256 : i32
      %add3A_515 = vector.broadcast %add3A_514 : i32 to vector<16xi32>
      %add3A_516 = arith.addi %add3A_491, %add3A_515 : vector<16xi32>
      tpu.vector_store_idx %arg7[%add3A_516], %add3A_513 : memref<768xi32, #tpu.memory_space<vmem>>[vector<16xi32>], vector<16xi32>,
      %broadcast_in_dim3A_517 = arith.constant 3 : i32
      %broadcast_in_dim3A_518 = vector.broadcast %broadcast_in_dim3A_517 : i32 to vector<16xi32>
      %gather3A_519 = tpu.vector_load_idx %arg6[%add3A_491, %broadcast_in_dim3A_518] : memref<128x6xi32, #tpu.memory_space<vmem>>[vector<16xi32>, vector<16xi32>], vector<16xi32>,
      %add3A_520 = arith.constant 300 : i32
      %add3A_521 = vector.broadcast %add3A_520 : i32 to vector<16xi32>
      %add3A_522 = arith.addi %gather3A_519, %add3A_521 : vector<16xi32>
      %add3A_523 = arith.constant 384 : i32
      %add3A_524 = vector.broadcast %add3A_523 : i32 to vector<16xi32>
      %add3A_525 = arith.addi %add3A_491, %add3A_524 : vector<16xi32>
      tpu.vector_store_idx %arg7[%add3A_525], %add3A_522 : memref<768xi32, #tpu.memory_space<vmem>>[vector<16xi32>], vector<16xi32>,
      %broadcast_in_dim3A_526 = arith.constant 4 : i32
      %broadcast_in_dim3A_527 = vector.broadcast %broadcast_in_dim3A_526 : i32 to vector<16xi32>
      %gather3A_528 = tpu.vector_load_idx %arg6[%add3A_491, %broadcast_in_dim3A_527] : memref<128x6xi32, #tpu.memory_space<vmem>>[vector<16xi32>, vector<16xi32>], vector<16xi32>,
      %add3A_529 = arith.constant 400 : i32
      %add3A_530 = vector.broadcast %add3A_529 : i32 to vector<16xi32>
      %add3A_531 = arith.addi %gather3A_528, %add3A_530 : vector<16xi32>
      %add3A_532 = arith.constant 512 : i32
      %add3A_533 = vector.broadcast %add3A_532 : i32 to vector<16xi32>
      %add3A_534 = arith.addi %add3A_491, %add3A_533 : vector<16xi32>
      tpu.vector_store_idx %arg7[%add3A_534], %add3A_531 : memref<768xi32, #tpu.memory_space<vmem>>[vector<16xi32>], vector<16xi32>,
      %broadcast_in_dim3A_535 = arith.constant 5 : i32
      %broadcast_in_dim3A_536 = vector.broadcast %broadcast_in_dim3A_535 : i32 to vector<16xi32>
      %gather3A_537 = tpu.vector_load_idx %arg6[%add3A_491, %broadcast_in_dim3A_536] : memref<128x6xi32, #tpu.memory_space<vmem>>[vector<16xi32>, vector<16xi32>], vector<16xi32>,
      %add3A_538 = arith.constant 500 : i32
      %add3A_539 = vector.broadcast %add3A_538 : i32 to vector<16xi32>
      %add3A_540 = arith.addi %gather3A_537, %add3A_539 : vector<16xi32>
      %add3A_541 = arith.constant 640 : i32
      %add3A_542 = vector.broadcast %add3A_541 : i32 to vector<16xi32>
      %add3A_543 = arith.addi %add3A_491, %add3A_542 : vector<16xi32>
      tpu.vector_store_idx %arg7[%add3A_543], %add3A_540 : memref<768xi32, #tpu.memory_space<vmem>>[vector<16xi32>], vector<16xi32>,
      %scan3A_544 = arith.constant 0 : i32
      scf.yield %scan3A_544 : i32
    }
    %scan3A_369 = arith.constant 8 : i32
    %dma_start3A_370 = arith.constant 0 : i32
    %dma_start3A_371 = tpu.memref_slice %arg7[%dma_start3A_370] : memref<768xi32, #tpu.memory_space<vmem>> -> memref<128xi32, #tpu.memory_space<vmem>>
    %dma_start3A_372 = arith.constant 0 : i32
    %dma_start3A_373 = arith.constant 0 : i32
    %dma_start3A_374 = tpu.memref_slice %arg5[%dma_start3A_372, %dma_start3A_373] : memref<600x128xf32, #tpu.memory_space<vmem_shared>> -> memref<600x128xf32, #tpu.memory_space<vmem_shared>>
    tpu.enqueue_indirect_dma source(%dma_start3A_374 : memref<600x128xf32, #tpu.memory_space<vmem_shared>>) target(%arg8 : memref<128x128xf32, #tpu.memory_space<vmem>>) offsets(%dma_start3A_371 : memref<128xi32, #tpu.memory_space<vmem>>) semaphore(%arg12 : memref<!tpu.dma_semaphore, #tpu.memory_space<semaphore_mem>>)
    %dma_start3A_375 = arith.constant 128 : i32
    %dma_start3A_376 = tpu.memref_slice %arg7[%dma_start3A_375] : memref<768xi32, #tpu.memory_space<vmem>> -> memref<128xi32, #tpu.memory_space<vmem>>
    %dma_start3A_377 = arith.constant 0 : i32
    %dma_start3A_378 = arith.constant 0 : i32
    %dma_start3A_379 = tpu.memref_slice %arg5[%dma_start3A_377, %dma_start3A_378] : memref<600x128xf32, #tpu.memory_space<vmem_shared>> -> memref<600x128xf32, #tpu.memory_space<vmem_shared>>
    tpu.enqueue_indirect_dma source(%dma_start3A_379 : memref<600x128xf32, #tpu.memory_space<vmem_shared>>) target(%arg9 : memref<128x128xf32, #tpu.memory_space<vmem>>) offsets(%dma_start3A_376 : memref<128xi32, #tpu.memory_space<vmem>>) semaphore(%arg12 : memref<!tpu.dma_semaphore, #tpu.memory_space<semaphore_mem>>)
    %dma_wait3A_380 = arith.constant 0 : i32
    %dma_wait3A_381 = tpu.memref_slice %arg7[%dma_wait3A_380] : memref<768xi32, #tpu.memory_space<vmem>> -> memref<128xi32, #tpu.memory_space<vmem>>
    %dma_wait3A_382 = arith.constant 0 : i32
    %dma_wait3A_383 = arith.constant 0 : i32
    %dma_wait3A_384 = tpu.memref_slice %arg5[%dma_wait3A_382, %dma_wait3A_383] : memref<600x128xf32, #tpu.memory_space<vmem_shared>> -> memref<600x128xf32, #tpu.memory_space<vmem_shared>>
    tpu.wait_indirect_dma semaphore(%arg12 : memref<!tpu.dma_semaphore, #tpu.memory_space<semaphore_mem>>) src(%dma_wait3A_384 : memref<600x128xf32, #tpu.memory_space<vmem_shared>>) dst(%arg8 : memref<128x128xf32, #tpu.memory_space<vmem>>)
    %scan3A_385 = arith.constant 0 : i32
    %scan3A_386 = arith.constant 0 : i32
    %scan3A_387 = arith.constant 128 : i32
    %scan3A_388 = arith.addi %scan3A_386, %scan3A_387 : i32
    %scan3A_389 = arith.constant 1 : i32
    %scan3A_390 = scf.for %scan3A_486 = %scan3A_386 to %scan3A_388 step %scan3A_389 iter_args(%scan3A_487 = %scan3A_385) -> (i32)  : i32 {
      %get3A = arith.index_cast %scan3A_486 : i32 to index
      %get3A_488 = arith.constant 0 : index
      %get3A_489 = tpu.vector_load %arg8[%get3A, %get3A_488] {strides = array<i32>} : memref<128x128xf32, #tpu.memory_space<vmem>>, vector<16xf32>,
      %swap3A = arith.index_cast %scan3A_486 : i32 to index
      %swap3A_490 = arith.constant 0 : index
      %swap3A_491 = tpu.vector_load %arg11[%swap3A, %swap3A_490] {strides = array<i32>} : memref<128x192xf32, #tpu.memory_space<vmem>>, vector<16xf32>,
      tpu.vector_store %arg11[%swap3A, %swap3A_490], %get3A_489 {strides = array<i32>} : memref<128x192xf32, #tpu.memory_space<vmem>>, vector<16xf32>,
      %get3A_492 = arith.index_cast %scan3A_486 : i32 to index
      %get3A_493 = arith.constant 16 : index
      %get3A_494 = tpu.vector_load %arg8[%get3A_492, %get3A_493] {strides = array<i32>} : memref<128x128xf32, #tpu.memory_space<vmem>>, vector<16xf32>,
      %swap3A_495 = arith.index_cast %scan3A_486 : i32 to index
      %swap3A_496 = arith.constant 16 : index
      %swap3A_497 = tpu.vector_load %arg11[%swap3A_495, %swap3A_496] {strides = array<i32>} : memref<128x192xf32, #tpu.memory_space<vmem>>, vector<16xf32>,
      tpu.vector_store %arg11[%swap3A_495, %swap3A_496], %get3A_494 {strides = array<i32>} : memref<128x192xf32, #tpu.memory_space<vmem>>, vector<16xf32>,
      %scan3A_498 = arith.constant 0 : i32
      scf.yield %scan3A_498 : i32
    }
    %scan3A_391 = arith.constant 128 : i32
    %dma_start3A_392 = arith.constant 256 : i32
    %dma_start3A_393 = tpu.memref_slice %arg7[%dma_start3A_392] : memref<768xi32, #tpu.memory_space<vmem>> -> memref<128xi32, #tpu.memory_space<vmem>>
    %dma_start3A_394 = arith.constant 0 : i32
    %dma_start3A_395 = arith.constant 0 : i32
    %dma_start3A_396 = tpu.memref_slice %arg5[%dma_start3A_394, %dma_start3A_395] : memref<600x128xf32, #tpu.memory_space<vmem_shared>> -> memref<600x128xf32, #tpu.memory_space<vmem_shared>>
    tpu.enqueue_indirect_dma source(%dma_start3A_396 : memref<600x128xf32, #tpu.memory_space<vmem_shared>>) target(%arg8 : memref<128x128xf32, #tpu.memory_space<vmem>>) offsets(%dma_start3A_393 : memref<128xi32, #tpu.memory_space<vmem>>) semaphore(%arg12 : memref<!tpu.dma_semaphore, #tpu.memory_space<semaphore_mem>>)
    %dma_wait3A_397 = arith.constant 128 : i32
    %dma_wait3A_398 = tpu.memref_slice %arg7[%dma_wait3A_397] : memref<768xi32, #tpu.memory_space<vmem>> -> memref<128xi32, #tpu.memory_space<vmem>>
    %dma_wait3A_399 = arith.constant 0 : i32
    %dma_wait3A_400 = arith.constant 0 : i32
    %dma_wait3A_401 = tpu.memref_slice %arg5[%dma_wait3A_399, %dma_wait3A_400] : memref<600x128xf32, #tpu.memory_space<vmem_shared>> -> memref<600x128xf32, #tpu.memory_space<vmem_shared>>
    tpu.wait_indirect_dma semaphore(%arg12 : memref<!tpu.dma_semaphore, #tpu.memory_space<semaphore_mem>>) src(%dma_wait3A_401 : memref<600x128xf32, #tpu.memory_space<vmem_shared>>) dst(%arg9 : memref<128x128xf32, #tpu.memory_space<vmem>>)
    %scan3A_402 = arith.constant 0 : i32
    %scan3A_403 = arith.constant 0 : i32
    %scan3A_404 = arith.constant 128 : i32
    %scan3A_405 = arith.addi %scan3A_403, %scan3A_404 : i32
    %scan3A_406 = arith.constant 1 : i32
    %scan3A_407 = scf.for %scan3A_486 = %scan3A_403 to %scan3A_405 step %scan3A_406 iter_args(%scan3A_487 = %scan3A_402) -> (i32)  : i32 {
      %get3A = arith.index_cast %scan3A_486 : i32 to index
      %get3A_488 = arith.constant 0 : index
      %get3A_489 = tpu.vector_load %arg9[%get3A, %get3A_488] {strides = array<i32>} : memref<128x128xf32, #tpu.memory_space<vmem>>, vector<16xf32>,
      %swap3A = arith.index_cast %scan3A_486 : i32 to index
      %swap3A_490 = arith.constant 32 : index
      %swap3A_491 = tpu.vector_load %arg11[%swap3A, %swap3A_490] {strides = array<i32>} : memref<128x192xf32, #tpu.memory_space<vmem>>, vector<16xf32>,
      tpu.vector_store %arg11[%swap3A, %swap3A_490], %get3A_489 {strides = array<i32>} : memref<128x192xf32, #tpu.memory_space<vmem>>, vector<16xf32>,
      %get3A_492 = arith.index_cast %scan3A_486 : i32 to index
      %get3A_493 = arith.constant 16 : index
      %get3A_494 = tpu.vector_load %arg9[%get3A_492, %get3A_493] {strides = array<i32>} : memref<128x128xf32, #tpu.memory_space<vmem>>, vector<16xf32>,
      %swap3A_495 = arith.index_cast %scan3A_486 : i32 to index
      %swap3A_496 = arith.constant 48 : index
      %swap3A_497 = tpu.vector_load %arg11[%swap3A_495, %swap3A_496] {strides = array<i32>} : memref<128x192xf32, #tpu.memory_space<vmem>>, vector<16xf32>,
      tpu.vector_store %arg11[%swap3A_495, %swap3A_496], %get3A_494 {strides = array<i32>} : memref<128x192xf32, #tpu.memory_space<vmem>>, vector<16xf32>,
      %scan3A_498 = arith.constant 0 : i32
      scf.yield %scan3A_498 : i32
    }
    %scan3A_408 = arith.constant 128 : i32
    %dma_start3A_409 = arith.constant 384 : i32
    %dma_start3A_410 = tpu.memref_slice %arg7[%dma_start3A_409] : memref<768xi32, #tpu.memory_space<vmem>> -> memref<128xi32, #tpu.memory_space<vmem>>
    %dma_start3A_411 = arith.constant 0 : i32
    %dma_start3A_412 = arith.constant 0 : i32
    %dma_start3A_413 = tpu.memref_slice %arg5[%dma_start3A_411, %dma_start3A_412] : memref<600x128xf32, #tpu.memory_space<vmem_shared>> -> memref<600x128xf32, #tpu.memory_space<vmem_shared>>
    tpu.enqueue_indirect_dma source(%dma_start3A_413 : memref<600x128xf32, #tpu.memory_space<vmem_shared>>) target(%arg9 : memref<128x128xf32, #tpu.memory_space<vmem>>) offsets(%dma_start3A_410 : memref<128xi32, #tpu.memory_space<vmem>>) semaphore(%arg12 : memref<!tpu.dma_semaphore, #tpu.memory_space<semaphore_mem>>)
    %dma_wait3A_414 = arith.constant 256 : i32
    %dma_wait3A_415 = tpu.memref_slice %arg7[%dma_wait3A_414] : memref<768xi32, #tpu.memory_space<vmem>> -> memref<128xi32, #tpu.memory_space<vmem>>
    %dma_wait3A_416 = arith.constant 0 : i32
    %dma_wait3A_417 = arith.constant 0 : i32
    %dma_wait3A_418 = tpu.memref_slice %arg5[%dma_wait3A_416, %dma_wait3A_417] : memref<600x128xf32, #tpu.memory_space<vmem_shared>> -> memref<600x128xf32, #tpu.memory_space<vmem_shared>>
    tpu.wait_indirect_dma semaphore(%arg12 : memref<!tpu.dma_semaphore, #tpu.memory_space<semaphore_mem>>) src(%dma_wait3A_418 : memref<600x128xf32, #tpu.memory_space<vmem_shared>>) dst(%arg8 : memref<128x128xf32, #tpu.memory_space<vmem>>)
    %scan3A_419 = arith.constant 0 : i32
    %scan3A_420 = arith.constant 0 : i32
    %scan3A_421 = arith.constant 128 : i32
    %scan3A_422 = arith.addi %scan3A_420, %scan3A_421 : i32
    %scan3A_423 = arith.constant 1 : i32
    %scan3A_424 = scf.for %scan3A_486 = %scan3A_420 to %scan3A_422 step %scan3A_423 iter_args(%scan3A_487 = %scan3A_419) -> (i32)  : i32 {
      %get3A = arith.index_cast %scan3A_486 : i32 to index
      %get3A_488 = arith.constant 0 : index
      %get3A_489 = tpu.vector_load %arg8[%get3A, %get3A_488] {strides = array<i32>} : memref<128x128xf32, #tpu.memory_space<vmem>>, vector<16xf32>,
      %swap3A = arith.index_cast %scan3A_486 : i32 to index
      %swap3A_490 = arith.constant 64 : index
      %swap3A_491 = tpu.vector_load %arg11[%swap3A, %swap3A_490] {strides = array<i32>} : memref<128x192xf32, #tpu.memory_space<vmem>>, vector<16xf32>,
      tpu.vector_store %arg11[%swap3A, %swap3A_490], %get3A_489 {strides = array<i32>} : memref<128x192xf32, #tpu.memory_space<vmem>>, vector<16xf32>,
      %get3A_492 = arith.index_cast %scan3A_486 : i32 to index
      %get3A_493 = arith.constant 16 : index
      %get3A_494 = tpu.vector_load %arg8[%get3A_492, %get3A_493] {strides = array<i32>} : memref<128x128xf32, #tpu.memory_space<vmem>>, vector<16xf32>,
      %swap3A_495 = arith.index_cast %scan3A_486 : i32 to index
      %swap3A_496 = arith.constant 80 : index
      %swap3A_497 = tpu.vector_load %arg11[%swap3A_495, %swap3A_496] {strides = array<i32>} : memref<128x192xf32, #tpu.memory_space<vmem>>, vector<16xf32>,
      tpu.vector_store %arg11[%swap3A_495, %swap3A_496], %get3A_494 {strides = array<i32>} : memref<128x192xf32, #tpu.memory_space<vmem>>, vector<16xf32>,
      %scan3A_498 = arith.constant 0 : i32
      scf.yield %scan3A_498 : i32
    }
    %scan3A_425 = arith.constant 128 : i32
    %dma_start3A_426 = arith.constant 512 : i32
    %dma_start3A_427 = tpu.memref_slice %arg7[%dma_start3A_426] : memref<768xi32, #tpu.memory_space<vmem>> -> memref<128xi32, #tpu.memory_space<vmem>>
    %dma_start3A_428 = arith.constant 0 : i32
    %dma_start3A_429 = arith.constant 0 : i32
    %dma_start3A_430 = tpu.memref_slice %arg5[%dma_start3A_428, %dma_start3A_429] : memref<600x128xf32, #tpu.memory_space<vmem_shared>> -> memref<600x128xf32, #tpu.memory_space<vmem_shared>>
    tpu.enqueue_indirect_dma source(%dma_start3A_430 : memref<600x128xf32, #tpu.memory_space<vmem_shared>>) target(%arg8 : memref<128x128xf32, #tpu.memory_space<vmem>>) offsets(%dma_start3A_427 : memref<128xi32, #tpu.memory_space<vmem>>) semaphore(%arg12 : memref<!tpu.dma_semaphore, #tpu.memory_space<semaphore_mem>>)
    %dma_wait3A_431 = arith.constant 384 : i32
    %dma_wait3A_432 = tpu.memref_slice %arg7[%dma_wait3A_431] : memref<768xi32, #tpu.memory_space<vmem>> -> memref<128xi32, #tpu.memory_space<vmem>>
    %dma_wait3A_433 = arith.constant 0 : i32
    %dma_wait3A_434 = arith.constant 0 : i32
    %dma_wait3A_435 = tpu.memref_slice %arg5[%dma_wait3A_433, %dma_wait3A_434] : memref<600x128xf32, #tpu.memory_space<vmem_shared>> -> memref<600x128xf32, #tpu.memory_space<vmem_shared>>
    tpu.wait_indirect_dma semaphore(%arg12 : memref<!tpu.dma_semaphore, #tpu.memory_space<semaphore_mem>>) src(%dma_wait3A_435 : memref<600x128xf32, #tpu.memory_space<vmem_shared>>) dst(%arg9 : memref<128x128xf32, #tpu.memory_space<vmem>>)
    %scan3A_436 = arith.constant 0 : i32
    %scan3A_437 = arith.constant 0 : i32
    %scan3A_438 = arith.constant 128 : i32
    %scan3A_439 = arith.addi %scan3A_437, %scan3A_438 : i32
    %scan3A_440 = arith.constant 1 : i32
    %scan3A_441 = scf.for %scan3A_486 = %scan3A_437 to %scan3A_439 step %scan3A_440 iter_args(%scan3A_487 = %scan3A_436) -> (i32)  : i32 {
      %get3A = arith.index_cast %scan3A_486 : i32 to index
      %get3A_488 = arith.constant 0 : index
      %get3A_489 = tpu.vector_load %arg9[%get3A, %get3A_488] {strides = array<i32>} : memref<128x128xf32, #tpu.memory_space<vmem>>, vector<16xf32>,
      %swap3A = arith.index_cast %scan3A_486 : i32 to index
      %swap3A_490 = arith.constant 96 : index
      %swap3A_491 = tpu.vector_load %arg11[%swap3A, %swap3A_490] {strides = array<i32>} : memref<128x192xf32, #tpu.memory_space<vmem>>, vector<16xf32>,
      tpu.vector_store %arg11[%swap3A, %swap3A_490], %get3A_489 {strides = array<i32>} : memref<128x192xf32, #tpu.memory_space<vmem>>, vector<16xf32>,
      %get3A_492 = arith.index_cast %scan3A_486 : i32 to index
      %get3A_493 = arith.constant 16 : index
      %get3A_494 = tpu.vector_load %arg9[%get3A_492, %get3A_493] {strides = array<i32>} : memref<128x128xf32, #tpu.memory_space<vmem>>, vector<16xf32>,
      %swap3A_495 = arith.index_cast %scan3A_486 : i32 to index
      %swap3A_496 = arith.constant 112 : index
      %swap3A_497 = tpu.vector_load %arg11[%swap3A_495, %swap3A_496] {strides = array<i32>} : memref<128x192xf32, #tpu.memory_space<vmem>>, vector<16xf32>,
      tpu.vector_store %arg11[%swap3A_495, %swap3A_496], %get3A_494 {strides = array<i32>} : memref<128x192xf32, #tpu.memory_space<vmem>>, vector<16xf32>,
      %scan3A_498 = arith.constant 0 : i32
      scf.yield %scan3A_498 : i32
    }
    %scan3A_442 = arith.constant 128 : i32
    %dma_start3A_443 = arith.constant 640 : i32
    %dma_start3A_444 = tpu.memref_slice %arg7[%dma_start3A_443] : memref<768xi32, #tpu.memory_space<vmem>> -> memref<128xi32, #tpu.memory_space<vmem>>
    %dma_start3A_445 = arith.constant 0 : i32
    %dma_start3A_446 = arith.constant 0 : i32
    %dma_start3A_447 = tpu.memref_slice %arg5[%dma_start3A_445, %dma_start3A_446] : memref<600x128xf32, #tpu.memory_space<vmem_shared>> -> memref<600x128xf32, #tpu.memory_space<vmem_shared>>
    tpu.enqueue_indirect_dma source(%dma_start3A_447 : memref<600x128xf32, #tpu.memory_space<vmem_shared>>) target(%arg9 : memref<128x128xf32, #tpu.memory_space<vmem>>) offsets(%dma_start3A_444 : memref<128xi32, #tpu.memory_space<vmem>>) semaphore(%arg12 : memref<!tpu.dma_semaphore, #tpu.memory_space<semaphore_mem>>)
    %dma_wait3A_448 = arith.constant 512 : i32
    %dma_wait3A_449 = tpu.memref_slice %arg7[%dma_wait3A_448] : memref<768xi32, #tpu.memory_space<vmem>> -> memref<128xi32, #tpu.memory_space<vmem>>
    %dma_wait3A_450 = arith.constant 0 : i32
    %dma_wait3A_451 = arith.constant 0 : i32
    %dma_wait3A_452 = tpu.memref_slice %arg5[%dma_wait3A_450, %dma_wait3A_451] : memref<600x128xf32, #tpu.memory_space<vmem_shared>> -> memref<600x128xf32, #tpu.memory_space<vmem_shared>>
    tpu.wait_indirect_dma semaphore(%arg12 : memref<!tpu.dma_semaphore, #tpu.memory_space<semaphore_mem>>) src(%dma_wait3A_452 : memref<600x128xf32, #tpu.memory_space<vmem_shared>>) dst(%arg8 : memref<128x128xf32, #tpu.memory_space<vmem>>)
    %scan3A_453 = arith.constant 0 : i32
    %scan3A_454 = arith.constant 0 : i32
    %scan3A_455 = arith.constant 128 : i32
    %scan3A_456 = arith.addi %scan3A_454, %scan3A_455 : i32
    %scan3A_457 = arith.constant 1 : i32
    %scan3A_458 = scf.for %scan3A_486 = %scan3A_454 to %scan3A_456 step %scan3A_457 iter_args(%scan3A_487 = %scan3A_453) -> (i32)  : i32 {
      %get3A = arith.index_cast %scan3A_486 : i32 to index
      %get3A_488 = arith.constant 0 : index
      %get3A_489 = tpu.vector_load %arg8[%get3A, %get3A_488] {strides = array<i32>} : memref<128x128xf32, #tpu.memory_space<vmem>>, vector<16xf32>,
      %swap3A = arith.index_cast %scan3A_486 : i32 to index
      %swap3A_490 = arith.constant 128 : index
      %swap3A_491 = tpu.vector_load %arg11[%swap3A, %swap3A_490] {strides = array<i32>} : memref<128x192xf32, #tpu.memory_space<vmem>>, vector<16xf32>,
      tpu.vector_store %arg11[%swap3A, %swap3A_490], %get3A_489 {strides = array<i32>} : memref<128x192xf32, #tpu.memory_space<vmem>>, vector<16xf32>,
      %get3A_492 = arith.index_cast %scan3A_486 : i32 to index
      %get3A_493 = arith.constant 16 : index
      %get3A_494 = tpu.vector_load %arg8[%get3A_492, %get3A_493] {strides = array<i32>} : memref<128x128xf32, #tpu.memory_space<vmem>>, vector<16xf32>,
      %swap3A_495 = arith.index_cast %scan3A_486 : i32 to index
      %swap3A_496 = arith.constant 144 : index
      %swap3A_497 = tpu.vector_load %arg11[%swap3A_495, %swap3A_496] {strides = array<i32>} : memref<128x192xf32, #tpu.memory_space<vmem>>, vector<16xf32>,
      tpu.vector_store %arg11[%swap3A_495, %swap3A_496], %get3A_494 {strides = array<i32>} : memref<128x192xf32, #tpu.memory_space<vmem>>, vector<16xf32>,
      %scan3A_498 = arith.constant 0 : i32
      scf.yield %scan3A_498 : i32
    }
    %scan3A_459 = arith.constant 128 : i32
    %dma_wait3A_460 = arith.constant 640 : i32
    %dma_wait3A_461 = tpu.memref_slice %arg7[%dma_wait3A_460] : memref<768xi32, #tpu.memory_space<vmem>> -> memref<128xi32, #tpu.memory_space<vmem>>
    %dma_wait3A_462 = arith.constant 0 : i32
    %dma_wait3A_463 = arith.constant 0 : i32
    %dma_wait3A_464 = tpu.memref_slice %arg5[%dma_wait3A_462, %dma_wait3A_463] : memref<600x128xf32, #tpu.memory_space<vmem_shared>> -> memref<600x128xf32, #tpu.memory_space<vmem_shared>>
    tpu.wait_indirect_dma semaphore(%arg12 : memref<!tpu.dma_semaphore, #tpu.memory_space<semaphore_mem>>) src(%dma_wait3A_464 : memref<600x128xf32, #tpu.memory_space<vmem_shared>>) dst(%arg9 : memref<128x128xf32, #tpu.memory_space<vmem>>)
    %scan3A_465 = arith.constant 0 : i32
    %scan3A_466 = arith.constant 0 : i32
    %scan3A_467 = arith.constant 128 : i32
    %scan3A_468 = arith.addi %scan3A_466, %scan3A_467 : i32
    %scan3A_469 = arith.constant 1 : i32
    %scan3A_470 = scf.for %scan3A_486 = %scan3A_466 to %scan3A_468 step %scan3A_469 iter_args(%scan3A_487 = %scan3A_465) -> (i32)  : i32 {
      %get3A = arith.index_cast %scan3A_486 : i32 to index
      %get3A_488 = arith.constant 0 : index
      %get3A_489 = tpu.vector_load %arg9[%get3A, %get3A_488] {strides = array<i32>} : memref<128x128xf32, #tpu.memory_space<vmem>>, vector<16xf32>,
      %swap3A = arith.index_cast %scan3A_486 : i32 to index
      %swap3A_490 = arith.constant 160 : index
      %swap3A_491 = tpu.vector_load %arg11[%swap3A, %swap3A_490] {strides = array<i32>} : memref<128x192xf32, #tpu.memory_space<vmem>>, vector<16xf32>,
      tpu.vector_store %arg11[%swap3A, %swap3A_490], %get3A_489 {strides = array<i32>} : memref<128x192xf32, #tpu.memory_space<vmem>>, vector<16xf32>,
      %get3A_492 = arith.index_cast %scan3A_486 : i32 to index
      %get3A_493 = arith.constant 16 : index
      %get3A_494 = tpu.vector_load %arg9[%get3A_492, %get3A_493] {strides = array<i32>} : memref<128x128xf32, #tpu.memory_space<vmem>>, vector<16xf32>,
      %swap3A_495 = arith.index_cast %scan3A_486 : i32 to index
      %swap3A_496 = arith.constant 176 : index
      %swap3A_497 = tpu.vector_load %arg11[%swap3A_495, %swap3A_496] {strides = array<i32>} : memref<128x192xf32, #tpu.memory_space<vmem>>, vector<16xf32>,
      tpu.vector_store %arg11[%swap3A_495, %swap3A_496], %get3A_494 {strides = array<i32>} : memref<128x192xf32, #tpu.memory_space<vmem>>, vector<16xf32>,
      %scan3A_498 = arith.constant 0 : i32
      scf.yield %scan3A_498 : i32
    }
    %scan3A_471 = arith.constant 128 : i32
    %add3A_472 = arith.constant 384 : i32
    %add3A_473 = arith.addi %mul3A_2, %add3A_472 : i32
    %dma_start3A_474 = arith.constant 0 : i32
    %dma_start3A_475 = tpu.memref_slice %arg4[%add3A_473, %dma_start3A_474] : memref<16384x192xf32, #tpu.memory_space<hbm>> -> memref<128x192xf32, #tpu.memory_space<hbm>>
    %dma_start3A_476 = arith.constant 0 : i32
    %dma_start3A_477 = tpu.memref_slice %arg4[%add3A_473, %dma_start3A_476] : memref<16384x192xf32, #tpu.memory_space<hbm>> -> memref<128x192xf32, #tpu.memory_space<hbm>>
    tpu.enqueue_dma source(%arg11 : memref<128x192xf32, #tpu.memory_space<vmem>>) target(%dma_start3A_477 : memref<128x192xf32, #tpu.memory_space<hbm>>) target_semaphore(%arg13 : memref<!tpu.dma_semaphore, #tpu.memory_space<semaphore_mem>>)
    %dma_wait3A_478 = arith.constant 0 : i32
    %dma_wait3A_479 = tpu.memref_slice %arg4[%add3A_352, %dma_wait3A_478] : memref<16384x192xf32, #tpu.memory_space<hbm>> -> memref<128x192xf32, #tpu.memory_space<hbm>>
    %dma_wait3A_480 = arith.constant 0 : i32
    %dma_wait3A_481 = tpu.memref_slice %arg4[%add3A_352, %dma_wait3A_480] : memref<16384x192xf32, #tpu.memory_space<hbm>> -> memref<128x192xf32, #tpu.memory_space<hbm>>
    tpu.wait_dma2 semaphore(%arg13 : memref<!tpu.dma_semaphore, #tpu.memory_space<semaphore_mem>>) src(%arg10 : memref<128x192xf32, #tpu.memory_space<vmem>>) dst(%dma_wait3A_481 : memref<128x192xf32, #tpu.memory_space<hbm>>)
    %dma_wait3A_482 = arith.constant 0 : i32
    %dma_wait3A_483 = tpu.memref_slice %arg4[%add3A_473, %dma_wait3A_482] : memref<16384x192xf32, #tpu.memory_space<hbm>> -> memref<128x192xf32, #tpu.memory_space<hbm>>
    %dma_wait3A_484 = arith.constant 0 : i32
    %dma_wait3A_485 = tpu.memref_slice %arg4[%add3A_473, %dma_wait3A_484] : memref<16384x192xf32, #tpu.memory_space<hbm>> -> memref<128x192xf32, #tpu.memory_space<hbm>>
    tpu.wait_dma2 semaphore(%arg13 : memref<!tpu.dma_semaphore, #tpu.memory_space<semaphore_mem>>) src(%arg11 : memref<128x192xf32, #tpu.memory_space<vmem>>) dst(%dma_wait3A_485 : memref<128x192xf32, #tpu.memory_space<hbm>>)
    return
  }
}

</mosaic_0001>

<sc_bundles>
// kernel: kernel.3.cloned.1.call-start
scs
__scs_entry_jumppad:
0x0: {  	(pc) =	sbr.rel $0x88, $3  }
0x1: {  	(tag) =	ssettag $0x0;
	lr =	simm.s32 $0x1  }
0x2: {  	[smem:$0x3F9F] =	sst lr;
	_ =	strace $0xD0000000  }
0x3: {  	_ = 	snop  }
0x4: {  	_ = 	snop  }
0x5: {  	_ = 	snop  }
0x6: {  	_ = 	snop  }
0x7: {  	_ = 	snop  }
__scs_overlays_trampoline_lowered:
0x8: {  	[smem:$0x3FAE] =	sst s0  }
0x9: {  	[smem:$0x3FAF] =	sst s1  }
0xa: {  	[smem:$0x3FB0] =	sst s2  }
0xb: {  	[smem:$0x3FB1] =	sst s3  }
0xc: {  	[smem:$0x3FB2] =	sst s4  }
0xd: {  	[smem:$0x3FB3] =	sst s5  }
0xe: {  	[smem:$0x3FB4] =	sst s6  }
0xf: {  	[smem:$0x3FB5] =	sst s7  }
0x10: {  	[smem:$0x3FB6] =	sst s8  }
0x11: {  	[smem:$0x3FB7] =	sst s9;
	s0 =	simm.s32 @!p0 $0x0  }
0x12: {  	s1 =	sld [smem:$0x3F9D];
	s0 =	simm.s32 @p0 $0x1  }
0x13: {  	[smem:$0x3FB8] =	sst s0;
	s0 =	simm.s32 @!p1 $0x0  }
0x14: {  	s2 =	sld [smem:$0x3F9C];
	s0 =	simm.s32 @p1 $0x1  }
0x15: {  	[smem:$0x3FB9] =	sst s0;
	s0 =	simm.s32 @!p2 $0x0  }
0x16: {  	s3 =	sld [smem:$0x3FDB];
	s0 =	simm.s32 @p2 $0x1  }
0x17: {  	s4 =	simm.s32 $0x1BF5;
	[smem:$0x3FBB] =	sst s0  }
0x18: {  	s0 =	sld [smem:$0x3F9E];
	_ =	swait.ge [sflag:s4], $0x0  }
0x19: {  	s7 =	sld [smem:$0x3F9F]  }
0x1a: {  	s8 =	sadd.s32 $0xFFFFE003, lr  }
0x1b: {  	s9 =	sadd.s32 $0xFFFFFEF7, lr;
	s5 =	simm.s32 $0xFFFFFFFF;
	p2 =	slt.u32 s8, $0xFFFFF086  }
0x1c: {  	p1 =	slt.u32 s9, $0xF7A;
	s5 =	simm.s32 @!p2 $0x0  }
0x1d: {  	s5 =	simm.s32 @p1 $0x1;
	p0 =	seq.s32 s7, s2  }
0x1e: {  	s7 =	smul.u32 @!p0 $0xF7A, s2;
	p2 =	seq.s32 @!p0 s5, $0x0  }
0x1f: {  	s9 =	smul.u32 $0xF7A, s1;
	s8 =	simm.s32 @!p0 $0x1BF5;
	p2 =	por !p2, p0  }
0x20: {  	[sflag:s8] =	ssyncset.s32 @!p0 $0xFFFFF086;
	s6 =	sadd.s32 @!p0 s3, s7;
	s7 =	simm.s32 @!p0 $0x108  }
0x21: {  	s3 =	sadd.s32 s3, s9;
	s6 =	sadd.s32 @!p0 $0x88, s6;
	s7 =	simm.s32 @p2 $0x1082  }
0x22: {  	[simem:s7], [sflag:s8] =	dma.local @!p0 [hbm:s6], $0xF7A  }
0x23: {  	s9 =	sor.u32 $0xD0000000, s2;
	s6 =	simm.s32 $0x108;
	_ =	swait.ge @!p0 [sflag:s8], $0x0  }
0x24: {  	s3 =	sadd.s32 $0x88, s3;
	s6 =	simm.s32 @!p1 $0x1082;
	[sflag:s4] =	ssyncset.s32 $0xFFFFF086  }
0x25: {  	[simem:s6], [sflag:s4] =	dma.local [hbm:s3], $0xF7A  }
0x26: {  	[smem:$0x3F9F] =	sst s1;
	(tag) =	ssettag s2;
	_ =	strace s9  }
0x27: {  	s1 =	sld [smem:$0x3FAF]  }
0x28: {  	s2 =	sld [smem:$0x3FB0]  }
0x29: {  	s4 =	sld [smem:$0x3FB2]  }
0x2a: {  	p0 =	seq.s32 s5, $0x0;
	s5 =	sld [smem:$0x3FB3]  }
0x2b: {  	s6 =	sld [smem:$0x3FB4]  }
0x2c: {  	s7 =	sld [smem:$0x3FB5]  }
0x2d: {  	s3 =	simm.s32 $0x108;
	s8 =	sld [smem:$0x3FB6]  }
0x2e: {  	s3 =	simm.s32 @!p0 $0x1082;
	s9 =	sld [smem:$0x3FB7]  }
0x2f: {  	lr =	sadd.s32 s0, s3;
	s0 =	sld [smem:$0x3FAE]  }
0x30: {  	s3 =	sld [smem:$0x3FB1]  }
0x31: {  	[smem:$0x3FBA] =	sst s10  }
0x32: {  	s10 =	sld [smem:$0x3FB8];
	_ =	sdelay $0x3  }
0x33: {  	p0 =	seq.s32 s10, $0x1;
	s10 =	sld [smem:$0x3FBA];
	_ =	sdelay $0x3  }
0x34: {  	[smem:$0x3FBA] =	sst s10  }
0x35: {  	s10 =	sld [smem:$0x3FB9];
	_ =	sdelay $0x3  }
0x36: {  	p1 =	seq.s32 s10, $0x1;
	s10 =	sld [smem:$0x3FBA];
	_ =	sdelay $0x3  }
0x37: {  	[smem:$0x3FBA] =	sst s10  }
0x38: {  	s10 =	sld [smem:$0x3FBB]  }
0x39: {  	_ = 	snop;
	(pc) =	sbr.ind lr, $3  }
0x3a: {  	_ = 	snop  }
0x3b: {  	_ = 	snop  }
0x3c: {  	p2 =	seq.s32 s10, $0x1;
	s10 =	sld [smem:$0x3FBA]  }
0x3d: {  	_ =	shalt  }
0x3e: {  	_ =	shalt  }
0x3f: {  	_ =	shalt  }
0x40: {  	_ =	shalt  }
0x41: {  	_ =	shalt  }
0x42: {  	_ =	shalt  }
0x43: {  	_ =	shalt  }
0x44: {  	_ =	shalt  }
0x45: {  	_ =	shalt  }
0x46: {  	_ =	shalt  }
0x47: {  	_ =	shalt  }
0x48: {  	_ =	shalt  }
0x49: {  	_ =	shalt  }
0x4a: {  	_ =	shalt  }
0x4b: {  	_ =	shalt  }
0x4c: {  	_ =	shalt  }
0x4d: {  	_ =	shalt  }
0x4e: {  	_ =	shalt  }
0x4f: {  	_ =	shalt  }
0x50: {  	_ =	shalt  }
0x51: {  	_ =	shalt  }
0x52: {  	_ =	shalt  }
0x53: {  	_ =	shalt  }
0x54: {  	_ =	shalt  }
0x55: {  	_ =	shalt  }
0x56: {  	_ =	shalt  }
0x57: {  	_ =	shalt  }
0x58: {  	_ =	shalt  }
0x59: {  	_ =	shalt  }
0x5a: {  	_ =	shalt  }
0x5b: {  	_ =	shalt  }
0x5c: {  	_ =	shalt  }
0x5d: {  	_ =	shalt  }
0x5e: {  	_ =	shalt  }
0x5f: {  	_ =	shalt  }
0x60: {  	_ =	shalt  }
0x61: {  	_ =	shalt  }
0x62: {  	_ =	shalt  }
0x63: {  	_ =	shalt  }
0x64: {  	_ =	shalt  }
0x65: {  	_ =	shalt  }
0x66: {  	_ =	shalt  }
0x67: {  	_ =	shalt  }
0x68: {  	_ =	shalt  }
0x69: {  	_ =	shalt  }
0x6a: {  	_ =	shalt  }
0x6b: {  	_ =	shalt  }
0x6c: {  	_ =	shalt  }
0x6d: {  	_ =	shalt  }
0x6e: {  	_ =	shalt  }
0x6f: {  	_ =	shalt  }
0x70: {  	_ =	shalt  }
0x71: {  	_ =	shalt  }
0x72: {  	_ =	shalt  }
0x73: {  	_ =	shalt  }
0x74: {  	_ =	shalt  }
0x75: {  	_ =	shalt  }
0x76: {  	_ =	shalt  }
0x77: {  	_ =	shalt  }
0x78: {  	_ =	shalt  }
0x79: {  	_ =	shalt  }
0x7a: {  	_ =	shalt  }
0x7b: {  	_ =	shalt  }
0x7c: {  	_ =	shalt  }
0x7d: {  	_ =	shalt  }
0x7e: {  	_ =	shalt  }
0x7f: {  	_ =	shalt  }
0x80: {  	_ =	shalt  }
0x81: {  	_ =	shalt  }
0x82: {  	_ =	shalt  }
0x83: {  	_ =	shalt  }
0x84: {  	_ =	shalt  }
0x85: {  	_ =	shalt  }
0x86: {  	_ =	shalt  }
0x87: {  	_ =	shalt  }
.Lfunc_end0:
.L_simem_size_0:
called_computation_lowered:
.L_overlay_start_0:
0x88: {  	s2 =	sld [smem:$0x3FD9]  }
0x89: {  	s3 =	sld [smem:$0x3FFE];
	_ =	sdelay $0x1  }
0x8a: {  	s1 =	srdreg.scid  }
0x8b: {  	s0 =	sand.u32 $0x1, s1  }
0x8c: {  	s17 =	sshll.u32 s0, $0xA;
	s2 =	sadd.s32 s3, s2  }
0x8d: {  	s2 =	sadd.s32 s2, s17  }
0x8e: {  	[smem:$0x3FC6] =	sst s2  }
0x8f: {  	_ = 	snop  }
0x90: {  	s2 =	sld [smem:$0x3FD0];
	(tm) =	ssettm $0x1  }
0x91: {  	s18 =	sld [smem:$0x3FFB];
	_ =	sdelay $0x3  }
0x92: {  	_ =	strace s18  }
0x93: {  	s3 =	sld [smem:$0x3FFC];
	_ =	sdelay $0x3  }
0x94: {  	_ =	strace s3  }
0x95: {  	s3 =	sld [smem:$0x3FFD];
	_ =	sdelay $0x3  }
0x96: {  	_ =	strace s3  }
0x97: {  	_ =	strace $0x8FFFFFFF  }
0x98: {  	s19 =	sld [smem:$0x3FDB];
	_ =	sdelay $0x1  }
0x99: {  	s4 =	simm.s32 $_scs_section_size  }
0x9a: {  	s5 =	simm.s32 $_size__tile_overlayer_lowered;
	s6 =	simm.s32 $_tile_overlayer_lowered  }
0x9b: {  	s22 =	simm.s32 $0x1BFF;
	s21 =	sshll.u32 s6, $0x1;
	s3 =	sadd.s32 s4, s19  }
0x9c: {  	s7 =	simm.s32 $0x0;
	s20 =	sshll.u32 s5, $0x1;
	s5 =	sadd.s32 s21, s3  }
0x9d: {  	[timem:s7], [sflag:s22] =	dma.local [hbm:s5], s20  }
0x9e: {  	_ =	swait.ge [sflag:s22], s20  }
0x9f: {  	s4 =	ssub.s32 $0x0, s20;
	[sflag:s22] =	ssyncset.done $0x0  }
0xa0: {  	[sflag:s22] =	ssyncadd.s32 s4;
	_ =	sdelay $0x1  }
0xa1: {  	s23 =	simm.s32 $0x1B8B  }
0xa2: {  	_ =	swait.ge [sflag:s23], $0x1  }
0xa3: {  	[sflag:s23] =	ssyncset.done $0x0  }
0xa4: {  	s25 =	simm.s32 $0x1B8E;
	s24 =	sld [smem:$0x3FFE];
	[sflag:s23] =	ssyncadd.s32 $0xFFFFFFFF  }
0xa5: {  	s26 =	simm.s32 $execute0_lowered;
	[smem:$0x3FD2] =	sst s25  }
0xa6: {  	s5 =	sshll.u32 s26, $0x1;
	_ =	strace $0x80000046;
	[dreg:$0x1] =	wrdreg $0xFFFFFFFF  }
0xa7: {  	s28 =	simm.s32 $_size_execute0_lowered;
	s3 =	sadd.s32 s3, s5;
	[dreg:$0x0] =	wrdreg $0x0  }
0xa8: {  	s5 =	sshll.u32 s28, $0x1;
	[dreg:$0x2] =	wrdreg s3  }
0xa9: {  	[dreg:$0x3] =	wrdreg s5  }
0xaa: {  	[dreg:$0x4] =	wrdreg $0xC0  }
0xab: {  	_ =	task [dreg:s7], $0x5FFFF  }
0xac: {  	[dreg:$0x1] =	wrdreg $0xFFFFFFFF  }
0xad: {  	[dreg:$0x0] =	wrdreg $0x60  }
0xae: {  	[dreg:$0x2] =	wrdreg s2  }
0xaf: {  	[dreg:$0x3] =	wrdreg s24  }
0xb0: {  	[dreg:$0x4] =	wrdreg $0x0  }
0xb1: {  	[dreg:$0x5] =	wrdreg $0x9  }
0xb2: {  	_ =	task.clear_ibuf [dreg:s7], $0x6FFFF;
	_ =	strace $0x90000046  }
0xb3: {  	s29 =	simm.s32 $0x9;
	_ =	strace $0x80000048  }
0xb4: {  	_ =	swait.ge [sflag:s29], $0x1  }
0xb5: {  	[sflag:s29] =	ssyncadd.s32 $0xFFFFFFFF  }
0xb6: {  	_ =	strace $0x90000048  }
0xb7: {  	_ =	sfence  }
0xb8: {  	s30 =	sld [smem:$0x0];
	_ =	sdelay $0x2  }
0xb9: {  	s31 =	sshll.u32 s1, $0xD;
	s1 =	sshrl.u32 s1, $0x2  }
0xba: {  	s3 =	sand.u32 $0x4000, s31;
	s1 =	sadd.s32 s1, s30  }
0xbb: {  	s0 =	sor.u32 s3, s0;
	s1 =	sshll.u32 s1, $0x11  }
0xbc: {  	s0 =	sor.u32 s1, s0  }
0xbd: {  	s0 =	sadd.s32 $0x8F2B, s0  }
0xbe: {  	[sflag:s0] =	ssyncadd.remote.s32 $0x1  }
0xbf: {  	_ =	sfence.sel $0xFFFF  }
0xc0: {  	[dreg:$0x0] =	wrdreg $0xFFFFFFFF;
	(pc) =	sbr.abs _section_cstart, $3  }
0xc1: {  	[dreg:$0x1] =	wrdreg $0xFFFFFFFF  }
0xc2: {  	_ =	task.clear_ibuf [dreg:s7], $0x2FFFF;
	_ =	strace $0x9FFFFFFF  }
0xc3: {  	(tm) =	ssettm $0x7FFFFFFF  }
tec
execute0_lowered:
.L_overlay_start_1:
0x0: {  	(tag) =	ssettag $0x1  }
0x1: {  	s0 =	rddreg [dreg:$0x0]  }
0x2: {  	s3 =	rddreg [dreg:$0x1]  }
0x3: {  	s1 =	rddreg [dreg:$0x2];
	s2 =	simm.s32 $0x0  }
0x4: {  	s4 =	srdreg.scid;
	s12 =	stileid.u32;
	s14 =	simm.s32 $0x12C0  }
0x5: {  	s15 =	simm.s32 $0x3;
	s16 =	simm.s32 $0x52C0;
	s17 =	simm.s32 $0x80  }
0x6: {  	s18 =	simm.s32 $0x55C0;
	s19 =	simm.s32 $0x5340;
	s20 =	simm.s32 $0x95C0  }
0x7: {  	s28 =	simm.s32 $0x155C0;
	s29 =	simm.s32 $0x2;
	s30 =	simm.s32 $0x0  }
0x8: {  	[smem:$0x7FF] =	sst s2;
	s4 =	sand.u32 $0x1, s4;
	s5 =	sadd.s32 $0x400, s3  }
0x9: {  	s7 =	sshll.u32 s12, $0xA;
	s3 =	sadd.s32 $0x2A00, s3;
	p0 =	sne.s32 s12, $0x0  }
0xa: {  	_ =	strace $0x80000047;
	s21 =	ssub.s32 $0x2, s4;
	s4 =	sshll.u32 s4, $0x9  }
0xb: {  	[dreg:$0x4] =	wrdreg s5;
	s6 =	sshrl.u32 s21, $0x1;
	s4 =	sor.u32 s4, s7  }
0xc: {  	s13 =	ssub.s32 s21, s6;
	s22 =	sshll.u32 s4, $0x4;
	s23 =	sshll.u32 s4, $0x5  }
0xd: {  	s4 =	sshrl.u32 s4, $0x3;
	s21 =	simm.s32 $0x1;
	s5 =	sadd.s32 s0, s22  }
0xe: {  	s24 =	sadd.s32 s3, s23;
	s25 =	sor.u32 $0x10, s4;
	s9 =	sor.u32 $0x20, s4  }
0xf: {  	s4 =	sor.u32 $0x30, s4;
	s12 =	smax.u32 s13, $0x1;
	s13 =	sshrl.u32 @!p0 s1, $0x3  }
0x10: {  	s22 =	simm.s32 $0x53C0;
	s23 =	simm.s32 $0x5440;
	[dreg:$0x5] =	wrdreg s5  }
0x11: {  	[dreg:$0x6] =	wrdreg s24;
	s26 =	sshll.u32 s25, $0x7;
	s8 =	sshll.u32 s25, $0x8  }
0x12: {  	s31 =	sshll.u32 s9, $0x7;
	s9 =	sshll.u32 s9, $0x8;
	s10 =	sshll.u32 s4, $0x7  }
0x13: {  	v0 =	vlaneseq.u32;
	s4 =	sshll.u32 s4, $0x8;
	s24 =	simm.s32 $0x54C0;
	s25 =	simm.s32 $0x5540  }
0x14: {  	v1 =	vor.u32 $0x80, v0;
	v2 =	vor.u32 $0x100, v0;
	s6 =	sadd.s32 s0, s26;
	s7 =	sadd.s32 s3, s8;
	s8 =	sadd.s32 s0, s31  }
0x15: {  	v3 =	vor.u32 $0x180, v0;
	v4 =	vor.u32 $0x200, v0;
	v5 =	vor.u32 $0x280, v0;
	s9 =	sadd.s32 s3, s9;
	s10 =	sadd.s32 s0, s10;
	s11 =	sadd.s32 s3, s4  }
.LBB2_1:
0x16: {  	s0 =	simm.s32 @!p0 $0x1C03;
	s3 =	rddreg [dreg:$0x4]  }
0x17: {  	[spmem:s13], [sflag:s0] =	dma.local @!p0 [hbm:s3], $0x2580  }
0x18: {  	s0 =	simm.s32 @!p0 $0x3  }
0x19: {  	_ =	swait.ge @!p0 [sflag:s0], $0x2580  }
0x1a: {  	[sflag:s0] =	ssyncset.done @!p0 $0x0  }
0x1b: {  	[sflag:s0] =	ssyncadd.s32 @!p0 $0xFFFFDA80  }
0x1c: {  	v6 =	vor.u32 s2, v0;
	[bflag:$0x0] =	sbarrier.arrive $0xFFFF  }
0x1d: {  	v7 =	vshll.u32 v6, $0x7;
	s26 =	rddreg [dreg:$0x5]  }
0x1e: {  	[tilespmem:s14], [sflag:$0x3] =	stream.linear.gather [hbm4b:s26+s2], $0x4000, $0x38;
	[tilespmem:$0x1D5C0] =	vst v63  }
0x1f: {  	_ =	swait.ge [sflag:s15], $0x4000  }
0x20: {  	[sflag:s15] =	ssyncset.done $0x0  }
0x21: {  	[sflag:s15] =	ssyncadd.s32 $0xFFFFC000  }
0x22: {  	v8 =	vld.idx.msk [tilespmem:v7+s14+$0x0], $0xffff  }
0x23: {  	v9 =	vor.u32 $0x1, v7;
	_ =	sdelay $0x3  }
0x24: {  	[tilespmem:v6+s16+$0x0] =	vst.idx.msk $0xffff, v8  }
0x25: {  	v6 =	vld.idx.msk [tilespmem:v9+s14+$0x0], $0xffff  }
0x26: {  	v8 =	vor.u32 s2, v1  }
0x27: {  	v9 =	vor.u32 $0x2, v7;
	_ =	sdelay $0x2  }
0x28: {  	v6 =	vadd.s32 $0x64, v6  }
0x29: {  	[tilespmem:v8+s16+$0x0] =	vst.idx.msk $0xffff, v6  }
0x2a: {  	v6 =	vld.idx.msk [tilespmem:v9+s14+$0x0], $0xffff  }
0x2b: {  	v8 =	vor.u32 s2, v2  }
0x2c: {  	v9 =	vor.u32 $0x3, v7;
	_ =	sdelay $0x2  }
0x2d: {  	v6 =	vadd.s32 $0xC8, v6  }
0x2e: {  	[tilespmem:v8+s16+$0x0] =	vst.idx.msk $0xffff, v6  }
0x2f: {  	v6 =	vld.idx.msk [tilespmem:v9+s14+$0x0], $0xffff  }
0x30: {  	v8 =	vor.u32 s2, v3  }
0x31: {  	v9 =	vor.u32 $0x4, v7;
	_ =	sdelay $0x2  }
0x32: {  	v6 =	vadd.s32 $0x12C, v6  }
0x33: {  	[tilespmem:v8+s16+$0x0] =	vst.idx.msk $0xffff, v6  }
0x34: {  	v6 =	vld.idx.msk [tilespmem:v9+s14+$0x0], $0xffff  }
0x35: {  	v8 =	vor.u32 s2, v4  }
0x36: {  	v7 =	vor.u32 $0x5, v7;
	_ =	sdelay $0x2  }
0x37: {  	v6 =	vadd.s32 $0x190, v6  }
0x38: {  	[tilespmem:v8+s16+$0x0] =	vst.idx.msk $0xffff, v6  }
0x39: {  	s31 =	simm.s32 $0x10;
	v9 =	vld.idx.msk [tilespmem:v7+s14+$0x0], $0xffff  }
0x3a: {  	v8 =	vor.u32 s2, v5;
	v7 =	vor.u32 s31, v0  }
0x3b: {  	v6 =	vshll.u32 v7, $0x7;
	_ =	sdelay $0x2  }
0x3c: {  	s0 =	simm.s32 $0x20;
	v9 =	vadd.s32 $0x1F4, v9  }
.LBB2_2:
0x3d: {  	p1 =	sne.s32 s0, $0x70;
	[tilespmem:v8+s16+$0x0] =	vst.idx.msk $0xffff, v9;
	s3 =	smov.u32 s0;
	s0 =	sadd.s32 $0x10, s0  }
0x3e: {  	v8 =	vld.idx.msk [tilespmem:v6+s14+$0x0], $0xffff;
	_ =	sdelay $0x1  }
0x3f: {  	v9 =	vor.u32 $0x1, v6;
	_ =	sdelay $0x3  }
0x40: {  	[tilespmem:v7+s16+$0x0] =	vst.idx.msk $0xffff, v8  }
0x41: {  	v7 =	vld.idx.msk [tilespmem:v9+s14+$0x0], $0xffff;
	_ =	sdelay $0x1  }
0x42: {  	v8 =	vor.u32 s31, v1  }
0x43: {  	v9 =	vor.u32 $0x2, v6;
	_ =	sdelay $0x2  }
0x44: {  	v7 =	vadd.s32 $0x64, v7  }
0x45: {  	[tilespmem:v8+s16+$0x0] =	vst.idx.msk $0xffff, v7  }
0x46: {  	v7 =	vld.idx.msk [tilespmem:v9+s14+$0x0], $0xffff;
	_ =	sdelay $0x1  }
0x47: {  	v8 =	vor.u32 s31, v2  }
0x48: {  	v9 =	vor.u32 $0x3, v6;
	_ =	sdelay $0x2  }
0x49: {  	v7 =	vadd.s32 $0xC8, v7  }
0x4a: {  	[tilespmem:v8+s16+$0x0] =	vst.idx.msk $0xffff, v7  }
0x4b: {  	v7 =	vld.idx.msk [tilespmem:v9+s14+$0x0], $0xffff;
	_ =	sdelay $0x1  }
0x4c: {  	v8 =	vor.u32 s31, v3  }
0x4d: {  	v9 =	vor.u32 $0x4, v6;
	_ =	sdelay $0x2  }
0x4e: {  	v7 =	vadd.s32 $0x12C, v7  }
0x4f: {  	[tilespmem:v8+s16+$0x0] =	vst.idx.msk $0xffff, v7  }
0x50: {  	v7 =	vld.idx.msk [tilespmem:v9+s14+$0x0], $0xffff;
	_ =	sdelay $0x1  }
0x51: {  	v8 =	vor.u32 s31, v4  }
0x52: {  	v6 =	vor.u32 $0x5, v6;
	_ =	sdelay $0x2  }
0x53: {  	v7 =	vadd.s32 $0x190, v7  }
0x54: {  	[tilespmem:v8+s16+$0x0] =	vst.idx.msk $0xffff, v7  }
0x55: {  	v9 =	vld.idx.msk [tilespmem:v6+s14+$0x0], $0xffff;
	_ =	sdelay $0x1  }
.Ltmp0:
0x56: {  	v7 =	vor.u32 s3, v0;
	v8 =	vor.u32 s31, v5;
	s31 =	smov.u32 s3;
	(pc) =	sbr.rel @p1 .LBB2_2-.Ltmp0, $2  }
0x57: {  	v6 =	vshll.u32 v7, $0x7;
	_ =	sdelay $0x2  }
0x58: {  	v9 =	vadd.s32 $0x1F4, v9  }
0x59: {  	_ =	sdelay $0x3  }
0x5a: {  	[tilespmem:v8+s16+$0x0] =	vst.idx.msk $0xffff, v9  }
0x5b: {  	v8 =	vld.idx.msk [tilespmem:v6+s14+$0x0], $0xffff  }
0x5c: {  	v60 =	vor.u32 $0x1, v6;
	_ =	sdelay $0x3  }
0x5d: {  	[tilespmem:v7+s16+$0x0] =	vst.idx.msk $0xffff, v8  }
0x5e: {  	v7 =	vld.idx.msk [tilespmem:v60+s14+$0x0], $0xffff  }
0x5f: {  	v8 =	vor.u32 s31, v1  }
0x60: {  	v61 =	vor.u32 $0x2, v6;
	_ =	sdelay $0x2  }
0x61: {  	v7 =	vadd.s32 $0x64, v7  }
0x62: {  	[tilespmem:v8+s16+$0x0] =	vst.idx.msk $0xffff, v7  }
0x63: {  	v7 =	vld.idx.msk [tilespmem:v61+s14+$0x0], $0xffff  }
0x64: {  	v8 =	vor.u32 s31, v2  }
0x65: {  	v62 =	vor.u32 $0x3, v6;
	_ =	sdelay $0x2  }
0x66: {  	v7 =	vadd.s32 $0xC8, v7  }
0x67: {  	[tilespmem:v8+s16+$0x0] =	vst.idx.msk $0xffff, v7  }
0x68: {  	v7 =	vld.idx.msk [tilespmem:v62+s14+$0x0], $0xffff  }
0x69: {  	v8 =	vor.u32 s31, v3  }
0x6a: {  	v63 =	vor.u32 $0x4, v6;
	_ =	sdelay $0x2  }
0x6b: {  	v7 =	vadd.s32 $0x12C, v7  }
0x6c: {  	[tilespmem:v8+s16+$0x0] =	vst.idx.msk $0xffff, v7  }
0x6d: {  	v7 =	vld.idx.msk [tilespmem:v63+s14+$0x0], $0xffff  }
0x6e: {  	v8 =	vor.u32 s31, v4  }
0x6f: {  	v6 =	vor.u32 $0x5, v6;
	_ =	sdelay $0x2  }
0x70: {  	v7 =	vadd.s32 $0x190, v7  }
0x71: {  	[tilespmem:v8+s16+$0x0] =	vst.idx.msk $0xffff, v7  }
0x72: {  	v6 =	vld.idx.msk [tilespmem:v6+s14+$0x0], $0xffff  }
0x73: {  	v7 =	vor.u32 s31, v5;
	_ =	sdelay $0x3  }
0x74: {  	v6 =	vadd.s32 $0x1F4, v6  }
0x75: {  	[tilespmem:v7+s16+$0x0] =	vst.idx.msk $0xffff, v6  }
0x76: {  	[tilespmem:s18], [sflag:$0x1] =	stream.indirect.gather [spmem:s1], $0x80, s16, s17, $0xb8;
	[tilespmem:$0x1D5C0] =	vst v63  }
0x77: {  	_ = 	snop  }
0x78: {  	[tilespmem:s20], [sflag:$0x1] =	stream.indirect.gather [spmem:s1], $0x80, s19, s17, $0xb8;
	[tilespmem:$0x1D5C0] =	vst v63  }
0x79: {  	_ =	swait.ge [sflag:s21], $0x4000  }
0x7a: {  	[sflag:s21] =	ssyncset.done $0x0  }
0x7b: {  	s3 =	simm.s32 $0x55D0;
	[sflag:s21] =	ssyncadd.s32 $0xFFFFC000  }
0x7c: {  	v6 =	vld [tilespmem:s3+$0xFFFFFFF0];
	_ =	sdelay $0x1  }
0x7d: {  	s0 =	simm.s32 $0x0  }
0x7e: {  	s4 =	sand.u32 $0x7800, s0;
	s31 =	sand.u32 $0x380, s0  }
0x7f: {  	s4 =	sor.u32 s31, s4  }
0x80: {  	[tilespmem:s4+$0xD5C0] =	vst v6  }
0x81: {  	v6 =	vld [tilespmem:s3+$0x0];
	_ =	sdelay $0x4  }
0x82: {  	s3 =	simm.s32 $0x5650;
	[tilespmem:s4+$0xD5D0] =	vst v6  }
0x83: {  	s31 =	simm.s32 $0x80;
	s4 =	simm.s32 $0x100;
	v6 =	vld [tilespmem:s3+$0xFFFFFFF0]  }
.LBB2_4:
0x84: {  	p1 =	sne.s32 s4, $0x3F80  }
0x85: {  	s0 =	sadd.s32 $0x100, s0  }
0x86: {  	s26 =	sand.u32 $0x380, s31;
	s31 =	smov.u32 s4;
	s5 =	sand.u32 $0x7800, s0  }
0x87: {  	s5 =	sor.u32 s26, s5  }
0x88: {  	[tilespmem:s5+$0xD5C0] =	vst v6  }
0x89: {  	v6 =	vld [tilespmem:s3+$0x0];
	_ =	sdelay $0x1  }
.Ltmp1:
0x8a: {  	(pc) =	sbr.rel @p1 .LBB2_4-.Ltmp1, $3  }
0x8b: {  	_ =	sdelay $0x1  }
0x8c: {  	s3 =	sadd.s32 $0x80, s3;
	[tilespmem:s5+$0xD5D0] =	vst v6  }
0x8d: {  	s4 =	sadd.s32 $0x80, s4;
	v6 =	vld [tilespmem:s3+$0xFFFFFFF0]  }
0x8e: {  	_ = 	snop  }
0x8f: {  	s0 =	sadd.s32 $0x100, s0  }
0x90: {  	s4 =	sand.u32 $0x380, s31;
	s0 =	sand.u32 $0x7800, s0  }
0x91: {  	s0 =	sor.u32 s4, s0  }
0x92: {  	[tilespmem:s0+$0xD5C0] =	vst v6  }
0x93: {  	v6 =	vld [tilespmem:s3+$0x0];
	_ =	sdelay $0x4  }
0x94: {  	[tilespmem:s0+$0xD5D0] =	vst v6  }
0x95: {  	[tilespmem:s18], [sflag:$0x1] =	stream.indirect.gather [spmem:s1], $0x80, s22, s17, $0xb8;
	[tilespmem:$0x1D5C0] =	vst v63  }
0x96: {  	_ =	swait.ge [sflag:s21], $0x4000  }
0x97: {  	[sflag:s21] =	ssyncset.done $0x0  }
0x98: {  	s3 =	simm.s32 $0x95D0;
	[sflag:s21] =	ssyncadd.s32 $0xFFFFC000  }
0x99: {  	v6 =	vld [tilespmem:s3+$0xFFFFFFF0];
	_ =	sdelay $0x1  }
0x9a: {  	s0 =	simm.s32 $0x0  }
0x9b: {  	s26 =	sand.u32 $0x7800, s0;
	s5 =	sand.u32 $0x380, s0  }
0x9c: {  	s4 =	sor.u32 s5, s26  }
0x9d: {  	[tilespmem:s4+$0xD5E0] =	vst v6  }
0x9e: {  	v6 =	vld [tilespmem:s3+$0x0];
	_ =	sdelay $0x4  }
0x9f: {  	s3 =	simm.s32 $0x9650;
	[tilespmem:s4+$0xD5F0] =	vst v6  }
0xa0: {  	s31 =	simm.s32 $0x80;
	s4 =	simm.s32 $0x100;
	v6 =	vld [tilespmem:s3+$0xFFFFFFF0]  }
.LBB2_6:
0xa1: {  	p1 =	sne.s32 s4, $0x3F80  }
0xa2: {  	s0 =	sadd.s32 $0x100, s0  }
0xa3: {  	s26 =	sand.u32 $0x380, s31;
	s31 =	smov.u32 s4;
	s5 =	sand.u32 $0x7800, s0  }
0xa4: {  	s5 =	sor.u32 s26, s5  }
0xa5: {  	[tilespmem:s5+$0xD5E0] =	vst v6  }
0xa6: {  	v6 =	vld [tilespmem:s3+$0x0];
	_ =	sdelay $0x1  }
.Ltmp2:
0xa7: {  	(pc) =	sbr.rel @p1 .LBB2_6-.Ltmp2, $3  }
0xa8: {  	_ =	sdelay $0x1  }
0xa9: {  	s3 =	sadd.s32 $0x80, s3;
	[tilespmem:s5+$0xD5F0] =	vst v6  }
0xaa: {  	s4 =	sadd.s32 $0x80, s4;
	v6 =	vld [tilespmem:s3+$0xFFFFFFF0]  }
0xab: {  	_ = 	snop  }
0xac: {  	s0 =	sadd.s32 $0x100, s0  }
0xad: {  	s4 =	sand.u32 $0x380, s31;
	s0 =	sand.u32 $0x7800, s0  }
0xae: {  	s0 =	sor.u32 s4, s0  }
0xaf: {  	[tilespmem:s0+$0xD5E0] =	vst v6  }
0xb0: {  	v6 =	vld [tilespmem:s3+$0x0];
	_ =	sdelay $0x4  }
0xb1: {  	[tilespmem:s0+$0xD5F0] =	vst v6  }
0xb2: {  	[tilespmem:s20], [sflag:$0x1] =	stream.indirect.gather [spmem:s1], $0x80, s23, s17, $0xb8;
	[tilespmem:$0x1D5C0] =	vst v63  }
0xb3: {  	_ =	swait.ge [sflag:s21], $0x4000  }
0xb4: {  	[sflag:s21] =	ssyncset.done $0x0  }
0xb5: {  	s3 =	simm.s32 $0x55D0;
	[sflag:s21] =	ssyncadd.s32 $0xFFFFC000  }
0xb6: {  	v6 =	vld [tilespmem:s3+$0xFFFFFFF0];
	_ =	sdelay $0x1  }
0xb7: {  	s0 =	simm.s32 $0x0  }
0xb8: {  	s26 =	sand.u32 $0x7800, s0;
	s5 =	sand.u32 $0x380, s0  }
0xb9: {  	s4 =	sor.u32 s5, s26  }
0xba: {  	[tilespmem:s4+$0xD600] =	vst v6  }
0xbb: {  	v6 =	vld [tilespmem:s3+$0x0];
	_ =	sdelay $0x4  }
0xbc: {  	s3 =	simm.s32 $0x5650;
	[tilespmem:s4+$0xD610] =	vst v6  }
0xbd: {  	s31 =	simm.s32 $0x80;
	s4 =	simm.s32 $0x100;
	v6 =	vld [tilespmem:s3+$0xFFFFFFF0]  }
.LBB2_8:
0xbe: {  	p1 =	sne.s32 s4, $0x3F80  }
0xbf: {  	s0 =	sadd.s32 $0x100, s0  }
0xc0: {  	s26 =	sand.u32 $0x380, s31;
	s31 =	smov.u32 s4;
	s5 =	sand.u32 $0x7800, s0  }
0xc1: {  	s5 =	sor.u32 s26, s5  }
0xc2: {  	[tilespmem:s5+$0xD600] =	vst v6  }
0xc3: {  	v6 =	vld [tilespmem:s3+$0x0];
	_ =	sdelay $0x1  }
.Ltmp3:
0xc4: {  	(pc) =	sbr.rel @p1 .LBB2_8-.Ltmp3, $3  }
0xc5: {  	_ =	sdelay $0x1  }
0xc6: {  	s3 =	sadd.s32 $0x80, s3;
	[tilespmem:s5+$0xD610] =	vst v6  }
0xc7: {  	s4 =	sadd.s32 $0x80, s4;
	v6 =	vld [tilespmem:s3+$0xFFFFFFF0]  }
0xc8: {  	_ = 	snop  }
0xc9: {  	s0 =	sadd.s32 $0x100, s0  }
0xca: {  	s4 =	sand.u32 $0x380, s31;
	s0 =	sand.u32 $0x7800, s0  }
0xcb: {  	s0 =	sor.u32 s4, s0  }
0xcc: {  	[tilespmem:s0+$0xD600] =	vst v6  }
0xcd: {  	v6 =	vld [tilespmem:s3+$0x0];
	_ =	sdelay $0x4  }
0xce: {  	[tilespmem:s0+$0xD610] =	vst v6  }
0xcf: {  	[tilespmem:s18], [sflag:$0x1] =	stream.indirect.gather [spmem:s1], $0x80, s24, s17, $0xb8;
	[tilespmem:$0x1D5C0] =	vst v63  }
0xd0: {  	_ =	swait.ge [sflag:s21], $0x4000  }
0xd1: {  	[sflag:s21] =	ssyncset.done $0x0  }
0xd2: {  	s3 =	simm.s32 $0x95D0;
	[sflag:s21] =	ssyncadd.s32 $0xFFFFC000  }
0xd3: {  	v6 =	vld [tilespmem:s3+$0xFFFFFFF0];
	_ =	sdelay $0x1  }
0xd4: {  	s0 =	simm.s32 $0x0  }
0xd5: {  	s26 =	sand.u32 $0x7800, s0;
	s5 =	sand.u32 $0x380, s0  }
0xd6: {  	s4 =	sor.u32 s5, s26  }
0xd7: {  	[tilespmem:s4+$0xD620] =	vst v6  }
0xd8: {  	v6 =	vld [tilespmem:s3+$0x0];
	_ =	sdelay $0x4  }
0xd9: {  	s3 =	simm.s32 $0x9650;
	[tilespmem:s4+$0xD630] =	vst v6  }
0xda: {  	s31 =	simm.s32 $0x80;
	s4 =	simm.s32 $0x100;
	v6 =	vld [tilespmem:s3+$0xFFFFFFF0]  }
.LBB2_10:
0xdb: {  	p1 =	sne.s32 s4, $0x3F80  }
0xdc: {  	s0 =	sadd.s32 $0x100, s0  }
0xdd: {  	s26 =	sand.u32 $0x380, s31;
	s31 =	smov.u32 s4;
	s5 =	sand.u32 $0x7800, s0  }
0xde: {  	s5 =	sor.u32 s26, s5  }
0xdf: {  	[tilespmem:s5+$0xD620] =	vst v6  }
0xe0: {  	v6 =	vld [tilespmem:s3+$0x0];
	_ =	sdelay $0x1  }
.Ltmp4:
0xe1: {  	(pc) =	sbr.rel @p1 .LBB2_10-.Ltmp4, $3  }
0xe2: {  	_ =	sdelay $0x1  }
0xe3: {  	s3 =	sadd.s32 $0x80, s3;
	[tilespmem:s5+$0xD630] =	vst v6  }
0xe4: {  	s4 =	sadd.s32 $0x80, s4;
	v6 =	vld [tilespmem:s3+$0xFFFFFFF0]  }
0xe5: {  	_ = 	snop  }
0xe6: {  	s0 =	sadd.s32 $0x100, s0  }
0xe7: {  	s4 =	sand.u32 $0x380, s31;
	s0 =	sand.u32 $0x7800, s0  }
0xe8: {  	s0 =	sor.u32 s4, s0  }
0xe9: {  	[tilespmem:s0+$0xD620] =	vst v6  }
0xea: {  	v6 =	vld [tilespmem:s3+$0x0];
	_ =	sdelay $0x4  }
0xeb: {  	[tilespmem:s0+$0xD630] =	vst v6  }
0xec: {  	[tilespmem:s20], [sflag:$0x1] =	stream.indirect.gather [spmem:s1], $0x80, s25, s17, $0xb8;
	[tilespmem:$0x1D5C0] =	vst v63  }
0xed: {  	_ =	swait.ge [sflag:s21], $0x4000  }
0xee: {  	[sflag:s21] =	ssyncset.done $0x0  }
0xef: {  	s3 =	simm.s32 $0x55D0;
	[sflag:s21] =	ssyncadd.s32 $0xFFFFC000  }
0xf0: {  	v6 =	vld [tilespmem:s3+$0xFFFFFFF0];
	_ =	sdelay $0x1  }
0xf1: {  	s0 =	simm.s32 $0x0  }
0xf2: {  	s26 =	sand.u32 $0x7800, s0;
	s5 =	sand.u32 $0x380, s0  }
0xf3: {  	s4 =	sor.u32 s5, s26  }
0xf4: {  	[tilespmem:s4+$0xD9C0] =	vst v6  }
0xf5: {  	v6 =	vld [tilespmem:s3+$0x0];
	_ =	sdelay $0x4  }
0xf6: {  	s3 =	simm.s32 $0x5650;
	[tilespmem:s4+$0xD9D0] =	vst v6  }
0xf7: {  	s31 =	simm.s32 $0x80;
	s4 =	simm.s32 $0x100;
	v6 =	vld [tilespmem:s3+$0xFFFFFFF0]  }
.LBB2_12:
0xf8: {  	p1 =	sne.s32 s4, $0x3F80  }
0xf9: {  	s0 =	sadd.s32 $0x100, s0  }
0xfa: {  	s26 =	sand.u32 $0x380, s31;
	s31 =	smov.u32 s4;
	s5 =	sand.u32 $0x7800, s0  }
0xfb: {  	s5 =	sor.u32 s26, s5  }
0xfc: {  	[tilespmem:s5+$0xD9C0] =	vst v6  }
0xfd: {  	v6 =	vld [tilespmem:s3+$0x0];
	_ =	sdelay $0x1  }
.Ltmp5:
0xfe: {  	(pc) =	sbr.rel @p1 .LBB2_12-.Ltmp5, $3  }
0xff: {  	_ =	sdelay $0x1  }
0x100: {  	s3 =	sadd.s32 $0x80, s3;
	[tilespmem:s5+$0xD9D0] =	vst v6  }
0x101: {  	s4 =	sadd.s32 $0x80, s4;
	v6 =	vld [tilespmem:s3+$0xFFFFFFF0]  }
0x102: {  	_ = 	snop  }
0x103: {  	s0 =	sadd.s32 $0x100, s0  }
0x104: {  	s4 =	sand.u32 $0x380, s31;
	s0 =	sand.u32 $0x7800, s0  }
0x105: {  	s0 =	sor.u32 s4, s0  }
0x106: {  	[tilespmem:s0+$0xD9C0] =	vst v6  }
0x107: {  	v6 =	vld [tilespmem:s3+$0x0];
	_ =	sdelay $0x4  }
0x108: {  	[tilespmem:s0+$0xD9D0] =	vst v6  }
0x109: {  	_ =	swait.ge [sflag:s21], $0x4000  }
0x10a: {  	[sflag:s21] =	ssyncset.done $0x0  }
0x10b: {  	s3 =	simm.s32 $0x95D0;
	[sflag:s21] =	ssyncadd.s32 $0xFFFFC000  }
0x10c: {  	v6 =	vld [tilespmem:s3+$0xFFFFFFF0];
	_ =	sdelay $0x1  }
0x10d: {  	s0 =	simm.s32 $0x0  }
0x10e: {  	s26 =	sand.u32 $0x7800, s0;
	s5 =	sand.u32 $0x380, s0  }
0x10f: {  	s4 =	sor.u32 s5, s26  }
0x110: {  	[tilespmem:s4+$0xD9E0] =	vst v6  }
0x111: {  	v6 =	vld [tilespmem:s3+$0x0];
	_ =	sdelay $0x4  }
0x112: {  	s3 =	simm.s32 $0x9650;
	[tilespmem:s4+$0xD9F0] =	vst v6  }
0x113: {  	s31 =	simm.s32 $0x80;
	s4 =	simm.s32 $0x100;
	v6 =	vld [tilespmem:s3+$0xFFFFFFF0]  }
.LBB2_14:
0x114: {  	p1 =	sne.s32 s4, $0x3F80  }
0x115: {  	s0 =	sadd.s32 $0x100, s0  }
0x116: {  	s26 =	sand.u32 $0x380, s31;
	s31 =	smov.u32 s4;
	s5 =	sand.u32 $0x7800, s0  }
0x117: {  	s5 =	sor.u32 s26, s5  }
0x118: {  	[tilespmem:s5+$0xD9E0] =	vst v6  }
0x119: {  	v6 =	vld [tilespmem:s3+$0x0];
	_ =	sdelay $0x1  }
.Ltmp6:
0x11a: {  	(pc) =	sbr.rel @p1 .LBB2_14-.Ltmp6, $3  }
0x11b: {  	_ =	sdelay $0x1  }
0x11c: {  	s3 =	sadd.s32 $0x80, s3;
	[tilespmem:s5+$0xD9F0] =	vst v6  }
0x11d: {  	s4 =	sadd.s32 $0x80, s4;
	v6 =	vld [tilespmem:s3+$0xFFFFFFF0]  }
0x11e: {  	_ = 	snop  }
0x11f: {  	s0 =	sadd.s32 $0x100, s0  }
0x120: {  	s4 =	sand.u32 $0x380, s31;
	s0 =	sand.u32 $0x7800, s0  }
0x121: {  	s0 =	sor.u32 s4, s0  }
0x122: {  	[tilespmem:s0+$0xD9E0] =	vst v6  }
0x123: {  	v6 =	vld [tilespmem:s3+$0x0];
	_ =	sdelay $0x4  }
0x124: {  	s5 =	rddreg [dreg:$0x6];
	s26 =	simm.s32 $0xD5C0;
	s3 =	simm.s32 $0x0;
	[tilespmem:s0+$0xD9F0] =	vst v6  }
0x125: {  	v6 =	vor.u32 s3, v0;
	[hbm4b:s5+s3] =	stream.linear.scatter [tilespmem:s26], [sflag:$0x2], $0x8000, $0x38;
	[tilespmem:$0x1D5C0] =	vst v63  }
0x126: {  	v7 =	vshll.u32 v6, $0x7  }
0x127: {  	[tilespmem:s14], [sflag:$0x3] =	stream.linear.gather [hbm4b:s6+s3], $0x4000, $0x38;
	[tilespmem:$0x1D5C0] =	vst v63  }
0x128: {  	_ =	swait.ge [sflag:s15], $0x4000  }
0x129: {  	[sflag:s15] =	ssyncset.done $0x0  }
0x12a: {  	[sflag:s15] =	ssyncadd.s32 $0xFFFFC000  }
0x12b: {  	v8 =	vld.idx.msk [tilespmem:v7+s14+$0x0], $0xffff  }
0x12c: {  	v9 =	vor.u32 $0x1, v7;
	_ =	sdelay $0x3  }
0x12d: {  	[tilespmem:v6+s16+$0x0] =	vst.idx.msk $0xffff, v8  }
0x12e: {  	v6 =	vld.idx.msk [tilespmem:v9+s14+$0x0], $0xffff  }
0x12f: {  	v8 =	vor.u32 s3, v1  }
0x130: {  	v9 =	vor.u32 $0x2, v7;
	_ =	sdelay $0x2  }
0x131: {  	v6 =	vadd.s32 $0x64, v6  }
0x132: {  	[tilespmem:v8+s16+$0x0] =	vst.idx.msk $0xffff, v6  }
0x133: {  	v6 =	vld.idx.msk [tilespmem:v9+s14+$0x0], $0xffff  }
0x134: {  	v8 =	vor.u32 s3, v2  }
0x135: {  	v9 =	vor.u32 $0x3, v7;
	_ =	sdelay $0x2  }
0x136: {  	v6 =	vadd.s32 $0xC8, v6  }
0x137: {  	[tilespmem:v8+s16+$0x0] =	vst.idx.msk $0xffff, v6  }
0x138: {  	v6 =	vld.idx.msk [tilespmem:v9+s14+$0x0], $0xffff  }
0x139: {  	v8 =	vor.u32 s3, v3  }
0x13a: {  	v9 =	vor.u32 $0x4, v7;
	_ =	sdelay $0x2  }
0x13b: {  	v6 =	vadd.s32 $0x12C, v6  }
0x13c: {  	[tilespmem:v8+s16+$0x0] =	vst.idx.msk $0xffff, v6  }
0x13d: {  	v6 =	vld.idx.msk [tilespmem:v9+s14+$0x0], $0xffff  }
0x13e: {  	v8 =	vor.u32 s3, v4  }
0x13f: {  	v7 =	vor.u32 $0x5, v7;
	_ =	sdelay $0x2  }
0x140: {  	v6 =	vadd.s32 $0x190, v6  }
0x141: {  	[tilespmem:v8+s16+$0x0] =	vst.idx.msk $0xffff, v6  }
0x142: {  	s31 =	simm.s32 $0x10;
	v9 =	vld.idx.msk [tilespmem:v7+s14+$0x0], $0xffff  }
0x143: {  	v8 =	vor.u32 s3, v5;
	v7 =	vor.u32 s31, v0  }
0x144: {  	v6 =	vshll.u32 v7, $0x7;
	_ =	sdelay $0x2  }
0x145: {  	s0 =	simm.s32 $0x20;
	v9 =	vadd.s32 $0x1F4, v9  }
.LBB2_16:
0x146: {  	p1 =	sne.s32 s0, $0x70;
	[tilespmem:v8+s16+$0x0] =	vst.idx.msk $0xffff, v9;
	s3 =	smov.u32 s0;
	s0 =	sadd.s32 $0x10, s0  }
0x147: {  	v8 =	vld.idx.msk [tilespmem:v6+s14+$0x0], $0xffff;
	_ =	sdelay $0x1  }
0x148: {  	v9 =	vor.u32 $0x1, v6;
	_ =	sdelay $0x3  }
0x149: {  	[tilespmem:v7+s16+$0x0] =	vst.idx.msk $0xffff, v8  }
0x14a: {  	v7 =	vld.idx.msk [tilespmem:v9+s14+$0x0], $0xffff;
	_ =	sdelay $0x1  }
0x14b: {  	v8 =	vor.u32 s31, v1  }
0x14c: {  	v9 =	vor.u32 $0x2, v6;
	_ =	sdelay $0x2  }
0x14d: {  	v7 =	vadd.s32 $0x64, v7  }
0x14e: {  	[tilespmem:v8+s16+$0x0] =	vst.idx.msk $0xffff, v7  }
0x14f: {  	v7 =	vld.idx.msk [tilespmem:v9+s14+$0x0], $0xffff;
	_ =	sdelay $0x1  }
0x150: {  	v8 =	vor.u32 s31, v2  }
0x151: {  	v9 =	vor.u32 $0x3, v6;
	_ =	sdelay $0x2  }
0x152: {  	v7 =	vadd.s32 $0xC8, v7  }
0x153: {  	[tilespmem:v8+s16+$0x0] =	vst.idx.msk $0xffff, v7  }
0x154: {  	v7 =	vld.idx.msk [tilespmem:v9+s14+$0x0], $0xffff;
	_ =	sdelay $0x1  }
0x155: {  	v8 =	vor.u32 s31, v3  }
0x156: {  	v9 =	vor.u32 $0x4, v6;
	_ =	sdelay $0x2  }
0x157: {  	v7 =	vadd.s32 $0x12C, v7  }
0x158: {  	[tilespmem:v8+s16+$0x0] =	vst.idx.msk $0xffff, v7  }
0x159: {  	v7 =	vld.idx.msk [tilespmem:v9+s14+$0x0], $0xffff;
	_ =	sdelay $0x1  }
0x15a: {  	v8 =	vor.u32 s31, v4  }
0x15b: {  	v6 =	vor.u32 $0x5, v6;
	_ =	sdelay $0x2  }
0x15c: {  	v7 =	vadd.s32 $0x190, v7  }
0x15d: {  	[tilespmem:v8+s16+$0x0] =	vst.idx.msk $0xffff, v7  }
0x15e: {  	v9 =	vld.idx.msk [tilespmem:v6+s14+$0x0], $0xffff;
	_ =	sdelay $0x1  }
.Ltmp7:
0x15f: {  	v7 =	vor.u32 s3, v0;
	v8 =	vor.u32 s31, v5;
	s31 =	smov.u32 s3;
	(pc) =	sbr.rel @p1 .LBB2_16-.Ltmp7, $2  }
0x160: {  	v6 =	vshll.u32 v7, $0x7;
	_ =	sdelay $0x2  }
0x161: {  	v9 =	vadd.s32 $0x1F4, v9  }
0x162: {  	_ =	sdelay $0x3  }
0x163: {  	[tilespmem:v8+s16+$0x0] =	vst.idx.msk $0xffff, v9  }
0x164: {  	v8 =	vld.idx.msk [tilespmem:v6+s14+$0x0], $0xffff  }
0x165: {  	v60 =	vor.u32 $0x1, v6;
	_ =	sdelay $0x3  }
0x166: {  	[tilespmem:v7+s16+$0x0] =	vst.idx.msk $0xffff, v8  }
0x167: {  	v7 =	vld.idx.msk [tilespmem:v60+s14+$0x0], $0xffff  }
0x168: {  	v8 =	vor.u32 s31, v1  }
0x169: {  	v61 =	vor.u32 $0x2, v6;
	_ =	sdelay $0x2  }
0x16a: {  	v7 =	vadd.s32 $0x64, v7  }
0x16b: {  	[tilespmem:v8+s16+$0x0] =	vst.idx.msk $0xffff, v7  }
0x16c: {  	v7 =	vld.idx.msk [tilespmem:v61+s14+$0x0], $0xffff  }
0x16d: {  	v8 =	vor.u32 s31, v2  }
0x16e: {  	v62 =	vor.u32 $0x3, v6;
	_ =	sdelay $0x2  }
0x16f: {  	v7 =	vadd.s32 $0xC8, v7  }
0x170: {  	[tilespmem:v8+s16+$0x0] =	vst.idx.msk $0xffff, v7  }
0x171: {  	v7 =	vld.idx.msk [tilespmem:v62+s14+$0x0], $0xffff  }
0x172: {  	v8 =	vor.u32 s31, v3  }
0x173: {  	v63 =	vor.u32 $0x4, v6;
	_ =	sdelay $0x2  }
0x174: {  	v7 =	vadd.s32 $0x12C, v7  }
0x175: {  	[tilespmem:v8+s16+$0x0] =	vst.idx.msk $0xffff, v7  }
0x176: {  	v7 =	vld.idx.msk [tilespmem:v63+s14+$0x0], $0xffff  }
0x177: {  	v8 =	vor.u32 s31, v4  }
0x178: {  	v6 =	vor.u32 $0x5, v6;
	_ =	sdelay $0x2  }
0x179: {  	v7 =	vadd.s32 $0x190, v7  }
0x17a: {  	[tilespmem:v8+s16+$0x0] =	vst.idx.msk $0xffff, v7  }
0x17b: {  	v6 =	vld.idx.msk [tilespmem:v6+s14+$0x0], $0xffff  }
0x17c: {  	v7 =	vor.u32 s31, v5;
	_ =	sdelay $0x3  }
0x17d: {  	v6 =	vadd.s32 $0x1F4, v6  }
0x17e: {  	[tilespmem:v7+s16+$0x0] =	vst.idx.msk $0xffff, v6  }
0x17f: {  	[tilespmem:s18], [sflag:$0x1] =	stream.indirect.gather [spmem:s1], $0x80, s16, s17, $0xb8;
	[tilespmem:$0x1D5C0] =	vst v63  }
0x180: {  	_ = 	snop  }
0x181: {  	[tilespmem:s20], [sflag:$0x1] =	stream.indirect.gather [spmem:s1], $0x80, s19, s17, $0xb8;
	[tilespmem:$0x1D5C0] =	vst v63  }
0x182: {  	_ =	swait.ge [sflag:s21], $0x4000  }
0x183: {  	[sflag:s21] =	ssyncset.done $0x0  }
0x184: {  	s3 =	simm.s32 $0x55D0;
	[sflag:s21] =	ssyncadd.s32 $0xFFFFC000  }
0x185: {  	v6 =	vld [tilespmem:s3+$0xFFFFFFF0];
	_ =	sdelay $0x1  }
0x186: {  	s0 =	simm.s32 $0x0  }
0x187: {  	s4 =	sand.u32 $0x7800, s0;
	s5 =	sand.u32 $0x380, s0  }
0x188: {  	s4 =	sor.u32 s5, s4  }
0x189: {  	[tilespmem:s4+$0x155C0] =	vst v6  }
0x18a: {  	v6 =	vld [tilespmem:s3+$0x0];
	_ =	sdelay $0x3  }
0x18b: {  	s26 =	sadd.s32 $0x155C0, s4  }
0x18c: {  	s3 =	simm.s32 $0x5650;
	[tilespmem:s26+$0x10] =	vst v6  }
0x18d: {  	s31 =	simm.s32 $0x80;
	s4 =	simm.s32 $0x100;
	v6 =	vld [tilespmem:s3+$0xFFFFFFF0]  }
.LBB2_18:
0x18e: {  	p1 =	sne.s32 s4, $0x3F80  }
0x18f: {  	s0 =	sadd.s32 $0x100, s0  }
0x190: {  	s26 =	sand.u32 $0x380, s31;
	s31 =	smov.u32 s4;
	s5 =	sand.u32 $0x7800, s0  }
0x191: {  	s5 =	sor.u32 s26, s5  }
0x192: {  	[tilespmem:s5+$0x155C0] =	vst v6  }
0x193: {  	v6 =	vld [tilespmem:s3+$0x0];
	_ =	sdelay $0x1  }
.Ltmp8:
0x194: {  	(pc) =	sbr.rel @p1 .LBB2_18-.Ltmp8, $4  }
0x195: {  	_ = 	snop  }
0x196: {  	s5 =	sadd.s32 $0x155C0, s5  }
0x197: {  	s3 =	sadd.s32 $0x80, s3;
	[tilespmem:s5+$0x10] =	vst v6  }
0x198: {  	s4 =	sadd.s32 $0x80, s4;
	v6 =	vld [tilespmem:s3+$0xFFFFFFF0]  }
0x199: {  	_ = 	snop  }
0x19a: {  	s0 =	sadd.s32 $0x100, s0  }
0x19b: {  	s4 =	sand.u32 $0x380, s31;
	s0 =	sand.u32 $0x7800, s0  }
0x19c: {  	s0 =	sor.u32 s4, s0  }
0x19d: {  	[tilespmem:s0+$0x155C0] =	vst v6  }
0x19e: {  	v6 =	vld [tilespmem:s3+$0x0];
	_ =	sdelay $0x3  }
0x19f: {  	s0 =	sadd.s32 $0x155C0, s0  }
0x1a0: {  	[tilespmem:s0+$0x10] =	vst v6  }
0x1a1: {  	[tilespmem:s18], [sflag:$0x1] =	stream.indirect.gather [spmem:s1], $0x80, s22, s17, $0xb8;
	[tilespmem:$0x1D5C0] =	vst v63  }
0x1a2: {  	_ =	swait.ge [sflag:s21], $0x4000  }
0x1a3: {  	[sflag:s21] =	ssyncset.done $0x0  }
0x1a4: {  	s3 =	simm.s32 $0x95D0;
	[sflag:s21] =	ssyncadd.s32 $0xFFFFC000  }
0x1a5: {  	v6 =	vld [tilespmem:s3+$0xFFFFFFF0]  }
0x1a6: {  	s0 =	simm.s32 $0x0  }
0x1a7: {  	s26 =	sand.u32 $0x7800, s0;
	s5 =	sand.u32 $0x380, s0  }
0x1a8: {  	s4 =	sor.u32 s5, s26  }
0x1a9: {  	s4 =	sadd.s32 $0x155C0, s4  }
0x1aa: {  	[tilespmem:s4+$0x20] =	vst v6  }
0x1ab: {  	v6 =	vld [tilespmem:s3+$0x0];
	_ =	sdelay $0x4  }
0x1ac: {  	s3 =	simm.s32 $0x9650;
	[tilespmem:s4+$0x30] =	vst v6  }
0x1ad: {  	s31 =	simm.s32 $0x80;
	s4 =	simm.s32 $0x100;
	v6 =	vld [tilespmem:s3+$0xFFFFFFF0]  }
.LBB2_20:
0x1ae: {  	p1 =	sne.s32 s4, $0x3F80;
	s0 =	sadd.s32 $0x100, s0  }
0x1af: {  	s26 =	sand.u32 $0x380, s31;
	s31 =	smov.u32 s4;
	s5 =	sand.u32 $0x7800, s0  }
0x1b0: {  	s5 =	sor.u32 s26, s5  }
0x1b1: {  	s5 =	sadd.s32 $0x155C0, s5  }
0x1b2: {  	[tilespmem:s5+$0x20] =	vst v6  }
0x1b3: {  	v6 =	vld [tilespmem:s3+$0x0];
	_ =	sdelay $0x1  }
.Ltmp9:
0x1b4: {  	(pc) =	sbr.rel @p1 .LBB2_20-.Ltmp9, $3  }
0x1b5: {  	_ =	sdelay $0x1  }
0x1b6: {  	s3 =	sadd.s32 $0x80, s3;
	[tilespmem:s5+$0x30] =	vst v6  }
0x1b7: {  	s4 =	sadd.s32 $0x80, s4;
	v6 =	vld [tilespmem:s3+$0xFFFFFFF0]  }
0x1b8: {  	s0 =	sadd.s32 $0x100, s0  }
0x1b9: {  	s4 =	sand.u32 $0x380, s31;
	s0 =	sand.u32 $0x7800, s0  }
0x1ba: {  	s0 =	sor.u32 s4, s0  }
0x1bb: {  	s0 =	sadd.s32 $0x155C0, s0  }
0x1bc: {  	[tilespmem:s0+$0x20] =	vst v6  }
0x1bd: {  	v6 =	vld [tilespmem:s3+$0x0];
	_ =	sdelay $0x4  }
0x1be: {  	[tilespmem:s0+$0x30] =	vst v6  }
0x1bf: {  	[tilespmem:s20], [sflag:$0x1] =	stream.indirect.gather [spmem:s1], $0x80, s23, s17, $0xb8;
	[tilespmem:$0x1D5C0] =	vst v63  }
0x1c0: {  	_ =	swait.ge [sflag:s21], $0x4000  }
0x1c1: {  	[sflag:s21] =	ssyncset.done $0x0  }
0x1c2: {  	s3 =	simm.s32 $0x55D0;
	[sflag:s21] =	ssyncadd.s32 $0xFFFFC000  }
0x1c3: {  	v6 =	vld [tilespmem:s3+$0xFFFFFFF0]  }
0x1c4: {  	s0 =	simm.s32 $0x0  }
0x1c5: {  	s26 =	sand.u32 $0x7800, s0;
	s5 =	sand.u32 $0x380, s0  }
0x1c6: {  	s4 =	sor.u32 s5, s26  }
0x1c7: {  	s4 =	sadd.s32 $0x155C0, s4  }
0x1c8: {  	[tilespmem:s4+$0x40] =	vst v6  }
0x1c9: {  	v6 =	vld [tilespmem:s3+$0x0];
	_ =	sdelay $0x4  }
0x1ca: {  	s3 =	simm.s32 $0x5650;
	[tilespmem:s4+$0x50] =	vst v6  }
0x1cb: {  	s31 =	simm.s32 $0x80;
	s4 =	simm.s32 $0x100;
	v6 =	vld [tilespmem:s3+$0xFFFFFFF0]  }
.LBB2_22:
0x1cc: {  	p1 =	sne.s32 s4, $0x3F80;
	s0 =	sadd.s32 $0x100, s0  }
0x1cd: {  	s26 =	sand.u32 $0x380, s31;
	s31 =	smov.u32 s4;
	s5 =	sand.u32 $0x7800, s0  }
0x1ce: {  	s5 =	sor.u32 s26, s5  }
0x1cf: {  	s5 =	sadd.s32 $0x155C0, s5  }
0x1d0: {  	[tilespmem:s5+$0x40] =	vst v6  }
0x1d1: {  	v6 =	vld [tilespmem:s3+$0x0];
	_ =	sdelay $0x1  }
.Ltmp10:
0x1d2: {  	(pc) =	sbr.rel @p1 .LBB2_22-.Ltmp10, $3  }
0x1d3: {  	_ =	sdelay $0x1  }
0x1d4: {  	s3 =	sadd.s32 $0x80, s3;
	[tilespmem:s5+$0x50] =	vst v6  }
0x1d5: {  	s4 =	sadd.s32 $0x80, s4;
	v6 =	vld [tilespmem:s3+$0xFFFFFFF0]  }
0x1d6: {  	s0 =	sadd.s32 $0x100, s0  }
0x1d7: {  	s4 =	sand.u32 $0x380, s31;
	s0 =	sand.u32 $0x7800, s0  }
0x1d8: {  	s0 =	sor.u32 s4, s0  }
0x1d9: {  	s0 =	sadd.s32 $0x155C0, s0  }
0x1da: {  	[tilespmem:s0+$0x40] =	vst v6  }
0x1db: {  	v6 =	vld [tilespmem:s3+$0x0];
	_ =	sdelay $0x4  }
0x1dc: {  	[tilespmem:s0+$0x50] =	vst v6  }
0x1dd: {  	[tilespmem:s18], [sflag:$0x1] =	stream.indirect.gather [spmem:s1], $0x80, s24, s17, $0xb8;
	[tilespmem:$0x1D5C0] =	vst v63  }
0x1de: {  	_ =	swait.ge [sflag:s21], $0x4000  }
0x1df: {  	[sflag:s21] =	ssyncset.done $0x0  }
0x1e0: {  	s3 =	simm.s32 $0x95D0;
	[sflag:s21] =	ssyncadd.s32 $0xFFFFC000  }
0x1e1: {  	v6 =	vld [tilespmem:s3+$0xFFFFFFF0]  }
0x1e2: {  	s0 =	simm.s32 $0x0  }
0x1e3: {  	s26 =	sand.u32 $0x7800, s0;
	s5 =	sand.u32 $0x380, s0  }
0x1e4: {  	s4 =	sor.u32 s5, s26  }
0x1e5: {  	s4 =	sadd.s32 $0x155C0, s4  }
0x1e6: {  	[tilespmem:s4+$0x60] =	vst v6  }
0x1e7: {  	v6 =	vld [tilespmem:s3+$0x0];
	_ =	sdelay $0x4  }
0x1e8: {  	s3 =	simm.s32 $0x9650;
	[tilespmem:s4+$0x70] =	vst v6  }
0x1e9: {  	s31 =	simm.s32 $0x80;
	s4 =	simm.s32 $0x100;
	v6 =	vld [tilespmem:s3+$0xFFFFFFF0]  }
.LBB2_24:
0x1ea: {  	p1 =	sne.s32 s4, $0x3F80;
	s0 =	sadd.s32 $0x100, s0  }
0x1eb: {  	s26 =	sand.u32 $0x380, s31;
	s31 =	smov.u32 s4;
	s5 =	sand.u32 $0x7800, s0  }
0x1ec: {  	s5 =	sor.u32 s26, s5  }
0x1ed: {  	s5 =	sadd.s32 $0x155C0, s5  }
0x1ee: {  	[tilespmem:s5+$0x60] =	vst v6  }
0x1ef: {  	v6 =	vld [tilespmem:s3+$0x0];
	_ =	sdelay $0x1  }
.Ltmp11:
0x1f0: {  	(pc) =	sbr.rel @p1 .LBB2_24-.Ltmp11, $3  }
0x1f1: {  	_ =	sdelay $0x1  }
0x1f2: {  	s3 =	sadd.s32 $0x80, s3;
	[tilespmem:s5+$0x70] =	vst v6  }
0x1f3: {  	s4 =	sadd.s32 $0x80, s4;
	v6 =	vld [tilespmem:s3+$0xFFFFFFF0]  }
0x1f4: {  	s0 =	sadd.s32 $0x100, s0  }
0x1f5: {  	s4 =	sand.u32 $0x380, s31;
	s0 =	sand.u32 $0x7800, s0  }
0x1f6: {  	s0 =	sor.u32 s4, s0  }
0x1f7: {  	s0 =	sadd.s32 $0x155C0, s0  }
0x1f8: {  	[tilespmem:s0+$0x60] =	vst v6  }
0x1f9: {  	v6 =	vld [tilespmem:s3+$0x0];
	_ =	sdelay $0x4  }
0x1fa: {  	[tilespmem:s0+$0x70] =	vst v6  }
0x1fb: {  	[tilespmem:s20], [sflag:$0x1] =	stream.indirect.gather [spmem:s1], $0x80, s25, s17, $0xb8;
	[tilespmem:$0x1D5C0] =	vst v63  }
0x1fc: {  	_ =	swait.ge [sflag:s21], $0x4000  }
0x1fd: {  	[sflag:s21] =	ssyncset.done $0x0  }
0x1fe: {  	s3 =	simm.s32 $0x55D0;
	[sflag:s21] =	ssyncadd.s32 $0xFFFFC000  }
0x1ff: {  	v6 =	vld [tilespmem:s3+$0xFFFFFFF0]  }
0x200: {  	s0 =	simm.s32 $0x0  }
0x201: {  	s26 =	sand.u32 $0x7800, s0;
	s5 =	sand.u32 $0x380, s0  }
0x202: {  	s4 =	sor.u32 s5, s26  }
0x203: {  	s4 =	sadd.s32 $0x155C0, s4  }
0x204: {  	[tilespmem:s4+$0x400] =	vst v6  }
0x205: {  	v6 =	vld [tilespmem:s3+$0x0];
	_ =	sdelay $0x4  }
0x206: {  	s3 =	simm.s32 $0x5650;
	[tilespmem:s4+$0x410] =	vst v6  }
0x207: {  	s31 =	simm.s32 $0x80;
	s4 =	simm.s32 $0x100;
	v6 =	vld [tilespmem:s3+$0xFFFFFFF0]  }
.LBB2_26:
0x208: {  	p1 =	sne.s32 s4, $0x3F80;
	s0 =	sadd.s32 $0x100, s0  }
0x209: {  	s26 =	sand.u32 $0x380, s31;
	s31 =	smov.u32 s4;
	s5 =	sand.u32 $0x7800, s0  }
0x20a: {  	s5 =	sor.u32 s26, s5  }
0x20b: {  	s5 =	sadd.s32 $0x155C0, s5  }
0x20c: {  	[tilespmem:s5+$0x400] =	vst v6  }
0x20d: {  	v6 =	vld [tilespmem:s3+$0x0];
	_ =	sdelay $0x1  }
.Ltmp12:
0x20e: {  	(pc) =	sbr.rel @p1 .LBB2_26-.Ltmp12, $3  }
0x20f: {  	_ =	sdelay $0x1  }
0x210: {  	s3 =	sadd.s32 $0x80, s3;
	[tilespmem:s5+$0x410] =	vst v6  }
0x211: {  	s4 =	sadd.s32 $0x80, s4;
	v6 =	vld [tilespmem:s3+$0xFFFFFFF0]  }
0x212: {  	s0 =	sadd.s32 $0x100, s0  }
0x213: {  	s4 =	sand.u32 $0x380, s31;
	s0 =	sand.u32 $0x7800, s0  }
0x214: {  	s0 =	sor.u32 s4, s0  }
0x215: {  	s0 =	sadd.s32 $0x155C0, s0  }
0x216: {  	[tilespmem:s0+$0x400] =	vst v6  }
0x217: {  	v6 =	vld [tilespmem:s3+$0x0];
	_ =	sdelay $0x4  }
0x218: {  	[tilespmem:s0+$0x410] =	vst v6  }
0x219: {  	_ =	swait.ge [sflag:s21], $0x4000  }
0x21a: {  	[sflag:s21] =	ssyncset.done $0x0  }
0x21b: {  	s3 =	simm.s32 $0x95D0;
	[sflag:s21] =	ssyncadd.s32 $0xFFFFC000  }
0x21c: {  	v6 =	vld [tilespmem:s3+$0xFFFFFFF0]  }
0x21d: {  	s0 =	simm.s32 $0x0  }
0x21e: {  	s26 =	sand.u32 $0x7800, s0;
	s5 =	sand.u32 $0x380, s0  }
0x21f: {  	s4 =	sor.u32 s5, s26  }
0x220: {  	s4 =	sadd.s32 $0x155C0, s4  }
0x221: {  	[tilespmem:s4+$0x420] =	vst v6  }
0x222: {  	v6 =	vld [tilespmem:s3+$0x0];
	_ =	sdelay $0x4  }
0x223: {  	s3 =	simm.s32 $0x9650;
	[tilespmem:s4+$0x430] =	vst v6  }
0x224: {  	s31 =	simm.s32 $0x80;
	s4 =	simm.s32 $0x100;
	v6 =	vld [tilespmem:s3+$0xFFFFFFF0]  }
.LBB2_28:
0x225: {  	p1 =	sne.s32 s4, $0x3F80;
	s0 =	sadd.s32 $0x100, s0  }
0x226: {  	s26 =	sand.u32 $0x380, s31;
	s31 =	smov.u32 s4;
	s5 =	sand.u32 $0x7800, s0  }
0x227: {  	s5 =	sor.u32 s26, s5  }
0x228: {  	s5 =	sadd.s32 $0x155C0, s5  }
0x229: {  	[tilespmem:s5+$0x420] =	vst v6  }
0x22a: {  	v6 =	vld [tilespmem:s3+$0x0];
	_ =	sdelay $0x1  }
.Ltmp13:
0x22b: {  	(pc) =	sbr.rel @p1 .LBB2_28-.Ltmp13, $3  }
0x22c: {  	_ =	sdelay $0x1  }
0x22d: {  	s3 =	sadd.s32 $0x80, s3;
	[tilespmem:s5+$0x430] =	vst v6  }
0x22e: {  	s4 =	sadd.s32 $0x80, s4;
	v6 =	vld [tilespmem:s3+$0xFFFFFFF0]  }
0x22f: {  	s0 =	sadd.s32 $0x100, s0  }
0x230: {  	s4 =	sand.u32 $0x380, s31;
	s0 =	sand.u32 $0x7800, s0  }
0x231: {  	s0 =	sor.u32 s4, s0  }
0x232: {  	s0 =	sadd.s32 $0x155C0, s0  }
0x233: {  	[tilespmem:s0+$0x420] =	vst v6  }
0x234: {  	v6 =	vld [tilespmem:s3+$0x0];
	_ =	sdelay $0x4  }
0x235: {  	s26 =	simm.s32 $0x0;
	[tilespmem:s0+$0x430] =	vst v6  }
0x236: {  	[hbm4b:s7+s26] =	stream.linear.scatter [tilespmem:s28], [sflag:$0x2], $0x8000, $0x38;
	[tilespmem:$0x1D5C0] =	vst v63  }
0x237: {  	_ =	swait.ge [sflag:s29], $0x8000  }
0x238: {  	v6 =	vor.u32 s26, v0;
	[sflag:s29] =	ssyncset.done $0x0  }
0x239: {  	v7 =	vshll.u32 v6, $0x7;
	[sflag:s29] =	ssyncadd.s32 $0xFFFF8000  }
0x23a: {  	[tilespmem:s14], [sflag:$0x3] =	stream.linear.gather [hbm4b:s8+s26], $0x4000, $0x38;
	[tilespmem:$0x1D5C0] =	vst v63  }
0x23b: {  	_ =	swait.ge [sflag:s15], $0x4000  }
0x23c: {  	[sflag:s15] =	ssyncset.done $0x0  }
0x23d: {  	[sflag:s15] =	ssyncadd.s32 $0xFFFFC000  }
0x23e: {  	v8 =	vld.idx.msk [tilespmem:v7+s14+$0x0], $0xffff  }
0x23f: {  	v9 =	vor.u32 $0x1, v7;
	_ =	sdelay $0x3  }
0x240: {  	[tilespmem:v6+s16+$0x0] =	vst.idx.msk $0xffff, v8  }
0x241: {  	v6 =	vld.idx.msk [tilespmem:v9+s14+$0x0], $0xffff  }
0x242: {  	v8 =	vor.u32 s26, v1  }
0x243: {  	v9 =	vor.u32 $0x2, v7;
	_ =	sdelay $0x2  }
0x244: {  	v6 =	vadd.s32 $0x64, v6  }
0x245: {  	[tilespmem:v8+s16+$0x0] =	vst.idx.msk $0xffff, v6  }
0x246: {  	v6 =	vld.idx.msk [tilespmem:v9+s14+$0x0], $0xffff  }
0x247: {  	v8 =	vor.u32 s26, v2  }
0x248: {  	v9 =	vor.u32 $0x3, v7;
	_ =	sdelay $0x2  }
0x249: {  	v6 =	vadd.s32 $0xC8, v6  }
0x24a: {  	[tilespmem:v8+s16+$0x0] =	vst.idx.msk $0xffff, v6  }
0x24b: {  	v6 =	vld.idx.msk [tilespmem:v9+s14+$0x0], $0xffff  }
0x24c: {  	v8 =	vor.u32 s26, v3  }
0x24d: {  	v9 =	vor.u32 $0x4, v7;
	_ =	sdelay $0x2  }
0x24e: {  	v6 =	vadd.s32 $0x12C, v6  }
0x24f: {  	[tilespmem:v8+s16+$0x0] =	vst.idx.msk $0xffff, v6  }
0x250: {  	v6 =	vld.idx.msk [tilespmem:v9+s14+$0x0], $0xffff  }
0x251: {  	v8 =	vor.u32 s26, v4  }
0x252: {  	v7 =	vor.u32 $0x5, v7;
	_ =	sdelay $0x2  }
0x253: {  	v6 =	vadd.s32 $0x190, v6  }
0x254: {  	[tilespmem:v8+s16+$0x0] =	vst.idx.msk $0xffff, v6  }
0x255: {  	s31 =	simm.s32 $0x10;
	v9 =	vld.idx.msk [tilespmem:v7+s14+$0x0], $0xffff  }
0x256: {  	v8 =	vor.u32 s26, v5;
	v7 =	vor.u32 s31, v0  }
0x257: {  	v6 =	vshll.u32 v7, $0x7;
	_ =	sdelay $0x2  }
0x258: {  	s0 =	simm.s32 $0x20;
	v9 =	vadd.s32 $0x1F4, v9  }
.LBB2_30:
0x259: {  	p1 =	sne.s32 s0, $0x70;
	[tilespmem:v8+s16+$0x0] =	vst.idx.msk $0xffff, v9;
	s3 =	smov.u32 s0;
	s0 =	sadd.s32 $0x10, s0  }
0x25a: {  	v8 =	vld.idx.msk [tilespmem:v6+s14+$0x0], $0xffff;
	_ =	sdelay $0x1  }
0x25b: {  	v9 =	vor.u32 $0x1, v6;
	_ =	sdelay $0x3  }
0x25c: {  	[tilespmem:v7+s16+$0x0] =	vst.idx.msk $0xffff, v8  }
0x25d: {  	v7 =	vld.idx.msk [tilespmem:v9+s14+$0x0], $0xffff;
	_ =	sdelay $0x1  }
0x25e: {  	v8 =	vor.u32 s31, v1  }
0x25f: {  	v9 =	vor.u32 $0x2, v6;
	_ =	sdelay $0x2  }
0x260: {  	v7 =	vadd.s32 $0x64, v7  }
0x261: {  	[tilespmem:v8+s16+$0x0] =	vst.idx.msk $0xffff, v7  }
0x262: {  	v7 =	vld.idx.msk [tilespmem:v9+s14+$0x0], $0xffff;
	_ =	sdelay $0x1  }
0x263: {  	v8 =	vor.u32 s31, v2  }
0x264: {  	v9 =	vor.u32 $0x3, v6;
	_ =	sdelay $0x2  }
0x265: {  	v7 =	vadd.s32 $0xC8, v7  }
0x266: {  	[tilespmem:v8+s16+$0x0] =	vst.idx.msk $0xffff, v7  }
0x267: {  	v7 =	vld.idx.msk [tilespmem:v9+s14+$0x0], $0xffff;
	_ =	sdelay $0x1  }
0x268: {  	v8 =	vor.u32 s31, v3  }
0x269: {  	v9 =	vor.u32 $0x4, v6;
	_ =	sdelay $0x2  }
0x26a: {  	v7 =	vadd.s32 $0x12C, v7  }
0x26b: {  	[tilespmem:v8+s16+$0x0] =	vst.idx.msk $0xffff, v7  }
0x26c: {  	v7 =	vld.idx.msk [tilespmem:v9+s14+$0x0], $0xffff;
	_ =	sdelay $0x1  }
0x26d: {  	v8 =	vor.u32 s31, v4  }
0x26e: {  	v6 =	vor.u32 $0x5, v6;
	_ =	sdelay $0x2  }
0x26f: {  	v7 =	vadd.s32 $0x190, v7  }
0x270: {  	[tilespmem:v8+s16+$0x0] =	vst.idx.msk $0xffff, v7  }
0x271: {  	v9 =	vld.idx.msk [tilespmem:v6+s14+$0x0], $0xffff;
	_ =	sdelay $0x1  }
.Ltmp14:
0x272: {  	v7 =	vor.u32 s3, v0;
	v8 =	vor.u32 s31, v5;
	s31 =	smov.u32 s3;
	(pc) =	sbr.rel @p1 .LBB2_30-.Ltmp14, $2  }
0x273: {  	v6 =	vshll.u32 v7, $0x7;
	_ =	sdelay $0x2  }
0x274: {  	v9 =	vadd.s32 $0x1F4, v9  }
0x275: {  	_ =	sdelay $0x3  }
0x276: {  	[tilespmem:v8+s16+$0x0] =	vst.idx.msk $0xffff, v9  }
0x277: {  	v8 =	vld.idx.msk [tilespmem:v6+s14+$0x0], $0xffff  }
0x278: {  	v60 =	vor.u32 $0x1, v6;
	_ =	sdelay $0x3  }
0x279: {  	[tilespmem:v7+s16+$0x0] =	vst.idx.msk $0xffff, v8  }
0x27a: {  	v7 =	vld.idx.msk [tilespmem:v60+s14+$0x0], $0xffff  }
0x27b: {  	v8 =	vor.u32 s31, v1  }
0x27c: {  	v61 =	vor.u32 $0x2, v6;
	_ =	sdelay $0x2  }
0x27d: {  	v7 =	vadd.s32 $0x64, v7  }
0x27e: {  	[tilespmem:v8+s16+$0x0] =	vst.idx.msk $0xffff, v7  }
0x27f: {  	v7 =	vld.idx.msk [tilespmem:v61+s14+$0x0], $0xffff  }
0x280: {  	v8 =	vor.u32 s31, v2  }
0x281: {  	v62 =	vor.u32 $0x3, v6;
	_ =	sdelay $0x2  }
0x282: {  	v7 =	vadd.s32 $0xC8, v7  }
0x283: {  	[tilespmem:v8+s16+$0x0] =	vst.idx.msk $0xffff, v7  }
0x284: {  	v7 =	vld.idx.msk [tilespmem:v62+s14+$0x0], $0xffff  }
0x285: {  	v8 =	vor.u32 s31, v3  }
0x286: {  	v63 =	vor.u32 $0x4, v6;
	_ =	sdelay $0x2  }
0x287: {  	v7 =	vadd.s32 $0x12C, v7  }
0x288: {  	[tilespmem:v8+s16+$0x0] =	vst.idx.msk $0xffff, v7  }
0x289: {  	v7 =	vld.idx.msk [tilespmem:v63+s14+$0x0], $0xffff  }
0x28a: {  	v8 =	vor.u32 s31, v4  }
0x28b: {  	v6 =	vor.u32 $0x5, v6;
	_ =	sdelay $0x2  }
0x28c: {  	v7 =	vadd.s32 $0x190, v7  }
0x28d: {  	[tilespmem:v8+s16+$0x0] =	vst.idx.msk $0xffff, v7  }
0x28e: {  	v6 =	vld.idx.msk [tilespmem:v6+s14+$0x0], $0xffff  }
0x28f: {  	v7 =	vor.u32 s31, v5;
	_ =	sdelay $0x3  }
0x290: {  	v6 =	vadd.s32 $0x1F4, v6  }
0x291: {  	[tilespmem:v7+s16+$0x0] =	vst.idx.msk $0xffff, v6  }
0x292: {  	[tilespmem:s18], [sflag:$0x1] =	stream.indirect.gather [spmem:s1], $0x80, s16, s17, $0xb8;
	[tilespmem:$0x1D5C0] =	vst v63  }
0x293: {  	_ = 	snop  }
0x294: {  	[tilespmem:s20], [sflag:$0x1] =	stream.indirect.gather [spmem:s1], $0x80, s19, s17, $0xb8;
	[tilespmem:$0x1D5C0] =	vst v63  }
0x295: {  	_ =	swait.ge [sflag:s21], $0x4000  }
0x296: {  	[sflag:s21] =	ssyncset.done $0x0  }
0x297: {  	s3 =	simm.s32 $0x55D0;
	[sflag:s21] =	ssyncadd.s32 $0xFFFFC000  }
0x298: {  	v6 =	vld [tilespmem:s3+$0xFFFFFFF0];
	_ =	sdelay $0x1  }
0x299: {  	s0 =	simm.s32 $0x0  }
0x29a: {  	s4 =	sand.u32 $0x7800, s0;
	s5 =	sand.u32 $0x380, s0  }
0x29b: {  	s4 =	sor.u32 s5, s4  }
0x29c: {  	[tilespmem:s4+$0xD5C0] =	vst v6  }
0x29d: {  	v6 =	vld [tilespmem:s3+$0x0];
	_ =	sdelay $0x4  }
0x29e: {  	s3 =	simm.s32 $0x5650;
	[tilespmem:s4+$0xD5D0] =	vst v6  }
0x29f: {  	s31 =	simm.s32 $0x80;
	s4 =	simm.s32 $0x100;
	v6 =	vld [tilespmem:s3+$0xFFFFFFF0]  }
.LBB2_32:
0x2a0: {  	p1 =	sne.s32 s4, $0x3F80  }
0x2a1: {  	s0 =	sadd.s32 $0x100, s0  }
0x2a2: {  	s26 =	sand.u32 $0x380, s31;
	s31 =	smov.u32 s4;
	s5 =	sand.u32 $0x7800, s0  }
0x2a3: {  	s5 =	sor.u32 s26, s5  }
0x2a4: {  	[tilespmem:s5+$0xD5C0] =	vst v6  }
0x2a5: {  	v6 =	vld [tilespmem:s3+$0x0];
	_ =	sdelay $0x1  }
.Ltmp15:
0x2a6: {  	(pc) =	sbr.rel @p1 .LBB2_32-.Ltmp15, $3  }
0x2a7: {  	_ =	sdelay $0x1  }
0x2a8: {  	s3 =	sadd.s32 $0x80, s3;
	[tilespmem:s5+$0xD5D0] =	vst v6  }
0x2a9: {  	s4 =	sadd.s32 $0x80, s4;
	v6 =	vld [tilespmem:s3+$0xFFFFFFF0]  }
0x2aa: {  	_ = 	snop  }
0x2ab: {  	s0 =	sadd.s32 $0x100, s0  }
0x2ac: {  	s4 =	sand.u32 $0x380, s31;
	s0 =	sand.u32 $0x7800, s0  }
0x2ad: {  	s0 =	sor.u32 s4, s0  }
0x2ae: {  	[tilespmem:s0+$0xD5C0] =	vst v6  }
0x2af: {  	v6 =	vld [tilespmem:s3+$0x0];
	_ =	sdelay $0x4  }
0x2b0: {  	[tilespmem:s0+$0xD5D0] =	vst v6  }
0x2b1: {  	[tilespmem:s18], [sflag:$0x1] =	stream.indirect.gather [spmem:s1], $0x80, s22, s17, $0xb8;
	[tilespmem:$0x1D5C0] =	vst v63  }
0x2b2: {  	_ =	swait.ge [sflag:s21], $0x4000  }
0x2b3: {  	[sflag:s21] =	ssyncset.done $0x0  }
0x2b4: {  	s3 =	simm.s32 $0x95D0;
	[sflag:s21] =	ssyncadd.s32 $0xFFFFC000  }
0x2b5: {  	v6 =	vld [tilespmem:s3+$0xFFFFFFF0];
	_ =	sdelay $0x1  }
0x2b6: {  	s0 =	simm.s32 $0x0  }
0x2b7: {  	s26 =	sand.u32 $0x7800, s0;
	s5 =	sand.u32 $0x380, s0  }
0x2b8: {  	s4 =	sor.u32 s5, s26  }
0x2b9: {  	[tilespmem:s4+$0xD5E0] =	vst v6  }
0x2ba: {  	v6 =	vld [tilespmem:s3+$0x0];
	_ =	sdelay $0x4  }
0x2bb: {  	s3 =	simm.s32 $0x9650;
	[tilespmem:s4+$0xD5F0] =	vst v6  }
0x2bc: {  	s31 =	simm.s32 $0x80;
	s4 =	simm.s32 $0x100;
	v6 =	vld [tilespmem:s3+$0xFFFFFFF0]  }
.LBB2_34:
0x2bd: {  	p1 =	sne.s32 s4, $0x3F80  }
0x2be: {  	s0 =	sadd.s32 $0x100, s0  }
0x2bf: {  	s26 =	sand.u32 $0x380, s31;
	s31 =	smov.u32 s4;
	s5 =	sand.u32 $0x7800, s0  }
0x2c0: {  	s5 =	sor.u32 s26, s5  }
0x2c1: {  	[tilespmem:s5+$0xD5E0] =	vst v6  }
0x2c2: {  	v6 =	vld [tilespmem:s3+$0x0];
	_ =	sdelay $0x1  }
.Ltmp16:
0x2c3: {  	(pc) =	sbr.rel @p1 .LBB2_34-.Ltmp16, $3  }
0x2c4: {  	_ =	sdelay $0x1  }
0x2c5: {  	s3 =	sadd.s32 $0x80, s3;
	[tilespmem:s5+$0xD5F0] =	vst v6  }
0x2c6: {  	s4 =	sadd.s32 $0x80, s4;
	v6 =	vld [tilespmem:s3+$0xFFFFFFF0]  }
0x2c7: {  	_ = 	snop  }
0x2c8: {  	s0 =	sadd.s32 $0x100, s0  }
0x2c9: {  	s4 =	sand.u32 $0x380, s31;
	s0 =	sand.u32 $0x7800, s0  }
0x2ca: {  	s0 =	sor.u32 s4, s0  }
0x2cb: {  	[tilespmem:s0+$0xD5E0] =	vst v6  }
0x2cc: {  	v6 =	vld [tilespmem:s3+$0x0];
	_ =	sdelay $0x4  }
0x2cd: {  	[tilespmem:s0+$0xD5F0] =	vst v6  }
0x2ce: {  	[tilespmem:s20], [sflag:$0x1] =	stream.indirect.gather [spmem:s1], $0x80, s23, s17, $0xb8;
	[tilespmem:$0x1D5C0] =	vst v63  }
0x2cf: {  	_ =	swait.ge [sflag:s21], $0x4000  }
0x2d0: {  	[sflag:s21] =	ssyncset.done $0x0  }
0x2d1: {  	s3 =	simm.s32 $0x55D0;
	[sflag:s21] =	ssyncadd.s32 $0xFFFFC000  }
0x2d2: {  	v6 =	vld [tilespmem:s3+$0xFFFFFFF0];
	_ =	sdelay $0x1  }
0x2d3: {  	s0 =	simm.s32 $0x0  }
0x2d4: {  	s26 =	sand.u32 $0x7800, s0;
	s5 =	sand.u32 $0x380, s0  }
0x2d5: {  	s4 =	sor.u32 s5, s26  }
0x2d6: {  	[tilespmem:s4+$0xD600] =	vst v6  }
0x2d7: {  	v6 =	vld [tilespmem:s3+$0x0];
	_ =	sdelay $0x4  }
0x2d8: {  	s3 =	simm.s32 $0x5650;
	[tilespmem:s4+$0xD610] =	vst v6  }
0x2d9: {  	s31 =	simm.s32 $0x80;
	s4 =	simm.s32 $0x100;
	v6 =	vld [tilespmem:s3+$0xFFFFFFF0]  }
.LBB2_36:
0x2da: {  	p1 =	sne.s32 s4, $0x3F80  }
0x2db: {  	s0 =	sadd.s32 $0x100, s0  }
0x2dc: {  	s26 =	sand.u32 $0x380, s31;
	s31 =	smov.u32 s4;
	s5 =	sand.u32 $0x7800, s0  }
0x2dd: {  	s5 =	sor.u32 s26, s5  }
0x2de: {  	[tilespmem:s5+$0xD600] =	vst v6  }
0x2df: {  	v6 =	vld [tilespmem:s3+$0x0];
	_ =	sdelay $0x1  }
.Ltmp17:
0x2e0: {  	(pc) =	sbr.rel @p1 .LBB2_36-.Ltmp17, $3  }
0x2e1: {  	_ =	sdelay $0x1  }
0x2e2: {  	s3 =	sadd.s32 $0x80, s3;
	[tilespmem:s5+$0xD610] =	vst v6  }
0x2e3: {  	s4 =	sadd.s32 $0x80, s4;
	v6 =	vld [tilespmem:s3+$0xFFFFFFF0]  }
0x2e4: {  	_ = 	snop  }
0x2e5: {  	s0 =	sadd.s32 $0x100, s0  }
0x2e6: {  	s4 =	sand.u32 $0x380, s31;
	s0 =	sand.u32 $0x7800, s0  }
0x2e7: {  	s0 =	sor.u32 s4, s0  }
0x2e8: {  	[tilespmem:s0+$0xD600] =	vst v6  }
0x2e9: {  	v6 =	vld [tilespmem:s3+$0x0];
	_ =	sdelay $0x4  }
0x2ea: {  	[tilespmem:s0+$0xD610] =	vst v6  }
0x2eb: {  	[tilespmem:s18], [sflag:$0x1] =	stream.indirect.gather [spmem:s1], $0x80, s24, s17, $0xb8;
	[tilespmem:$0x1D5C0] =	vst v63  }
0x2ec: {  	_ =	swait.ge [sflag:s21], $0x4000  }
0x2ed: {  	[sflag:s21] =	ssyncset.done $0x0  }
0x2ee: {  	s3 =	simm.s32 $0x95D0;
	[sflag:s21] =	ssyncadd.s32 $0xFFFFC000  }
0x2ef: {  	v6 =	vld [tilespmem:s3+$0xFFFFFFF0];
	_ =	sdelay $0x1  }
0x2f0: {  	s0 =	simm.s32 $0x0  }
0x2f1: {  	s26 =	sand.u32 $0x7800, s0;
	s5 =	sand.u32 $0x380, s0  }
0x2f2: {  	s4 =	sor.u32 s5, s26  }
0x2f3: {  	[tilespmem:s4+$0xD620] =	vst v6  }
0x2f4: {  	v6 =	vld [tilespmem:s3+$0x0];
	_ =	sdelay $0x4  }
0x2f5: {  	s3 =	simm.s32 $0x9650;
	[tilespmem:s4+$0xD630] =	vst v6  }
0x2f6: {  	s31 =	simm.s32 $0x80;
	s4 =	simm.s32 $0x100;
	v6 =	vld [tilespmem:s3+$0xFFFFFFF0]  }
.LBB2_38:
0x2f7: {  	p1 =	sne.s32 s4, $0x3F80  }
0x2f8: {  	s0 =	sadd.s32 $0x100, s0  }
0x2f9: {  	s26 =	sand.u32 $0x380, s31;
	s31 =	smov.u32 s4;
	s5 =	sand.u32 $0x7800, s0  }
0x2fa: {  	s5 =	sor.u32 s26, s5  }
0x2fb: {  	[tilespmem:s5+$0xD620] =	vst v6  }
0x2fc: {  	v6 =	vld [tilespmem:s3+$0x0];
	_ =	sdelay $0x1  }
.Ltmp18:
0x2fd: {  	(pc) =	sbr.rel @p1 .LBB2_38-.Ltmp18, $3  }
0x2fe: {  	_ =	sdelay $0x1  }
0x2ff: {  	s3 =	sadd.s32 $0x80, s3;
	[tilespmem:s5+$0xD630] =	vst v6  }
0x300: {  	s4 =	sadd.s32 $0x80, s4;
	v6 =	vld [tilespmem:s3+$0xFFFFFFF0]  }
0x301: {  	_ = 	snop  }
0x302: {  	s0 =	sadd.s32 $0x100, s0  }
0x303: {  	s4 =	sand.u32 $0x380, s31;
	s0 =	sand.u32 $0x7800, s0  }
0x304: {  	s0 =	sor.u32 s4, s0  }
0x305: {  	[tilespmem:s0+$0xD620] =	vst v6  }
0x306: {  	v6 =	vld [tilespmem:s3+$0x0];
	_ =	sdelay $0x4  }
0x307: {  	[tilespmem:s0+$0xD630] =	vst v6  }
0x308: {  	[tilespmem:s20], [sflag:$0x1] =	stream.indirect.gather [spmem:s1], $0x80, s25, s17, $0xb8;
	[tilespmem:$0x1D5C0] =	vst v63  }
0x309: {  	_ =	swait.ge [sflag:s21], $0x4000  }
0x30a: {  	[sflag:s21] =	ssyncset.done $0x0  }
0x30b: {  	s3 =	simm.s32 $0x55D0;
	[sflag:s21] =	ssyncadd.s32 $0xFFFFC000  }
0x30c: {  	v6 =	vld [tilespmem:s3+$0xFFFFFFF0];
	_ =	sdelay $0x1  }
0x30d: {  	s0 =	simm.s32 $0x0  }
0x30e: {  	s26 =	sand.u32 $0x7800, s0;
	s5 =	sand.u32 $0x380, s0  }
0x30f: {  	s4 =	sor.u32 s5, s26  }
0x310: {  	[tilespmem:s4+$0xD9C0] =	vst v6  }
0x311: {  	v6 =	vld [tilespmem:s3+$0x0];
	_ =	sdelay $0x4  }
0x312: {  	s3 =	simm.s32 $0x5650;
	[tilespmem:s4+$0xD9D0] =	vst v6  }
0x313: {  	s31 =	simm.s32 $0x80;
	s4 =	simm.s32 $0x100;
	v6 =	vld [tilespmem:s3+$0xFFFFFFF0]  }
.LBB2_40:
0x314: {  	p1 =	sne.s32 s4, $0x3F80  }
0x315: {  	s0 =	sadd.s32 $0x100, s0  }
0x316: {  	s26 =	sand.u32 $0x380, s31;
	s31 =	smov.u32 s4;
	s5 =	sand.u32 $0x7800, s0  }
0x317: {  	s5 =	sor.u32 s26, s5  }
0x318: {  	[tilespmem:s5+$0xD9C0] =	vst v6  }
0x319: {  	v6 =	vld [tilespmem:s3+$0x0];
	_ =	sdelay $0x1  }
.Ltmp19:
0x31a: {  	(pc) =	sbr.rel @p1 .LBB2_40-.Ltmp19, $3  }
0x31b: {  	_ =	sdelay $0x1  }
0x31c: {  	s3 =	sadd.s32 $0x80, s3;
	[tilespmem:s5+$0xD9D0] =	vst v6  }
0x31d: {  	s4 =	sadd.s32 $0x80, s4;
	v6 =	vld [tilespmem:s3+$0xFFFFFFF0]  }
0x31e: {  	_ = 	snop  }
0x31f: {  	s0 =	sadd.s32 $0x100, s0  }
0x320: {  	s4 =	sand.u32 $0x380, s31;
	s0 =	sand.u32 $0x7800, s0  }
0x321: {  	s0 =	sor.u32 s4, s0  }
0x322: {  	[tilespmem:s0+$0xD9C0] =	vst v6  }
0x323: {  	v6 =	vld [tilespmem:s3+$0x0];
	_ =	sdelay $0x4  }
0x324: {  	[tilespmem:s0+$0xD9D0] =	vst v6  }
0x325: {  	_ =	swait.ge [sflag:s21], $0x4000  }
0x326: {  	[sflag:s21] =	ssyncset.done $0x0  }
0x327: {  	s3 =	simm.s32 $0x95D0;
	[sflag:s21] =	ssyncadd.s32 $0xFFFFC000  }
0x328: {  	v6 =	vld [tilespmem:s3+$0xFFFFFFF0];
	_ =	sdelay $0x1  }
0x329: {  	s0 =	simm.s32 $0x0  }
0x32a: {  	s26 =	sand.u32 $0x7800, s0;
	s5 =	sand.u32 $0x380, s0  }
0x32b: {  	s4 =	sor.u32 s5, s26  }
0x32c: {  	[tilespmem:s4+$0xD9E0] =	vst v6  }
0x32d: {  	v6 =	vld [tilespmem:s3+$0x0];
	_ =	sdelay $0x4  }
0x32e: {  	s3 =	simm.s32 $0x9650;
	[tilespmem:s4+$0xD9F0] =	vst v6  }
0x32f: {  	s31 =	simm.s32 $0x80;
	s4 =	simm.s32 $0x100;
	v6 =	vld [tilespmem:s3+$0xFFFFFFF0]  }
.LBB2_42:
0x330: {  	p1 =	sne.s32 s4, $0x3F80  }
0x331: {  	s0 =	sadd.s32 $0x100, s0  }
0x332: {  	s26 =	sand.u32 $0x380, s31;
	s31 =	smov.u32 s4;
	s5 =	sand.u32 $0x7800, s0  }
0x333: {  	s5 =	sor.u32 s26, s5  }
0x334: {  	[tilespmem:s5+$0xD9E0] =	vst v6  }
0x335: {  	v6 =	vld [tilespmem:s3+$0x0];
	_ =	sdelay $0x1  }
.Ltmp20:
0x336: {  	(pc) =	sbr.rel @p1 .LBB2_42-.Ltmp20, $3  }
0x337: {  	_ =	sdelay $0x1  }
0x338: {  	s3 =	sadd.s32 $0x80, s3;
	[tilespmem:s5+$0xD9F0] =	vst v6  }
0x339: {  	s4 =	sadd.s32 $0x80, s4;
	v6 =	vld [tilespmem:s3+$0xFFFFFFF0]  }
0x33a: {  	_ = 	snop  }
0x33b: {  	s0 =	sadd.s32 $0x100, s0  }
0x33c: {  	s4 =	sand.u32 $0x380, s31;
	s0 =	sand.u32 $0x7800, s0  }
0x33d: {  	s0 =	sor.u32 s4, s0  }
0x33e: {  	[tilespmem:s0+$0xD9E0] =	vst v6  }
0x33f: {  	v6 =	vld [tilespmem:s3+$0x0];
	_ =	sdelay $0x4  }
0x340: {  	s5 =	simm.s32 $0x0;
	s26 =	simm.s32 $0xD5C0;
	[tilespmem:s0+$0xD9F0] =	vst v6  }
0x341: {  	[hbm4b:s9+s5] =	stream.linear.scatter [tilespmem:s26], [sflag:$0x2], $0x8000, $0x38;
	[tilespmem:$0x1D5C0] =	vst v63  }
0x342: {  	_ =	swait.ge [sflag:s29], $0x8000  }
0x343: {  	v6 =	vor.u32 s5, v0;
	[sflag:s29] =	ssyncset.done $0x0  }
0x344: {  	v7 =	vshll.u32 v6, $0x7;
	[sflag:s29] =	ssyncadd.s32 $0xFFFF8000  }
0x345: {  	[tilespmem:s14], [sflag:$0x3] =	stream.linear.gather [hbm4b:s10+s5], $0x4000, $0x38;
	[tilespmem:$0x1D5C0] =	vst v63  }
0x346: {  	_ =	swait.ge [sflag:s15], $0x4000  }
0x347: {  	[sflag:s15] =	ssyncset.done $0x0  }
0x348: {  	[sflag:s15] =	ssyncadd.s32 $0xFFFFC000  }
0x349: {  	v8 =	vld.idx.msk [tilespmem:v7+s14+$0x0], $0xffff  }
0x34a: {  	v9 =	vor.u32 $0x1, v7;
	_ =	sdelay $0x3  }
0x34b: {  	[tilespmem:v6+s16+$0x0] =	vst.idx.msk $0xffff, v8  }
0x34c: {  	v6 =	vld.idx.msk [tilespmem:v9+s14+$0x0], $0xffff  }
0x34d: {  	v8 =	vor.u32 s5, v1  }
0x34e: {  	v9 =	vor.u32 $0x2, v7;
	_ =	sdelay $0x2  }
0x34f: {  	v6 =	vadd.s32 $0x64, v6  }
0x350: {  	[tilespmem:v8+s16+$0x0] =	vst.idx.msk $0xffff, v6  }
0x351: {  	v6 =	vld.idx.msk [tilespmem:v9+s14+$0x0], $0xffff  }
0x352: {  	v8 =	vor.u32 s5, v2  }
0x353: {  	v9 =	vor.u32 $0x3, v7;
	_ =	sdelay $0x2  }
0x354: {  	v6 =	vadd.s32 $0xC8, v6  }
0x355: {  	[tilespmem:v8+s16+$0x0] =	vst.idx.msk $0xffff, v6  }
0x356: {  	v6 =	vld.idx.msk [tilespmem:v9+s14+$0x0], $0xffff  }
0x357: {  	v8 =	vor.u32 s5, v3  }
0x358: {  	v9 =	vor.u32 $0x4, v7;
	_ =	sdelay $0x2  }
0x359: {  	v6 =	vadd.s32 $0x12C, v6  }
0x35a: {  	[tilespmem:v8+s16+$0x0] =	vst.idx.msk $0xffff, v6  }
0x35b: {  	v6 =	vld.idx.msk [tilespmem:v9+s14+$0x0], $0xffff  }
0x35c: {  	v8 =	vor.u32 s5, v4  }
0x35d: {  	v7 =	vor.u32 $0x5, v7;
	_ =	sdelay $0x2  }
0x35e: {  	v6 =	vadd.s32 $0x190, v6  }
0x35f: {  	[tilespmem:v8+s16+$0x0] =	vst.idx.msk $0xffff, v6  }
0x360: {  	s31 =	simm.s32 $0x10;
	v9 =	vld.idx.msk [tilespmem:v7+s14+$0x0], $0xffff  }
0x361: {  	v8 =	vor.u32 s5, v5;
	v7 =	vor.u32 s31, v0  }
0x362: {  	v6 =	vshll.u32 v7, $0x7;
	_ =	sdelay $0x2  }
0x363: {  	s0 =	simm.s32 $0x20;
	v9 =	vadd.s32 $0x1F4, v9  }
.LBB2_44:
0x364: {  	p1 =	sne.s32 s0, $0x70;
	[tilespmem:v8+s16+$0x0] =	vst.idx.msk $0xffff, v9;
	s3 =	smov.u32 s0;
	s0 =	sadd.s32 $0x10, s0  }
0x365: {  	v8 =	vld.idx.msk [tilespmem:v6+s14+$0x0], $0xffff;
	_ =	sdelay $0x1  }
0x366: {  	v9 =	vor.u32 $0x1, v6;
	_ =	sdelay $0x3  }
0x367: {  	[tilespmem:v7+s16+$0x0] =	vst.idx.msk $0xffff, v8  }
0x368: {  	v7 =	vld.idx.msk [tilespmem:v9+s14+$0x0], $0xffff;
	_ =	sdelay $0x1  }
0x369: {  	v8 =	vor.u32 s31, v1  }
0x36a: {  	v9 =	vor.u32 $0x2, v6;
	_ =	sdelay $0x2  }
0x36b: {  	v7 =	vadd.s32 $0x64, v7  }
0x36c: {  	[tilespmem:v8+s16+$0x0] =	vst.idx.msk $0xffff, v7  }
0x36d: {  	v7 =	vld.idx.msk [tilespmem:v9+s14+$0x0], $0xffff;
	_ =	sdelay $0x1  }
0x36e: {  	v8 =	vor.u32 s31, v2  }
0x36f: {  	v9 =	vor.u32 $0x3, v6;
	_ =	sdelay $0x2  }
0x370: {  	v7 =	vadd.s32 $0xC8, v7  }
0x371: {  	[tilespmem:v8+s16+$0x0] =	vst.idx.msk $0xffff, v7  }
0x372: {  	v7 =	vld.idx.msk [tilespmem:v9+s14+$0x0], $0xffff;
	_ =	sdelay $0x1  }
0x373: {  	v8 =	vor.u32 s31, v3  }
0x374: {  	v9 =	vor.u32 $0x4, v6;
	_ =	sdelay $0x2  }
0x375: {  	v7 =	vadd.s32 $0x12C, v7  }
0x376: {  	[tilespmem:v8+s16+$0x0] =	vst.idx.msk $0xffff, v7  }
0x377: {  	v7 =	vld.idx.msk [tilespmem:v9+s14+$0x0], $0xffff;
	_ =	sdelay $0x1  }
0x378: {  	v8 =	vor.u32 s31, v4  }
0x379: {  	v6 =	vor.u32 $0x5, v6;
	_ =	sdelay $0x2  }
0x37a: {  	v7 =	vadd.s32 $0x190, v7  }
0x37b: {  	[tilespmem:v8+s16+$0x0] =	vst.idx.msk $0xffff, v7  }
0x37c: {  	v9 =	vld.idx.msk [tilespmem:v6+s14+$0x0], $0xffff;
	_ =	sdelay $0x1  }
.Ltmp21:
0x37d: {  	v7 =	vor.u32 s3, v0;
	v8 =	vor.u32 s31, v5;
	s31 =	smov.u32 s3;
	(pc) =	sbr.rel @p1 .LBB2_44-.Ltmp21, $2  }
0x37e: {  	v6 =	vshll.u32 v7, $0x7;
	_ =	sdelay $0x2  }
0x37f: {  	v9 =	vadd.s32 $0x1F4, v9  }
0x380: {  	_ =	sdelay $0x3  }
0x381: {  	[tilespmem:v8+s16+$0x0] =	vst.idx.msk $0xffff, v9  }
0x382: {  	v8 =	vld.idx.msk [tilespmem:v6+s14+$0x0], $0xffff  }
0x383: {  	v60 =	vor.u32 $0x1, v6;
	_ =	sdelay $0x3  }
0x384: {  	[tilespmem:v7+s16+$0x0] =	vst.idx.msk $0xffff, v8  }
0x385: {  	v7 =	vld.idx.msk [tilespmem:v60+s14+$0x0], $0xffff  }
0x386: {  	v8 =	vor.u32 s31, v1  }
0x387: {  	v61 =	vor.u32 $0x2, v6;
	_ =	sdelay $0x2  }
0x388: {  	v7 =	vadd.s32 $0x64, v7  }
0x389: {  	[tilespmem:v8+s16+$0x0] =	vst.idx.msk $0xffff, v7  }
0x38a: {  	v7 =	vld.idx.msk [tilespmem:v61+s14+$0x0], $0xffff  }
0x38b: {  	v8 =	vor.u32 s31, v2  }
0x38c: {  	v62 =	vor.u32 $0x3, v6;
	_ =	sdelay $0x2  }
0x38d: {  	v7 =	vadd.s32 $0xC8, v7  }
0x38e: {  	[tilespmem:v8+s16+$0x0] =	vst.idx.msk $0xffff, v7  }
0x38f: {  	v7 =	vld.idx.msk [tilespmem:v62+s14+$0x0], $0xffff  }
0x390: {  	v8 =	vor.u32 s31, v3  }
0x391: {  	v63 =	vor.u32 $0x4, v6;
	_ =	sdelay $0x2  }
0x392: {  	v7 =	vadd.s32 $0x12C, v7  }
0x393: {  	[tilespmem:v8+s16+$0x0] =	vst.idx.msk $0xffff, v7  }
0x394: {  	v7 =	vld.idx.msk [tilespmem:v63+s14+$0x0], $0xffff  }
0x395: {  	v8 =	vor.u32 s31, v4  }
0x396: {  	v6 =	vor.u32 $0x5, v6;
	_ =	sdelay $0x2  }
0x397: {  	v7 =	vadd.s32 $0x190, v7  }
0x398: {  	[tilespmem:v8+s16+$0x0] =	vst.idx.msk $0xffff, v7  }
0x399: {  	v6 =	vld.idx.msk [tilespmem:v6+s14+$0x0], $0xffff  }
0x39a: {  	v7 =	vor.u32 s31, v5;
	_ =	sdelay $0x3  }
0x39b: {  	v6 =	vadd.s32 $0x1F4, v6  }
0x39c: {  	[tilespmem:v7+s16+$0x0] =	vst.idx.msk $0xffff, v6  }
0x39d: {  	[tilespmem:s18], [sflag:$0x1] =	stream.indirect.gather [spmem:s1], $0x80, s16, s17, $0xb8;
	[tilespmem:$0x1D5C0] =	vst v63  }
0x39e: {  	_ = 	snop  }
0x39f: {  	[tilespmem:s20], [sflag:$0x1] =	stream.indirect.gather [spmem:s1], $0x80, s19, s17, $0xb8;
	[tilespmem:$0x1D5C0] =	vst v63  }
0x3a0: {  	_ =	swait.ge [sflag:s21], $0x4000  }
0x3a1: {  	[sflag:s21] =	ssyncset.done $0x0  }
0x3a2: {  	s3 =	simm.s32 $0x55D0;
	[sflag:s21] =	ssyncadd.s32 $0xFFFFC000  }
0x3a3: {  	v6 =	vld [tilespmem:s3+$0xFFFFFFF0];
	_ =	sdelay $0x1  }
0x3a4: {  	s0 =	simm.s32 $0x0  }
0x3a5: {  	s4 =	sand.u32 $0x7800, s0;
	s5 =	sand.u32 $0x380, s0  }
0x3a6: {  	s4 =	sor.u32 s5, s4  }
0x3a7: {  	[tilespmem:s4+$0x155C0] =	vst v6  }
0x3a8: {  	v6 =	vld [tilespmem:s3+$0x0];
	_ =	sdelay $0x3  }
0x3a9: {  	s26 =	sadd.s32 $0x155C0, s4  }
0x3aa: {  	s3 =	simm.s32 $0x5650;
	[tilespmem:s26+$0x10] =	vst v6  }
0x3ab: {  	s31 =	simm.s32 $0x80;
	s4 =	simm.s32 $0x100;
	v6 =	vld [tilespmem:s3+$0xFFFFFFF0]  }
.LBB2_46:
0x3ac: {  	p1 =	sne.s32 s4, $0x3F80  }
0x3ad: {  	s0 =	sadd.s32 $0x100, s0  }
0x3ae: {  	s26 =	sand.u32 $0x380, s31;
	s31 =	smov.u32 s4;
	s5 =	sand.u32 $0x7800, s0  }
0x3af: {  	s5 =	sor.u32 s26, s5  }
0x3b0: {  	[tilespmem:s5+$0x155C0] =	vst v6  }
0x3b1: {  	v6 =	vld [tilespmem:s3+$0x0];
	_ =	sdelay $0x1  }
.Ltmp22:
0x3b2: {  	(pc) =	sbr.rel @p1 .LBB2_46-.Ltmp22, $4  }
0x3b3: {  	_ = 	snop  }
0x3b4: {  	s5 =	sadd.s32 $0x155C0, s5  }
0x3b5: {  	s3 =	sadd.s32 $0x80, s3;
	[tilespmem:s5+$0x10] =	vst v6  }
0x3b6: {  	s4 =	sadd.s32 $0x80, s4;
	v6 =	vld [tilespmem:s3+$0xFFFFFFF0]  }
0x3b7: {  	_ = 	snop  }
0x3b8: {  	s0 =	sadd.s32 $0x100, s0  }
0x3b9: {  	s4 =	sand.u32 $0x380, s31;
	s0 =	sand.u32 $0x7800, s0  }
0x3ba: {  	s0 =	sor.u32 s4, s0  }
0x3bb: {  	[tilespmem:s0+$0x155C0] =	vst v6  }
0x3bc: {  	v6 =	vld [tilespmem:s3+$0x0];
	_ =	sdelay $0x3  }
0x3bd: {  	s0 =	sadd.s32 $0x155C0, s0  }
0x3be: {  	[tilespmem:s0+$0x10] =	vst v6  }
0x3bf: {  	[tilespmem:s18], [sflag:$0x1] =	stream.indirect.gather [spmem:s1], $0x80, s22, s17, $0xb8;
	[tilespmem:$0x1D5C0] =	vst v63  }
0x3c0: {  	_ =	swait.ge [sflag:s21], $0x4000  }
0x3c1: {  	[sflag:s21] =	ssyncset.done $0x0  }
0x3c2: {  	s3 =	simm.s32 $0x95D0;
	[sflag:s21] =	ssyncadd.s32 $0xFFFFC000  }
0x3c3: {  	v6 =	vld [tilespmem:s3+$0xFFFFFFF0]  }
0x3c4: {  	s0 =	simm.s32 $0x0  }
0x3c5: {  	s26 =	sand.u32 $0x7800, s0;
	s5 =	sand.u32 $0x380, s0  }
0x3c6: {  	s4 =	sor.u32 s5, s26  }
0x3c7: {  	s4 =	sadd.s32 $0x155C0, s4  }
0x3c8: {  	[tilespmem:s4+$0x20] =	vst v6  }
0x3c9: {  	v6 =	vld [tilespmem:s3+$0x0];
	_ =	sdelay $0x4  }
0x3ca: {  	s3 =	simm.s32 $0x9650;
	[tilespmem:s4+$0x30] =	vst v6  }
0x3cb: {  	s31 =	simm.s32 $0x80;
	s4 =	simm.s32 $0x100;
	v6 =	vld [tilespmem:s3+$0xFFFFFFF0]  }
.LBB2_48:
0x3cc: {  	p1 =	sne.s32 s4, $0x3F80;
	s0 =	sadd.s32 $0x100, s0  }
0x3cd: {  	s26 =	sand.u32 $0x380, s31;
	s31 =	smov.u32 s4;
	s5 =	sand.u32 $0x7800, s0  }
0x3ce: {  	s5 =	sor.u32 s26, s5  }
0x3cf: {  	s5 =	sadd.s32 $0x155C0, s5  }
0x3d0: {  	[tilespmem:s5+$0x20] =	vst v6  }
0x3d1: {  	v6 =	vld [tilespmem:s3+$0x0];
	_ =	sdelay $0x1  }
.Ltmp23:
0x3d2: {  	(pc) =	sbr.rel @p1 .LBB2_48-.Ltmp23, $3  }
0x3d3: {  	_ =	sdelay $0x1  }
0x3d4: {  	s3 =	sadd.s32 $0x80, s3;
	[tilespmem:s5+$0x30] =	vst v6  }
0x3d5: {  	s4 =	sadd.s32 $0x80, s4;
	v6 =	vld [tilespmem:s3+$0xFFFFFFF0]  }
0x3d6: {  	s0 =	sadd.s32 $0x100, s0  }
0x3d7: {  	s4 =	sand.u32 $0x380, s31;
	s0 =	sand.u32 $0x7800, s0  }
0x3d8: {  	s0 =	sor.u32 s4, s0  }
0x3d9: {  	s0 =	sadd.s32 $0x155C0, s0  }
0x3da: {  	[tilespmem:s0+$0x20] =	vst v6  }
0x3db: {  	v6 =	vld [tilespmem:s3+$0x0];
	_ =	sdelay $0x4  }
0x3dc: {  	[tilespmem:s0+$0x30] =	vst v6  }
0x3dd: {  	[tilespmem:s20], [sflag:$0x1] =	stream.indirect.gather [spmem:s1], $0x80, s23, s17, $0xb8;
	[tilespmem:$0x1D5C0] =	vst v63  }
0x3de: {  	_ =	swait.ge [sflag:s21], $0x4000  }
0x3df: {  	[sflag:s21] =	ssyncset.done $0x0  }
0x3e0: {  	s3 =	simm.s32 $0x55D0;
	[sflag:s21] =	ssyncadd.s32 $0xFFFFC000  }
0x3e1: {  	v6 =	vld [tilespmem:s3+$0xFFFFFFF0]  }
0x3e2: {  	s0 =	simm.s32 $0x0  }
0x3e3: {  	s26 =	sand.u32 $0x7800, s0;
	s5 =	sand.u32 $0x380, s0  }
0x3e4: {  	s4 =	sor.u32 s5, s26  }
0x3e5: {  	s4 =	sadd.s32 $0x155C0, s4  }
0x3e6: {  	[tilespmem:s4+$0x40] =	vst v6  }
0x3e7: {  	v6 =	vld [tilespmem:s3+$0x0];
	_ =	sdelay $0x4  }
0x3e8: {  	s3 =	simm.s32 $0x5650;
	[tilespmem:s4+$0x50] =	vst v6  }
0x3e9: {  	s31 =	simm.s32 $0x80;
	s4 =	simm.s32 $0x100;
	v6 =	vld [tilespmem:s3+$0xFFFFFFF0]  }
.LBB2_50:
0x3ea: {  	p1 =	sne.s32 s4, $0x3F80;
	s0 =	sadd.s32 $0x100, s0  }
0x3eb: {  	s26 =	sand.u32 $0x380, s31;
	s31 =	smov.u32 s4;
	s5 =	sand.u32 $0x7800, s0  }
0x3ec: {  	s5 =	sor.u32 s26, s5  }
0x3ed: {  	s5 =	sadd.s32 $0x155C0, s5  }
0x3ee: {  	[tilespmem:s5+$0x40] =	vst v6  }
0x3ef: {  	v6 =	vld [tilespmem:s3+$0x0];
	_ =	sdelay $0x1  }
.Ltmp24:
0x3f0: {  	(pc) =	sbr.rel @p1 .LBB2_50-.Ltmp24, $3  }
0x3f1: {  	_ =	sdelay $0x1  }
0x3f2: {  	s3 =	sadd.s32 $0x80, s3;
	[tilespmem:s5+$0x50] =	vst v6  }
0x3f3: {  	s4 =	sadd.s32 $0x80, s4;
	v6 =	vld [tilespmem:s3+$0xFFFFFFF0]  }
0x3f4: {  	s0 =	sadd.s32 $0x100, s0  }
0x3f5: {  	s4 =	sand.u32 $0x380, s31;
	s0 =	sand.u32 $0x7800, s0  }
0x3f6: {  	s0 =	sor.u32 s4, s0  }
0x3f7: {  	s0 =	sadd.s32 $0x155C0, s0  }
0x3f8: {  	[tilespmem:s0+$0x40] =	vst v6  }
0x3f9: {  	v6 =	vld [tilespmem:s3+$0x0];
	_ =	sdelay $0x4  }
0x3fa: {  	[tilespmem:s0+$0x50] =	vst v6  }
0x3fb: {  	[tilespmem:s18], [sflag:$0x1] =	stream.indirect.gather [spmem:s1], $0x80, s24, s17, $0xb8;
	[tilespmem:$0x1D5C0] =	vst v63  }
0x3fc: {  	_ =	swait.ge [sflag:s21], $0x4000  }
0x3fd: {  	[sflag:s21] =	ssyncset.done $0x0  }
0x3fe: {  	s3 =	simm.s32 $0x95D0;
	[sflag:s21] =	ssyncadd.s32 $0xFFFFC000  }
0x3ff: {  	v6 =	vld [tilespmem:s3+$0xFFFFFFF0]  }
0x400: {  	s0 =	simm.s32 $0x0  }
0x401: {  	s26 =	sand.u32 $0x7800, s0;
	s5 =	sand.u32 $0x380, s0  }
0x402: {  	s4 =	sor.u32 s5, s26  }
0x403: {  	s4 =	sadd.s32 $0x155C0, s4  }
0x404: {  	[tilespmem:s4+$0x60] =	vst v6  }
0x405: {  	v6 =	vld [tilespmem:s3+$0x0];
	_ =	sdelay $0x4  }
0x406: {  	s3 =	simm.s32 $0x9650;
	[tilespmem:s4+$0x70] =	vst v6  }
0x407: {  	s31 =	simm.s32 $0x80;
	s4 =	simm.s32 $0x100;
	v6 =	vld [tilespmem:s3+$0xFFFFFFF0]  }
.LBB2_52:
0x408: {  	p1 =	sne.s32 s4, $0x3F80;
	s0 =	sadd.s32 $0x100, s0  }
0x409: {  	s26 =	sand.u32 $0x380, s31;
	s31 =	smov.u32 s4;
	s5 =	sand.u32 $0x7800, s0  }
0x40a: {  	s5 =	sor.u32 s26, s5  }
0x40b: {  	s5 =	sadd.s32 $0x155C0, s5  }
0x40c: {  	[tilespmem:s5+$0x60] =	vst v6  }
0x40d: {  	v6 =	vld [tilespmem:s3+$0x0];
	_ =	sdelay $0x1  }
.Ltmp25:
0x40e: {  	(pc) =	sbr.rel @p1 .LBB2_52-.Ltmp25, $3  }
0x40f: {  	_ =	sdelay $0x1  }
0x410: {  	s3 =	sadd.s32 $0x80, s3;
	[tilespmem:s5+$0x70] =	vst v6  }
0x411: {  	s4 =	sadd.s32 $0x80, s4;
	v6 =	vld [tilespmem:s3+$0xFFFFFFF0]  }
0x412: {  	s0 =	sadd.s32 $0x100, s0  }
0x413: {  	s4 =	sand.u32 $0x380, s31;
	s0 =	sand.u32 $0x7800, s0  }
0x414: {  	s0 =	sor.u32 s4, s0  }
0x415: {  	s0 =	sadd.s32 $0x155C0, s0  }
0x416: {  	[tilespmem:s0+$0x60] =	vst v6  }
0x417: {  	v6 =	vld [tilespmem:s3+$0x0];
	_ =	sdelay $0x4  }
0x418: {  	[tilespmem:s0+$0x70] =	vst v6  }
0x419: {  	[tilespmem:s20], [sflag:$0x1] =	stream.indirect.gather [spmem:s1], $0x80, s25, s17, $0xb8;
	[tilespmem:$0x1D5C0] =	vst v63  }
0x41a: {  	_ =	swait.ge [sflag:s21], $0x4000  }
0x41b: {  	[sflag:s21] =	ssyncset.done $0x0  }
0x41c: {  	s3 =	simm.s32 $0x55D0;
	[sflag:s21] =	ssyncadd.s32 $0xFFFFC000  }
0x41d: {  	v6 =	vld [tilespmem:s3+$0xFFFFFFF0]  }
0x41e: {  	s0 =	simm.s32 $0x0  }
0x41f: {  	s26 =	sand.u32 $0x7800, s0;
	s5 =	sand.u32 $0x380, s0  }
0x420: {  	s4 =	sor.u32 s5, s26  }
0x421: {  	s4 =	sadd.s32 $0x155C0, s4  }
0x422: {  	[tilespmem:s4+$0x400] =	vst v6  }
0x423: {  	v6 =	vld [tilespmem:s3+$0x0];
	_ =	sdelay $0x4  }
0x424: {  	s3 =	simm.s32 $0x5650;
	[tilespmem:s4+$0x410] =	vst v6  }
0x425: {  	s31 =	simm.s32 $0x80;
	s4 =	simm.s32 $0x100;
	v6 =	vld [tilespmem:s3+$0xFFFFFFF0]  }
.LBB2_54:
0x426: {  	p1 =	sne.s32 s4, $0x3F80;
	s0 =	sadd.s32 $0x100, s0  }
0x427: {  	s26 =	sand.u32 $0x380, s31;
	s31 =	smov.u32 s4;
	s5 =	sand.u32 $0x7800, s0  }
0x428: {  	s5 =	sor.u32 s26, s5  }
0x429: {  	s5 =	sadd.s32 $0x155C0, s5  }
0x42a: {  	[tilespmem:s5+$0x400] =	vst v6  }
0x42b: {  	v6 =	vld [tilespmem:s3+$0x0];
	_ =	sdelay $0x1  }
.Ltmp26:
0x42c: {  	(pc) =	sbr.rel @p1 .LBB2_54-.Ltmp26, $3  }
0x42d: {  	_ =	sdelay $0x1  }
0x42e: {  	s3 =	sadd.s32 $0x80, s3;
	[tilespmem:s5+$0x410] =	vst v6  }
0x42f: {  	s4 =	sadd.s32 $0x80, s4;
	v6 =	vld [tilespmem:s3+$0xFFFFFFF0]  }
0x430: {  	s0 =	sadd.s32 $0x100, s0  }
0x431: {  	s4 =	sand.u32 $0x380, s31;
	s0 =	sand.u32 $0x7800, s0  }
0x432: {  	s0 =	sor.u32 s4, s0  }
0x433: {  	s0 =	sadd.s32 $0x155C0, s0  }
0x434: {  	[tilespmem:s0+$0x400] =	vst v6  }
0x435: {  	v6 =	vld [tilespmem:s3+$0x0];
	_ =	sdelay $0x4  }
0x436: {  	[tilespmem:s0+$0x410] =	vst v6  }
0x437: {  	_ =	swait.ge [sflag:s21], $0x4000  }
0x438: {  	[sflag:s21] =	ssyncset.done $0x0  }
0x439: {  	s3 =	simm.s32 $0x95D0;
	[sflag:s21] =	ssyncadd.s32 $0xFFFFC000  }
0x43a: {  	v6 =	vld [tilespmem:s3+$0xFFFFFFF0]  }
0x43b: {  	s0 =	simm.s32 $0x0  }
0x43c: {  	s26 =	sand.u32 $0x7800, s0;
	s5 =	sand.u32 $0x380, s0  }
0x43d: {  	s4 =	sor.u32 s5, s26  }
0x43e: {  	s4 =	sadd.s32 $0x155C0, s4  }
0x43f: {  	[tilespmem:s4+$0x420] =	vst v6  }
0x440: {  	v6 =	vld [tilespmem:s3+$0x0];
	_ =	sdelay $0x4  }
0x441: {  	s3 =	simm.s32 $0x9650;
	[tilespmem:s4+$0x430] =	vst v6  }
0x442: {  	s31 =	simm.s32 $0x80;
	s4 =	simm.s32 $0x100;
	v6 =	vld [tilespmem:s3+$0xFFFFFFF0]  }
.LBB2_56:
0x443: {  	p1 =	sne.s32 s4, $0x3F80;
	s0 =	sadd.s32 $0x100, s0  }
0x444: {  	s26 =	sand.u32 $0x380, s31;
	s31 =	smov.u32 s4;
	s5 =	sand.u32 $0x7800, s0  }
0x445: {  	s5 =	sor.u32 s26, s5  }
0x446: {  	s5 =	sadd.s32 $0x155C0, s5  }
0x447: {  	[tilespmem:s5+$0x420] =	vst v6  }
0x448: {  	v6 =	vld [tilespmem:s3+$0x0];
	_ =	sdelay $0x1  }
.Ltmp27:
0x449: {  	(pc) =	sbr.rel @p1 .LBB2_56-.Ltmp27, $3  }
0x44a: {  	_ =	sdelay $0x1  }
0x44b: {  	s3 =	sadd.s32 $0x80, s3;
	[tilespmem:s5+$0x430] =	vst v6  }
0x44c: {  	s4 =	sadd.s32 $0x80, s4;
	v6 =	vld [tilespmem:s3+$0xFFFFFFF0]  }
0x44d: {  	s0 =	sadd.s32 $0x100, s0  }
0x44e: {  	s4 =	sand.u32 $0x380, s31;
	s0 =	sand.u32 $0x7800, s0  }
0x44f: {  	s0 =	sor.u32 s4, s0  }
0x450: {  	s0 =	sadd.s32 $0x155C0, s0  }
0x451: {  	[tilespmem:s0+$0x420] =	vst v6  }
0x452: {  	v6 =	vld [tilespmem:s3+$0x0];
	_ =	sdelay $0x4  }
0x453: {  	s30 =	sadd.s32 $0x1, s30;
	[tilespmem:s0+$0x430] =	vst v6  }
0x454: {  	[hbm4b:s11+s2] =	stream.linear.scatter [tilespmem:s28], [sflag:$0x2], $0x8000, $0x38;
	[tilespmem:$0x1D5C0] =	vst v63  }
0x455: {  	p1 =	sne.s32 s30, s12;
	_ =	swait.ge [sflag:s29], $0x8000  }
.Ltmp28:
0x456: {  	[sflag:s29] =	ssyncset.done $0x0;
	(pc) =	sbr.rel @p1 .LBB2_1-.Ltmp28, $4  }
0x457: {  	[sflag:s29] =	ssyncadd.s32 $0xFFFF8000  }
0x458: {  	_ =	swait.ge [sflag:s29], $0x8000  }
0x459: {  	[sflag:s29] =	ssyncset.done $0x0  }
0x45a: {  	[sflag:s29] =	ssyncadd.s32 $0xFFFF8000  }
0x45b: {  	_ =	sfence.sel $0x180000  }
0x45c: {  	[bflag:$0x0] =	sbarrier.arrive $0xFFFF  }
0x45d: {  	_ =	strace $0x90000047  }
0x45e: {  	[bflag:$0x2] =	sbarrier.arrive $0xFFFF  }
0x45f: {  	s0 =	rddreg [dreg:$0x3]  }
0x460: {  	s0 =	sadd.s32 @!p0 $0x100000, s0  }
0x461: {  	[sflag:s0] =	ssyncadd.tile.s32 @!p0 $0x1;
	_ =	shalt  }
.Lfunc_end2:
_tile_overlayer_lowered:
.L_overlay_start_2:
0x462: {  	(tag) =	ssettag $0x2  }
0x463: {  	s0 =	rddreg [dreg:$0x0];
	s2 =	stileid.u32  }
0x464: {  	s1 =	rddreg [dreg:$0x1];
	p0 =	sne.s32 s2, $0x0  }
0x465: {  	s3 =	rddreg [dreg:$0x2];
	[bflag:$0x3] =	sbarrier.arrive $0xFFFF;
	s2 =	simm.s32 @!p0 $0x1C03  }
0x466: {  	[timem:s3], [sflag:s2] =	dma.local @!p0 [hbm:s0], s1  }
0x467: {  	s0 =	simm.s32 @!p0 $0x3  }
0x468: {  	_ =	swait.ge @!p0 [sflag:s0], s1  }
0x469: {  	s1 =	ssub.s32 @!p0 $0x0, s1;
	[sflag:s0] =	ssyncset.done @!p0 $0x0  }
0x46a: {  	[sflag:s0] =	ssyncadd.s32 @!p0 s1  }
0x46b: {  	[bflag:$0x3] =	sbarrier.arrive $0xFFFF  }
0x46c: {  	_ =	shalt  }

</sc_bundles>
